<compile_context>
chip_gen: v7x
topology: tpu7x:2x2x1
jax: 0.10.2.dev20260603
libtpu: 0.0.44.dev20260713+nightly
codegen_flags: <defaults>
</compile_context>

<pallas_src>
import jax
import jax.numpy as jnp
from jax import lax
from jax.experimental import pallas as pl
from jax.experimental.pallas import tpu as pltpu
from jax.experimental.pallas import tpu_sc as plsc

_B, _C, _H, _W = 2, 96, 64, 64
_HW = _H * _W
_K = 19
_OH, _OW = 512, 512
_ROWS = 8
_L = 16


def _tc_body(f0_ref, f1_ref, c0_ref, c1_ref, am0_ref, am1_ref):
    for f_ref, c_ref, am_ref in ((f0_ref, c0_ref, am0_ref),
                                 (f1_ref, c1_ref, am1_ref)):
        cent = c_ref[...]
        bias = 0.5 * jnp.sum(cent * cent, axis=1, keepdims=True)
        dot = jnp.dot(cent, f_ref[0],
                      precision=lax.Precision.HIGHEST,
                      preferred_element_type=jnp.float32)
        s = bias - dot
        best = s[0:1, :]
        bi = jnp.zeros((1, _HW), jnp.int32)
        for k in range(1, _K):
            sk = s[k:k + 1, :]
            m = sk < best
            best = jnp.where(m, sk, best)
            bi = jnp.where(m, jnp.int32(k), bi)
        am_ref[...] = bi.reshape(1, 1, _HW)


def _sc_body(am0_hbm, am1_hbm, out0_hbm, out1_hbm, am_v, orow_v):
    cid = lax.axis_index("c")
    sid = lax.axis_index("s")
    wid = sid * 2 + cid
    p = wid // 16
    t = wid % 16
    b = t // 8
    y0 = (t % 8) * _ROWS

    @pl.when(p == 0)
    def _():
        pltpu.sync_copy(am0_hbm.at[b, 0, pl.ds(y0 * _W, _ROWS * _W)], am_v)

    @pl.when(p == 1)
    def _():
        pltpu.sync_copy(am1_hbm.at[b, 0, pl.ds(y0 * _W, _ROWS * _W)], am_v)

    ioc = lax.iota(jnp.int32, _L) // 8

    def expand_body(r, _):
        for j in range(32):
            idx = r * 64 + 2 * j + ioc
            vals = plsc.load_gather(am_v, [idx])
            for rr in range(8):
                orow_v[rr, pl.ds(j * _L, _L)] = vals

        @pl.when(p == 0)
        def _():
            pltpu.sync_copy(orow_v,
                            out0_hbm.at[b, pl.ds((y0 + r) * 8, 8), :])

        @pl.when(p == 1)
        def _():
            pltpu.sync_copy(orow_v,
                            out1_hbm.at[b, pl.ds((y0 + r) * 8, 8), :])
        return 0
    lax.fori_loop(0, _ROWS, expand_body, 0)


@jax.jit
def _run(f0, f1, c0, c1):
    am0, am1 = pl.pallas_call(
        _tc_body,
        grid=(_B,),
        in_specs=[
            pl.BlockSpec((1, _C, _HW), lambda i: (i, 0, 0)),
            pl.BlockSpec((1, _C, _HW), lambda i: (i, 0, 0)),
            pl.BlockSpec((_K, _C), lambda i: (0, 0)),
            pl.BlockSpec((_K, _C), lambda i: (0, 0)),
        ],
        out_specs=(
            pl.BlockSpec((1, 1, _HW), lambda i: (i, 0, 0)),
            pl.BlockSpec((1, 1, _HW), lambda i: (i, 0, 0)),
        ),
        out_shape=(
            jax.ShapeDtypeStruct((_B, 1, _HW), jnp.int32),
            jax.ShapeDtypeStruct((_B, 1, _HW), jnp.int32),
        ),
    )(f0, f1, c0, c1)

    mesh = plsc.VectorSubcoreMesh(core_axis_name="c", subcore_axis_name="s")
    sc = pl.kernel(
        _sc_body,
        mesh=mesh,
        out_type=(
            jax.ShapeDtypeStruct((_B, _OH, _OW), jnp.int32),
            jax.ShapeDtypeStruct((_B, _OH, _OW), jnp.int32),
        ),
        scratch_types=[
            pltpu.VMEM((_ROWS * _W,), jnp.int32),
            pltpu.VMEM((8, _OW), jnp.int32),
        ],
        compiler_params=pltpu.CompilerParams(needs_layout_passes=False),
    )
    return sc(am0, am1)


def kernel(feature_s2t, feature_target, label_s2t, label_target,
           centroid_s2t, centroid_target):
    f0 = feature_s2t.reshape(_B, _C, _HW)
    f1 = feature_target.reshape(_B, _C, _HW)
    return _run(f0, f1, centroid_target, centroid_s2t)

# --- scband reference (transcript-rebuilt; emitter-appended) ---
"""Pipeline reference for scband-bars-76733885710679 (READ-ONLY COPY).

The authoritative reference and input builder live on the scoring server;
editing this copy changes nothing except your own understanding.
"""

import jax, jax.numpy as jnp
import numpy as np

B, C, H, W = 2, 96, 64, 64
K = 19  # class_num
LH, LW = 512, 512


def setup_inputs(seed: int = 0) -> dict:
    key = jax.random.key(seed)
    k0, k1, k2, k3, k4, k5 = jax.random.split(key, 6)
    return {
        "feature_s2t": jax.random.normal(k0, (B, C, H, W), dtype=jnp.float32),
        "feature_target": jax.random.normal(k1, (B, C, H, W), dtype=jnp.float32),
        "label_s2t": jax.random.randint(k2, (B, LH, LW), 0, K).astype(jnp.int32),
        "label_target": jax.random.randint(k3, (B, LH, LW), 0, K).astype(jnp.int32),
        # internal state: class centroids populated via update(); treated as params here
        "centroid_s2t": jax.random.normal(k4, (K, C), dtype=jnp.float32),
        "centroid_target": jax.random.normal(k5, (K, C), dtype=jnp.float32),
    }


def _nearest_upsample(mask, out_h, out_w):
    # matches F.interpolate(mode='nearest'): src = floor(dst * in/out)
    in_h, in_w = mask.shape[1], mask.shape[2]
    sh = (jnp.arange(out_h) * in_h) // out_h
    sw = (jnp.arange(out_w) * in_w) // out_w
    return mask[:, sh][:, :, sw]


def reference(feature_s2t, feature_target, label_s2t, label_target, centroid_s2t, centroid_target):
    # dist over channel dim: [B, K, H, W]
    d_s2t = jnp.linalg.norm(
        feature_s2t[:, None, :, :, :] - centroid_target[None, :, :, None, None], axis=2
    )
    mask_s2t = jnp.argmin(d_s2t, axis=1)
    d_tgt = jnp.linalg.norm(
        feature_target[:, None, :, :, :] - centroid_s2t[None, :, :, None, None], axis=2
    )
    mask_target = jnp.argmin(d_tgt, axis=1)
    mask_s2t = _nearest_upsample(mask_s2t, label_s2t.shape[1], label_s2t.shape[2]).astype(jnp.int32)
    mask_target = _nearest_upsample(mask_target, label_target.shape[1], label_target.shape[2]).astype(jnp.int32)
    return (mask_s2t, mask_target)

if __name__ == "__main__":
    import jax
    _d = setup_inputs()
    print(jax.jit(kernel)(*tuple(_d.values())))

</pallas_src>

<mosaic_0001>
#map = affine_map<(d0, d1) -> (0, 0, 0)>
module attributes {stable_mosaic.version = 14 : i64} {
  func.func @_sc_body(%arg0: i32, %arg1: i32, %arg2: memref<2x1x4096xi32, #tpu.memory_space<hbm>>, %arg3: memref<2x1x4096xi32, #tpu.memory_space<hbm>>, %arg4: memref<2x512x512xi32, #tpu.memory_space<hbm>>, %arg5: memref<2x512x512xi32, #tpu.memory_space<hbm>>, %arg6: memref<512xi32, #tpu.memory_space<vmem>>, %arg7: memref<8x512xi32, #tpu.memory_space<vmem>>) attributes {dimension_semantics = [#tpu.dimension_semantics<core_parallel>, #tpu.dimension_semantics<subcore_parallel>], iteration_bounds = array<i64: 2, 16>, scalar_prefetch = 0 : i64, scratch_operands = 2 : i64, tpu.core_type = #tpu.core_type<sc_vector_subcore>, window_params = [{transform_indices = #map}, {transform_indices = #map}, {transform_indices = #map}, {transform_indices = #map}]} {
    %mul3A = arith.constant 2 : i32
    %mul3A_0 = arith.muli %arg1, %mul3A : i32
    %add3A = arith.addi %mul3A_0, %arg0 : i32
    %jit3A = arith.constant 16 : i32
    %div3A = arith.divsi %add3A, %jit3A : i32
    %sign3A = arith.constant 0 : i32
    %sign3A_1 = arith.cmpi sgt, %add3A, %sign3A : i32
    %sign3A_2 = arith.extui %sign3A_1 : i1 to i32
    %sign3A_3 = arith.constant 0 : i32
    %sign3A_4 = arith.cmpi slt, %add3A, %sign3A_3 : i32
    %sign3A_5 = arith.extui %sign3A_4 : i1 to i32
    %sign3A_6 = arith.subi %sign3A_2, %sign3A_5 : i32
    %sign3A_7 = arith.constant 0 : i32
    %sign3A_8 = arith.cmpi sgt, %jit3A, %sign3A_7 : i32
    %sign3A_9 = arith.extui %sign3A_8 : i1 to i32
    %sign3A_10 = arith.constant 0 : i32
    %sign3A_11 = arith.cmpi slt, %jit3A, %sign3A_10 : i32
    %sign3A_12 = arith.extui %sign3A_11 : i1 to i32
    %sign3A_13 = arith.subi %sign3A_9, %sign3A_12 : i32
    %ne3A = arith.cmpi ne, %sign3A_6, %sign3A_13 : i32
    %rem3A = arith.remsi %add3A, %jit3A : i32
    %ne3A_14 = arith.constant 0 : i32
    %ne3A_15 = arith.cmpi ne, %rem3A, %ne3A_14 : i32
    %and3A = arith.andi %ne3A, %ne3A_15 : i1
    %sub3A = arith.constant 1 : i32
    %sub3A_16 = arith.subi %div3A, %sub3A : i32
    %select_n3A = arith.select %and3A, %sub3A_16, %div3A : i32
    %jit3A_17 = arith.constant 16 : i32
    %eq3A = arith.constant 0 : i32
    %eq3A_18 = arith.cmpi eq, %jit3A_17, %eq3A : i32
    %jit3A_19 = arith.constant 1 : i32
    %select_n3A_20 = arith.select %eq3A_18, %jit3A_19, %jit3A_17 : i32
    %rem3A_21 = arith.remsi %add3A, %select_n3A_20 : i32
    %ne3A_22 = arith.constant 0 : i32
    %ne3A_23 = arith.cmpi ne, %rem3A_21, %ne3A_22 : i32
    %lt3A = arith.constant 0 : i32
    %lt3A_24 = arith.cmpi slt, %rem3A_21, %lt3A : i32
    %lt3A_25 = arith.constant 0 : i32
    %lt3A_26 = arith.cmpi slt, %select_n3A_20, %lt3A_25 : i32
    %ne3A_27 = arith.xori %lt3A_24, %lt3A_26 : i1
    %and3A_28 = arith.andi %ne3A_27, %ne3A_23 : i1
    %add3A_29 = arith.addi %rem3A_21, %select_n3A_20 : i32
    %select_n3A_30 = arith.select %and3A_28, %add3A_29, %rem3A_21 : i32
    %jit3A_31 = arith.constant 8 : i32
    %div3A_32 = arith.divsi %select_n3A_30, %jit3A_31 : i32
    %sign3A_33 = arith.constant 0 : i32
    %sign3A_34 = arith.cmpi sgt, %select_n3A_30, %sign3A_33 : i32
    %sign3A_35 = arith.extui %sign3A_34 : i1 to i32
    %sign3A_36 = arith.constant 0 : i32
    %sign3A_37 = arith.cmpi slt, %select_n3A_30, %sign3A_36 : i32
    %sign3A_38 = arith.extui %sign3A_37 : i1 to i32
    %sign3A_39 = arith.subi %sign3A_35, %sign3A_38 : i32
    %sign3A_40 = arith.constant 0 : i32
    %sign3A_41 = arith.cmpi sgt, %jit3A_31, %sign3A_40 : i32
    %sign3A_42 = arith.extui %sign3A_41 : i1 to i32
    %sign3A_43 = arith.constant 0 : i32
    %sign3A_44 = arith.cmpi slt, %jit3A_31, %sign3A_43 : i32
    %sign3A_45 = arith.extui %sign3A_44 : i1 to i32
    %sign3A_46 = arith.subi %sign3A_42, %sign3A_45 : i32
    %ne3A_47 = arith.cmpi ne, %sign3A_39, %sign3A_46 : i32
    %rem3A_48 = arith.remsi %select_n3A_30, %jit3A_31 : i32
    %ne3A_49 = arith.constant 0 : i32
    %ne3A_50 = arith.cmpi ne, %rem3A_48, %ne3A_49 : i32
    %and3A_51 = arith.andi %ne3A_47, %ne3A_50 : i1
    %sub3A_52 = arith.constant 1 : i32
    %sub3A_53 = arith.subi %div3A_32, %sub3A_52 : i32
    %select_n3A_54 = arith.select %and3A_51, %sub3A_53, %div3A_32 : i32
    %jit3A_55 = arith.constant 8 : i32
    %eq3A_56 = arith.constant 0 : i32
    %eq3A_57 = arith.cmpi eq, %jit3A_55, %eq3A_56 : i32
    %jit3A_58 = arith.constant 1 : i32
    %select_n3A_59 = arith.select %eq3A_57, %jit3A_58, %jit3A_55 : i32
    %rem3A_60 = arith.remsi %select_n3A_30, %select_n3A_59 : i32
    %ne3A_61 = arith.constant 0 : i32
    %ne3A_62 = arith.cmpi ne, %rem3A_60, %ne3A_61 : i32
    %lt3A_63 = arith.constant 0 : i32
    %lt3A_64 = arith.cmpi slt, %rem3A_60, %lt3A_63 : i32
    %lt3A_65 = arith.constant 0 : i32
    %lt3A_66 = arith.cmpi slt, %select_n3A_59, %lt3A_65 : i32
    %ne3A_67 = arith.xori %lt3A_64, %lt3A_66 : i1
    %and3A_68 = arith.andi %ne3A_67, %ne3A_62 : i1
    %add3A_69 = arith.addi %rem3A_60, %select_n3A_59 : i32
    %select_n3A_70 = arith.select %and3A_68, %add3A_69, %rem3A_60 : i32
    %mul3A_71 = arith.constant 8 : i32
    %mul3A_72 = arith.muli %select_n3A_70, %mul3A_71 : i32
    %eq3A_73 = arith.constant 0 : i32
    %eq3A_74 = arith.cmpi eq, %select_n3A, %eq3A_73 : i32
    %convert_element_type3A = arith.extui %eq3A_74 : i1 to i32
    %cond3A = arith.constant 0 : i32
    %cond3A_75 = arith.cmpi ne, %convert_element_type3A, %cond3A : i32
    scf.if %cond3A_75 {
      %mul3A_118 = arith.constant 64 : i32
      %mul3A_119 = arith.muli %mul3A_72, %mul3A_118 : i32
      %run_scoped3A = arith.constant 0 : i32
      "tpu.region"() ({
        %run_scoped3A_120 = tpu.sem_alloc : memref<!tpu.dma_semaphore, #tpu.memory_space<semaphore_mem>>
        %dma_start3A = tpu.memref_slice %arg2[%select_n3A_54, %run_scoped3A, %mul3A_119] : memref<2x1x4096xi32, #tpu.memory_space<hbm>> -> memref<1x1x512xi32, #tpu.memory_space<hbm>>
        %dma_start3A_121 = tpu.memref_squeeze %dma_start3A : memref<1x1x512xi32, #tpu.memory_space<hbm>> -> memref<512xi32, #tpu.memory_space<hbm>>
        %dma_start3A_122 = tpu.memref_slice %arg2[%select_n3A_54, %run_scoped3A, %mul3A_119] : memref<2x1x4096xi32, #tpu.memory_space<hbm>> -> memref<1x1x512xi32, #tpu.memory_space<hbm>>
        %dma_start3A_123 = tpu.memref_squeeze %dma_start3A_122 : memref<1x1x512xi32, #tpu.memory_space<hbm>> -> memref<512xi32, #tpu.memory_space<hbm>>
        tpu.enqueue_dma source(%dma_start3A_123 : memref<512xi32, #tpu.memory_space<hbm>>) target(%arg6 : memref<512xi32, #tpu.memory_space<vmem>>) target_semaphore(%run_scoped3A_120 : memref<!tpu.dma_semaphore, #tpu.memory_space<semaphore_mem>>)
        %dma_wait3A = tpu.memref_slice %arg2[%select_n3A_54, %run_scoped3A, %mul3A_119] : memref<2x1x4096xi32, #tpu.memory_space<hbm>> -> memref<1x1x512xi32, #tpu.memory_space<hbm>>
        %dma_wait3A_124 = tpu.memref_squeeze %dma_wait3A : memref<1x1x512xi32, #tpu.memory_space<hbm>> -> memref<512xi32, #tpu.memory_space<hbm>>
        %dma_wait3A_125 = tpu.memref_slice %arg2[%select_n3A_54, %run_scoped3A, %mul3A_119] : memref<2x1x4096xi32, #tpu.memory_space<hbm>> -> memref<1x1x512xi32, #tpu.memory_space<hbm>>
        %dma_wait3A_126 = tpu.memref_squeeze %dma_wait3A_125 : memref<1x1x512xi32, #tpu.memory_space<hbm>> -> memref<512xi32, #tpu.memory_space<hbm>>
        tpu.wait_dma2 semaphore(%run_scoped3A_120 : memref<!tpu.dma_semaphore, #tpu.memory_space<semaphore_mem>>) src(%dma_wait3A_126 : memref<512xi32, #tpu.memory_space<hbm>>) dst(%arg6 : memref<512xi32, #tpu.memory_space<vmem>>)
        tpu.yield
      }) : () -> ()
    } else {
    }
    %eq3A_76 = arith.constant 1 : i32
    %eq3A_77 = arith.cmpi eq, %select_n3A, %eq3A_76 : i32
    %convert_element_type3A_78 = arith.extui %eq3A_77 : i1 to i32
    %cond3A_79 = arith.constant 0 : i32
    %cond3A_80 = arith.cmpi ne, %convert_element_type3A_78, %cond3A_79 : i32
    scf.if %cond3A_80 {
      %mul3A_118 = arith.constant 64 : i32
      %mul3A_119 = arith.muli %mul3A_72, %mul3A_118 : i32
      %run_scoped3A = arith.constant 0 : i32
      "tpu.region"() ({
        %run_scoped3A_120 = tpu.sem_alloc : memref<!tpu.dma_semaphore, #tpu.memory_space<semaphore_mem>>
        %dma_start3A = tpu.memref_slice %arg3[%select_n3A_54, %run_scoped3A, %mul3A_119] : memref<2x1x4096xi32, #tpu.memory_space<hbm>> -> memref<1x1x512xi32, #tpu.memory_space<hbm>>
        %dma_start3A_121 = tpu.memref_squeeze %dma_start3A : memref<1x1x512xi32, #tpu.memory_space<hbm>> -> memref<512xi32, #tpu.memory_space<hbm>>
        %dma_start3A_122 = tpu.memref_slice %arg3[%select_n3A_54, %run_scoped3A, %mul3A_119] : memref<2x1x4096xi32, #tpu.memory_space<hbm>> -> memref<1x1x512xi32, #tpu.memory_space<hbm>>
        %dma_start3A_123 = tpu.memref_squeeze %dma_start3A_122 : memref<1x1x512xi32, #tpu.memory_space<hbm>> -> memref<512xi32, #tpu.memory_space<hbm>>
        tpu.enqueue_dma source(%dma_start3A_123 : memref<512xi32, #tpu.memory_space<hbm>>) target(%arg6 : memref<512xi32, #tpu.memory_space<vmem>>) target_semaphore(%run_scoped3A_120 : memref<!tpu.dma_semaphore, #tpu.memory_space<semaphore_mem>>)
        %dma_wait3A = tpu.memref_slice %arg3[%select_n3A_54, %run_scoped3A, %mul3A_119] : memref<2x1x4096xi32, #tpu.memory_space<hbm>> -> memref<1x1x512xi32, #tpu.memory_space<hbm>>
        %dma_wait3A_124 = tpu.memref_squeeze %dma_wait3A : memref<1x1x512xi32, #tpu.memory_space<hbm>> -> memref<512xi32, #tpu.memory_space<hbm>>
        %dma_wait3A_125 = tpu.memref_slice %arg3[%select_n3A_54, %run_scoped3A, %mul3A_119] : memref<2x1x4096xi32, #tpu.memory_space<hbm>> -> memref<1x1x512xi32, #tpu.memory_space<hbm>>
        %dma_wait3A_126 = tpu.memref_squeeze %dma_wait3A_125 : memref<1x1x512xi32, #tpu.memory_space<hbm>> -> memref<512xi32, #tpu.memory_space<hbm>>
        tpu.wait_dma2 semaphore(%run_scoped3A_120 : memref<!tpu.dma_semaphore, #tpu.memory_space<semaphore_mem>>) src(%dma_wait3A_126 : memref<512xi32, #tpu.memory_space<hbm>>) dst(%arg6 : memref<512xi32, #tpu.memory_space<vmem>>)
        tpu.yield
      }) : () -> ()
    } else {
    }
    %iota3A = tpu.iota {dimensions = array<i32: 0>} : vector<16xi32>
    %jit3A_81 = arith.constant 8 : i32
    %div3A_82 = vector.broadcast %jit3A_81 : i32 to vector<16xi32>
    %div3A_83 = arith.divsi %iota3A, %div3A_82 : vector<16xi32>
    %sign3A_84 = arith.constant 0 : i32
    %sign3A_85 = vector.broadcast %sign3A_84 : i32 to vector<16xi32>
    %sign3A_86 = arith.cmpi sgt, %iota3A, %sign3A_85 : vector<16xi32>
    %sign3A_87 = arith.extui %sign3A_86 : vector<16xi1> to vector<16xi32>
    %sign3A_88 = arith.constant 0 : i32
    %sign3A_89 = vector.broadcast %sign3A_88 : i32 to vector<16xi32>
    %sign3A_90 = arith.cmpi slt, %iota3A, %sign3A_89 : vector<16xi32>
    %sign3A_91 = arith.extui %sign3A_90 : vector<16xi1> to vector<16xi32>
    %sign3A_92 = arith.subi %sign3A_87, %sign3A_91 : vector<16xi32>
    %sign3A_93 = arith.constant 0 : i32
    %sign3A_94 = arith.cmpi sgt, %jit3A_81, %sign3A_93 : i32
    %sign3A_95 = arith.extui %sign3A_94 : i1 to i32
    %sign3A_96 = arith.constant 0 : i32
    %sign3A_97 = arith.cmpi slt, %jit3A_81, %sign3A_96 : i32
    %sign3A_98 = arith.extui %sign3A_97 : i1 to i32
    %sign3A_99 = arith.subi %sign3A_95, %sign3A_98 : i32
    %ne3A_100 = vector.broadcast %sign3A_99 : i32 to vector<16xi32>
    %ne3A_101 = arith.cmpi ne, %sign3A_92, %ne3A_100 : vector<16xi32>
    %rem3A_102 = vector.broadcast %jit3A_81 : i32 to vector<16xi32>
    %rem3A_103 = arith.remsi %iota3A, %rem3A_102 : vector<16xi32>
    %ne3A_104 = arith.constant 0 : i32
    %ne3A_105 = vector.broadcast %ne3A_104 : i32 to vector<16xi32>
    %ne3A_106 = arith.cmpi ne, %rem3A_103, %ne3A_105 : vector<16xi32>
    %and3A_107 = arith.andi %ne3A_101, %ne3A_106 : vector<16xi1>
    %sub3A_108 = arith.constant 1 : i32
    %sub3A_109 = vector.broadcast %sub3A_108 : i32 to vector<16xi32>
    %sub3A_110 = arith.subi %div3A_83, %sub3A_109 : vector<16xi32>
    %select_n3A_111 = arith.select %and3A_107, %sub3A_110, %div3A_83 : vector<16xi1>, vector<16xi32>
    %scan3A = arith.constant 0 : i32
    %scan3A_112 = arith.constant 0 : i32
    %scan3A_113 = arith.constant 8 : i32
    %scan3A_114 = arith.addi %scan3A_112, %scan3A_113 : i32
    %scan3A_115 = arith.constant 1 : i32
    %scan3A_116 = scf.for %scan3A_118 = %scan3A_112 to %scan3A_114 step %scan3A_115 iter_args(%scan3A_119 = %scan3A) -> (i32)  : i32 {
      %mul3A_120 = arith.constant 64 : i32
      %mul3A_121 = arith.muli %scan3A_118, %mul3A_120 : i32
      %add3A_122 = arith.constant 0 : i32
      %add3A_123 = arith.addi %mul3A_121, %add3A_122 : i32
      %add3A_124 = vector.broadcast %add3A_123 : i32 to vector<16xi32>
      %add3A_125 = arith.addi %add3A_124, %select_n3A_111 : vector<16xi32>
      %gather3A = tpu.vector_load_idx %arg6[%add3A_125] : memref<512xi32, #tpu.memory_space<vmem>>[vector<16xi32>], vector<16xi32>,
      %swap3A = arith.constant 0 : i32
      %swap3A_126 = arith.index_cast %swap3A : i32 to index
      %swap3A_127 = arith.constant 0 : index
      %swap3A_128 = tpu.vector_load %arg7[%swap3A_126, %swap3A_127] {strides = array<i32>} : memref<8x512xi32, #tpu.memory_space<vmem>>, vector<16xi32>,
      tpu.vector_store %arg7[%swap3A_126, %swap3A_127], %gather3A {strides = array<i32>} : memref<8x512xi32, #tpu.memory_space<vmem>>, vector<16xi32>,
      %swap3A_129 = arith.constant 1 : i32
      %swap3A_130 = arith.index_cast %swap3A_129 : i32 to index
      %swap3A_131 = arith.constant 0 : index
      %swap3A_132 = tpu.vector_load %arg7[%swap3A_130, %swap3A_131] {strides = array<i32>} : memref<8x512xi32, #tpu.memory_space<vmem>>, vector<16xi32>,
      tpu.vector_store %arg7[%swap3A_130, %swap3A_131], %gather3A {strides = array<i32>} : memref<8x512xi32, #tpu.memory_space<vmem>>, vector<16xi32>,
      %swap3A_133 = arith.constant 2 : i32
      %swap3A_134 = arith.index_cast %swap3A_133 : i32 to index
      %swap3A_135 = arith.constant 0 : index
      %swap3A_136 = tpu.vector_load %arg7[%swap3A_134, %swap3A_135] {strides = array<i32>} : memref<8x512xi32, #tpu.memory_space<vmem>>, vector<16xi32>,
      tpu.vector_store %arg7[%swap3A_134, %swap3A_135], %gather3A {strides = array<i32>} : memref<8x512xi32, #tpu.memory_space<vmem>>, vector<16xi32>,
      %swap3A_137 = arith.constant 3 : i32
      %swap3A_138 = arith.index_cast %swap3A_137 : i32 to index
      %swap3A_139 = arith.constant 0 : index
      %swap3A_140 = tpu.vector_load %arg7[%swap3A_138, %swap3A_139] {strides = array<i32>} : memref<8x512xi32, #tpu.memory_space<vmem>>, vector<16xi32>,
      tpu.vector_store %arg7[%swap3A_138, %swap3A_139], %gather3A {strides = array<i32>} : memref<8x512xi32, #tpu.memory_space<vmem>>, vector<16xi32>,
      %swap3A_141 = arith.constant 4 : i32
      %swap3A_142 = arith.index_cast %swap3A_141 : i32 to index
      %swap3A_143 = arith.constant 0 : index
      %swap3A_144 = tpu.vector_load %arg7[%swap3A_142, %swap3A_143] {strides = array<i32>} : memref<8x512xi32, #tpu.memory_space<vmem>>, vector<16xi32>,
      tpu.vector_store %arg7[%swap3A_142, %swap3A_143], %gather3A {strides = array<i32>} : memref<8x512xi32, #tpu.memory_space<vmem>>, vector<16xi32>,
      %swap3A_145 = arith.constant 5 : i32
      %swap3A_146 = arith.index_cast %swap3A_145 : i32 to index
      %swap3A_147 = arith.constant 0 : index
      %swap3A_148 = tpu.vector_load %arg7[%swap3A_146, %swap3A_147] {strides = array<i32>} : memref<8x512xi32, #tpu.memory_space<vmem>>, vector<16xi32>,
      tpu.vector_store %arg7[%swap3A_146, %swap3A_147], %gather3A {strides = array<i32>} : memref<8x512xi32, #tpu.memory_space<vmem>>, vector<16xi32>,
      %swap3A_149 = arith.constant 6 : i32
      %swap3A_150 = arith.index_cast %swap3A_149 : i32 to index
      %swap3A_151 = arith.constant 0 : index
      %swap3A_152 = tpu.vector_load %arg7[%swap3A_150, %swap3A_151] {strides = array<i32>} : memref<8x512xi32, #tpu.memory_space<vmem>>, vector<16xi32>,
      tpu.vector_store %arg7[%swap3A_150, %swap3A_151], %gather3A {strides = array<i32>} : memref<8x512xi32, #tpu.memory_space<vmem>>, vector<16xi32>,
      %swap3A_153 = arith.constant 7 : i32
      %swap3A_154 = arith.index_cast %swap3A_153 : i32 to index
      %swap3A_155 = arith.constant 0 : index
      %swap3A_156 = tpu.vector_load %arg7[%swap3A_154, %swap3A_155] {strides = array<i32>} : memref<8x512xi32, #tpu.memory_space<vmem>>, vector<16xi32>,
      tpu.vector_store %arg7[%swap3A_154, %swap3A_155], %gather3A {strides = array<i32>} : memref<8x512xi32, #tpu.memory_space<vmem>>, vector<16xi32>,
      %mul3A_157 = arith.constant 64 : i32
      %mul3A_158 = arith.muli %scan3A_118, %mul3A_157 : i32
      %add3A_159 = arith.constant 2 : i32
      %add3A_160 = arith.addi %mul3A_158, %add3A_159 : i32
      %add3A_161 = vector.broadcast %add3A_160 : i32 to vector<16xi32>
      %add3A_162 = arith.addi %add3A_161, %select_n3A_111 : vector<16xi32>
      %gather3A_163 = tpu.vector_load_idx %arg6[%add3A_162] : memref<512xi32, #tpu.memory_space<vmem>>[vector<16xi32>], vector<16xi32>,
      %swap3A_164 = arith.constant 0 : i32
      %swap3A_165 = arith.index_cast %swap3A_164 : i32 to index
      %swap3A_166 = arith.constant 16 : index
      %swap3A_167 = tpu.vector_load %arg7[%swap3A_165, %swap3A_166] {strides = array<i32>} : memref<8x512xi32, #tpu.memory_space<vmem>>, vector<16xi32>,
      tpu.vector_store %arg7[%swap3A_165, %swap3A_166], %gather3A_163 {strides = array<i32>} : memref<8x512xi32, #tpu.memory_space<vmem>>, vector<16xi32>,
      %swap3A_168 = arith.constant 1 : i32
      %swap3A_169 = arith.index_cast %swap3A_168 : i32 to index
      %swap3A_170 = arith.constant 16 : index
      %swap3A_171 = tpu.vector_load %arg7[%swap3A_169, %swap3A_170] {strides = array<i32>} : memref<8x512xi32, #tpu.memory_space<vmem>>, vector<16xi32>,
      tpu.vector_store %arg7[%swap3A_169, %swap3A_170], %gather3A_163 {strides = array<i32>} : memref<8x512xi32, #tpu.memory_space<vmem>>, vector<16xi32>,
      %swap3A_172 = arith.constant 2 : i32
      %swap3A_173 = arith.index_cast %swap3A_172 : i32 to index
      %swap3A_174 = arith.constant 16 : index
      %swap3A_175 = tpu.vector_load %arg7[%swap3A_173, %swap3A_174] {strides = array<i32>} : memref<8x512xi32, #tpu.memory_space<vmem>>, vector<16xi32>,
      tpu.vector_store %arg7[%swap3A_173, %swap3A_174], %gather3A_163 {strides = array<i32>} : memref<8x512xi32, #tpu.memory_space<vmem>>, vector<16xi32>,
      %swap3A_176 = arith.constant 3 : i32
      %swap3A_177 = arith.index_cast %swap3A_176 : i32 to index
      %swap3A_178 = arith.constant 16 : index
      %swap3A_179 = tpu.vector_load %arg7[%swap3A_177, %swap3A_178] {strides = array<i32>} : memref<8x512xi32, #tpu.memory_space<vmem>>, vector<16xi32>,
      tpu.vector_store %arg7[%swap3A_177, %swap3A_178], %gather3A_163 {strides = array<i32>} : memref<8x512xi32, #tpu.memory_space<vmem>>, vector<16xi32>,
      %swap3A_180 = arith.constant 4 : i32
      %swap3A_181 = arith.index_cast %swap3A_180 : i32 to index
      %swap3A_182 = arith.constant 16 : index
      %swap3A_183 = tpu.vector_load %arg7[%swap3A_181, %swap3A_182] {strides = array<i32>} : memref<8x512xi32, #tpu.memory_space<vmem>>, vector<16xi32>,
      tpu.vector_store %arg7[%swap3A_181, %swap3A_182], %gather3A_163 {strides = array<i32>} : memref<8x512xi32, #tpu.memory_space<vmem>>, vector<16xi32>,
      %swap3A_184 = arith.constant 5 : i32
      %swap3A_185 = arith.index_cast %swap3A_184 : i32 to index
      %swap3A_186 = arith.constant 16 : index
      %swap3A_187 = tpu.vector_load %arg7[%swap3A_185, %swap3A_186] {strides = array<i32>} : memref<8x512xi32, #tpu.memory_space<vmem>>, vector<16xi32>,
      tpu.vector_store %arg7[%swap3A_185, %swap3A_186], %gather3A_163 {strides = array<i32>} : memref<8x512xi32, #tpu.memory_space<vmem>>, vector<16xi32>,
      %swap3A_188 = arith.constant 6 : i32
      %swap3A_189 = arith.index_cast %swap3A_188 : i32 to index
      %swap3A_190 = arith.constant 16 : index
      %swap3A_191 = tpu.vector_load %arg7[%swap3A_189, %swap3A_190] {strides = array<i32>} : memref<8x512xi32, #tpu.memory_space<vmem>>, vector<16xi32>,
      tpu.vector_store %arg7[%swap3A_189, %swap3A_190], %gather3A_163 {strides = array<i32>} : memref<8x512xi32, #tpu.memory_space<vmem>>, vector<16xi32>,
      %swap3A_192 = arith.constant 7 : i32
      %swap3A_193 = arith.index_cast %swap3A_192 : i32 to index
      %swap3A_194 = arith.constant 16 : index
      %swap3A_195 = tpu.vector_load %arg7[%swap3A_193, %swap3A_194] {strides = array<i32>} : memref<8x512xi32, #tpu.memory_space<vmem>>, vector<16xi32>,
      tpu.vector_store %arg7[%swap3A_193, %swap3A_194], %gather3A_163 {strides = array<i32>} : memref<8x512xi32, #tpu.memory_space<vmem>>, vector<16xi32>,
      %mul3A_196 = arith.constant 64 : i32
      %mul3A_197 = arith.muli %scan3A_118, %mul3A_196 : i32
      %add3A_198 = arith.constant 4 : i32
      %add3A_199 = arith.addi %mul3A_197, %add3A_198 : i32
      %add3A_200 = vector.broadcast %add3A_199 : i32 to vector<16xi32>
      %add3A_201 = arith.addi %add3A_200, %select_n3A_111 : vector<16xi32>
      %gather3A_202 = tpu.vector_load_idx %arg6[%add3A_201] : memref<512xi32, #tpu.memory_space<vmem>>[vector<16xi32>], vector<16xi32>,
      %swap3A_203 = arith.constant 0 : i32
      %swap3A_204 = arith.index_cast %swap3A_203 : i32 to index
      %swap3A_205 = arith.constant 32 : index
      %swap3A_206 = tpu.vector_load %arg7[%swap3A_204, %swap3A_205] {strides = array<i32>} : memref<8x512xi32, #tpu.memory_space<vmem>>, vector<16xi32>,
      tpu.vector_store %arg7[%swap3A_204, %swap3A_205], %gather3A_202 {strides = array<i32>} : memref<8x512xi32, #tpu.memory_space<vmem>>, vector<16xi32>,
      %swap3A_207 = arith.constant 1 : i32
      %swap3A_208 = arith.index_cast %swap3A_207 : i32 to index
      %swap3A_209 = arith.constant 32 : index
      %swap3A_210 = tpu.vector_load %arg7[%swap3A_208, %swap3A_209] {strides = array<i32>} : memref<8x512xi32, #tpu.memory_space<vmem>>, vector<16xi32>,
      tpu.vector_store %arg7[%swap3A_208, %swap3A_209], %gather3A_202 {strides = array<i32>} : memref<8x512xi32, #tpu.memory_space<vmem>>, vector<16xi32>,
      %swap3A_211 = arith.constant 2 : i32
      %swap3A_212 = arith.index_cast %swap3A_211 : i32 to index
      %swap3A_213 = arith.constant 32 : index
      %swap3A_214 = tpu.vector_load %arg7[%swap3A_212, %swap3A_213] {strides = array<i32>} : memref<8x512xi32, #tpu.memory_space<vmem>>, vector<16xi32>,
      tpu.vector_store %arg7[%swap3A_212, %swap3A_213], %gather3A_202 {strides = array<i32>} : memref<8x512xi32, #tpu.memory_space<vmem>>, vector<16xi32>,
      %swap3A_215 = arith.constant 3 : i32
      %swap3A_216 = arith.index_cast %swap3A_215 : i32 to index
      %swap3A_217 = arith.constant 32 : index
      %swap3A_218 = tpu.vector_load %arg7[%swap3A_216, %swap3A_217] {strides = array<i32>} : memref<8x512xi32, #tpu.memory_space<vmem>>, vector<16xi32>,
      tpu.vector_store %arg7[%swap3A_216, %swap3A_217], %gather3A_202 {strides = array<i32>} : memref<8x512xi32, #tpu.memory_space<vmem>>, vector<16xi32>,
      %swap3A_219 = arith.constant 4 : i32
      %swap3A_220 = arith.index_cast %swap3A_219 : i32 to index
      %swap3A_221 = arith.constant 32 : index
      %swap3A_222 = tpu.vector_load %arg7[%swap3A_220, %swap3A_221] {strides = array<i32>} : memref<8x512xi32, #tpu.memory_space<vmem>>, vector<16xi32>,
      tpu.vector_store %arg7[%swap3A_220, %swap3A_221], %gather3A_202 {strides = array<i32>} : memref<8x512xi32, #tpu.memory_space<vmem>>, vector<16xi32>,
      %swap3A_223 = arith.constant 5 : i32
      %swap3A_224 = arith.index_cast %swap3A_223 : i32 to index
      %swap3A_225 = arith.constant 32 : index
      %swap3A_226 = tpu.vector_load %arg7[%swap3A_224, %swap3A_225] {strides = array<i32>} : memref<8x512xi32, #tpu.memory_space<vmem>>, vector<16xi32>,
      tpu.vector_store %arg7[%swap3A_224, %swap3A_225], %gather3A_202 {strides = array<i32>} : memref<8x512xi32, #tpu.memory_space<vmem>>, vector<16xi32>,
      %swap3A_227 = arith.constant 6 : i32
      %swap3A_228 = arith.index_cast %swap3A_227 : i32 to index
      %swap3A_229 = arith.constant 32 : index
      %swap3A_230 = tpu.vector_load %arg7[%swap3A_228, %swap3A_229] {strides = array<i32>} : memref<8x512xi32, #tpu.memory_space<vmem>>, vector<16xi32>,
      tpu.vector_store %arg7[%swap3A_228, %swap3A_229], %gather3A_202 {strides = array<i32>} : memref<8x512xi32, #tpu.memory_space<vmem>>, vector<16xi32>,
      %swap3A_231 = arith.constant 7 : i32
      %swap3A_232 = arith.index_cast %swap3A_231 : i32 to index
      %swap3A_233 = arith.constant 32 : index
      %swap3A_234 = tpu.vector_load %arg7[%swap3A_232, %swap3A_233] {strides = array<i32>} : memref<8x512xi32, #tpu.memory_space<vmem>>, vector<16xi32>,
      tpu.vector_store %arg7[%swap3A_232, %swap3A_233], %gather3A_202 {strides = array<i32>} : memref<8x512xi32, #tpu.memory_space<vmem>>, vector<16xi32>,
      %mul3A_235 = arith.constant 64 : i32
      %mul3A_236 = arith.muli %scan3A_118, %mul3A_235 : i32
      %add3A_237 = arith.constant 6 : i32
      %add3A_238 = arith.addi %mul3A_236, %add3A_237 : i32
      %add3A_239 = vector.broadcast %add3A_238 : i32 to vector<16xi32>
      %add3A_240 = arith.addi %add3A_239, %select_n3A_111 : vector<16xi32>
      %gather3A_241 = tpu.vector_load_idx %arg6[%add3A_240] : memref<512xi32, #tpu.memory_space<vmem>>[vector<16xi32>], vector<16xi32>,
      %swap3A_242 = arith.constant 0 : i32
      %swap3A_243 = arith.index_cast %swap3A_242 : i32 to index
      %swap3A_244 = arith.constant 48 : index
      %swap3A_245 = tpu.vector_load %arg7[%swap3A_243, %swap3A_244] {strides = array<i32>} : memref<8x512xi32, #tpu.memory_space<vmem>>, vector<16xi32>,
      tpu.vector_store %arg7[%swap3A_243, %swap3A_244], %gather3A_241 {strides = array<i32>} : memref<8x512xi32, #tpu.memory_space<vmem>>, vector<16xi32>,
      %swap3A_246 = arith.constant 1 : i32
      %swap3A_247 = arith.index_cast %swap3A_246 : i32 to index
      %swap3A_248 = arith.constant 48 : index
      %swap3A_249 = tpu.vector_load %arg7[%swap3A_247, %swap3A_248] {strides = array<i32>} : memref<8x512xi32, #tpu.memory_space<vmem>>, vector<16xi32>,
      tpu.vector_store %arg7[%swap3A_247, %swap3A_248], %gather3A_241 {strides = array<i32>} : memref<8x512xi32, #tpu.memory_space<vmem>>, vector<16xi32>,
      %swap3A_250 = arith.constant 2 : i32
      %swap3A_251 = arith.index_cast %swap3A_250 : i32 to index
      %swap3A_252 = arith.constant 48 : index
      %swap3A_253 = tpu.vector_load %arg7[%swap3A_251, %swap3A_252] {strides = array<i32>} : memref<8x512xi32, #tpu.memory_space<vmem>>, vector<16xi32>,
      tpu.vector_store %arg7[%swap3A_251, %swap3A_252], %gather3A_241 {strides = array<i32>} : memref<8x512xi32, #tpu.memory_space<vmem>>, vector<16xi32>,
      %swap3A_254 = arith.constant 3 : i32
      %swap3A_255 = arith.index_cast %swap3A_254 : i32 to index
      %swap3A_256 = arith.constant 48 : index
      %swap3A_257 = tpu.vector_load %arg7[%swap3A_255, %swap3A_256] {strides = array<i32>} : memref<8x512xi32, #tpu.memory_space<vmem>>, vector<16xi32>,
      tpu.vector_store %arg7[%swap3A_255, %swap3A_256], %gather3A_241 {strides = array<i32>} : memref<8x512xi32, #tpu.memory_space<vmem>>, vector<16xi32>,
      %swap3A_258 = arith.constant 4 : i32
      %swap3A_259 = arith.index_cast %swap3A_258 : i32 to index
      %swap3A_260 = arith.constant 48 : index
      %swap3A_261 = tpu.vector_load %arg7[%swap3A_259, %swap3A_260] {strides = array<i32>} : memref<8x512xi32, #tpu.memory_space<vmem>>, vector<16xi32>,
      tpu.vector_store %arg7[%swap3A_259, %swap3A_260], %gather3A_241 {strides = array<i32>} : memref<8x512xi32, #tpu.memory_space<vmem>>, vector<16xi32>,
      %swap3A_262 = arith.constant 5 : i32
      %swap3A_263 = arith.index_cast %swap3A_262 : i32 to index
      %swap3A_264 = arith.constant 48 : index
      %swap3A_265 = tpu.vector_load %arg7[%swap3A_263, %swap3A_264] {strides = array<i32>} : memref<8x512xi32, #tpu.memory_space<vmem>>, vector<16xi32>,
      tpu.vector_store %arg7[%swap3A_263, %swap3A_264], %gather3A_241 {strides = array<i32>} : memref<8x512xi32, #tpu.memory_space<vmem>>, vector<16xi32>,
      %swap3A_266 = arith.constant 6 : i32
      %swap3A_267 = arith.index_cast %swap3A_266 : i32 to index
      %swap3A_268 = arith.constant 48 : index
      %swap3A_269 = tpu.vector_load %arg7[%swap3A_267, %swap3A_268] {strides = array<i32>} : memref<8x512xi32, #tpu.memory_space<vmem>>, vector<16xi32>,
      tpu.vector_store %arg7[%swap3A_267, %swap3A_268], %gather3A_241 {strides = array<i32>} : memref<8x512xi32, #tpu.memory_space<vmem>>, vector<16xi32>,
      %swap3A_270 = arith.constant 7 : i32
      %swap3A_271 = arith.index_cast %swap3A_270 : i32 to index
      %swap3A_272 = arith.constant 48 : index
      %swap3A_273 = tpu.vector_load %arg7[%swap3A_271, %swap3A_272] {strides = array<i32>} : memref<8x512xi32, #tpu.memory_space<vmem>>, vector<16xi32>,
      tpu.vector_store %arg7[%swap3A_271, %swap3A_272], %gather3A_241 {strides = array<i32>} : memref<8x512xi32, #tpu.memory_space<vmem>>, vector<16xi32>,
      %mul3A_274 = arith.constant 64 : i32
      %mul3A_275 = arith.muli %scan3A_118, %mul3A_274 : i32
      %add3A_276 = arith.constant 8 : i32
      %add3A_277 = arith.addi %mul3A_275, %add3A_276 : i32
      %add3A_278 = vector.broadcast %add3A_277 : i32 to vector<16xi32>
      %add3A_279 = arith.addi %add3A_278, %select_n3A_111 : vector<16xi32>
      %gather3A_280 = tpu.vector_load_idx %arg6[%add3A_279] : memref<512xi32, #tpu.memory_space<vmem>>[vector<16xi32>], vector<16xi32>,
      %swap3A_281 = arith.constant 0 : i32
      %swap3A_282 = arith.index_cast %swap3A_281 : i32 to index
      %swap3A_283 = arith.constant 64 : index
      %swap3A_284 = tpu.vector_load %arg7[%swap3A_282, %swap3A_283] {strides = array<i32>} : memref<8x512xi32, #tpu.memory_space<vmem>>, vector<16xi32>,
      tpu.vector_store %arg7[%swap3A_282, %swap3A_283], %gather3A_280 {strides = array<i32>} : memref<8x512xi32, #tpu.memory_space<vmem>>, vector<16xi32>,
      %swap3A_285 = arith.constant 1 : i32
      %swap3A_286 = arith.index_cast %swap3A_285 : i32 to index
      %swap3A_287 = arith.constant 64 : index
      %swap3A_288 = tpu.vector_load %arg7[%swap3A_286, %swap3A_287] {strides = array<i32>} : memref<8x512xi32, #tpu.memory_space<vmem>>, vector<16xi32>,
      tpu.vector_store %arg7[%swap3A_286, %swap3A_287], %gather3A_280 {strides = array<i32>} : memref<8x512xi32, #tpu.memory_space<vmem>>, vector<16xi32>,
      %swap3A_289 = arith.constant 2 : i32
      %swap3A_290 = arith.index_cast %swap3A_289 : i32 to index
      %swap3A_291 = arith.constant 64 : index
      %swap3A_292 = tpu.vector_load %arg7[%swap3A_290, %swap3A_291] {strides = array<i32>} : memref<8x512xi32, #tpu.memory_space<vmem>>, vector<16xi32>,
      tpu.vector_store %arg7[%swap3A_290, %swap3A_291], %gather3A_280 {strides = array<i32>} : memref<8x512xi32, #tpu.memory_space<vmem>>, vector<16xi32>,
      %swap3A_293 = arith.constant 3 : i32
      %swap3A_294 = arith.index_cast %swap3A_293 : i32 to index
      %swap3A_295 = arith.constant 64 : index
      %swap3A_296 = tpu.vector_load %arg7[%swap3A_294, %swap3A_295] {strides = array<i32>} : memref<8x512xi32, #tpu.memory_space<vmem>>, vector<16xi32>,
      tpu.vector_store %arg7[%swap3A_294, %swap3A_295], %gather3A_280 {strides = array<i32>} : memref<8x512xi32, #tpu.memory_space<vmem>>, vector<16xi32>,
      %swap3A_297 = arith.constant 4 : i32
      %swap3A_298 = arith.index_cast %swap3A_297 : i32 to index
      %swap3A_299 = arith.constant 64 : index
      %swap3A_300 = tpu.vector_load %arg7[%swap3A_298, %swap3A_299] {strides = array<i32>} : memref<8x512xi32, #tpu.memory_space<vmem>>, vector<16xi32>,
      tpu.vector_store %arg7[%swap3A_298, %swap3A_299], %gather3A_280 {strides = array<i32>} : memref<8x512xi32, #tpu.memory_space<vmem>>, vector<16xi32>,
      %swap3A_301 = arith.constant 5 : i32
      %swap3A_302 = arith.index_cast %swap3A_301 : i32 to index
      %swap3A_303 = arith.constant 64 : index
      %swap3A_304 = tpu.vector_load %arg7[%swap3A_302, %swap3A_303] {strides = array<i32>} : memref<8x512xi32, #tpu.memory_space<vmem>>, vector<16xi32>,
      tpu.vector_store %arg7[%swap3A_302, %swap3A_303], %gather3A_280 {strides = array<i32>} : memref<8x512xi32, #tpu.memory_space<vmem>>, vector<16xi32>,
      %swap3A_305 = arith.constant 6 : i32
      %swap3A_306 = arith.index_cast %swap3A_305 : i32 to index
      %swap3A_307 = arith.constant 64 : index
      %swap3A_308 = tpu.vector_load %arg7[%swap3A_306, %swap3A_307] {strides = array<i32>} : memref<8x512xi32, #tpu.memory_space<vmem>>, vector<16xi32>,
      tpu.vector_store %arg7[%swap3A_306, %swap3A_307], %gather3A_280 {strides = array<i32>} : memref<8x512xi32, #tpu.memory_space<vmem>>, vector<16xi32>,
      %swap3A_309 = arith.constant 7 : i32
      %swap3A_310 = arith.index_cast %swap3A_309 : i32 to index
      %swap3A_311 = arith.constant 64 : index
      %swap3A_312 = tpu.vector_load %arg7[%swap3A_310, %swap3A_311] {strides = array<i32>} : memref<8x512xi32, #tpu.memory_space<vmem>>, vector<16xi32>,
      tpu.vector_store %arg7[%swap3A_310, %swap3A_311], %gather3A_280 {strides = array<i32>} : memref<8x512xi32, #tpu.memory_space<vmem>>, vector<16xi32>,
      %mul3A_313 = arith.constant 64 : i32
      %mul3A_314 = arith.muli %scan3A_118, %mul3A_313 : i32
      %add3A_315 = arith.constant 10 : i32
      %add3A_316 = arith.addi %mul3A_314, %add3A_315 : i32
      %add3A_317 = vector.broadcast %add3A_316 : i32 to vector<16xi32>
      %add3A_318 = arith.addi %add3A_317, %select_n3A_111 : vector<16xi32>
      %gather3A_319 = tpu.vector_load_idx %arg6[%add3A_318] : memref<512xi32, #tpu.memory_space<vmem>>[vector<16xi32>], vector<16xi32>,
      %swap3A_320 = arith.constant 0 : i32
      %swap3A_321 = arith.index_cast %swap3A_320 : i32 to index
      %swap3A_322 = arith.constant 80 : index
      %swap3A_323 = tpu.vector_load %arg7[%swap3A_321, %swap3A_322] {strides = array<i32>} : memref<8x512xi32, #tpu.memory_space<vmem>>, vector<16xi32>,
      tpu.vector_store %arg7[%swap3A_321, %swap3A_322], %gather3A_319 {strides = array<i32>} : memref<8x512xi32, #tpu.memory_space<vmem>>, vector<16xi32>,
      %swap3A_324 = arith.constant 1 : i32
      %swap3A_325 = arith.index_cast %swap3A_324 : i32 to index
      %swap3A_326 = arith.constant 80 : index
      %swap3A_327 = tpu.vector_load %arg7[%swap3A_325, %swap3A_326] {strides = array<i32>} : memref<8x512xi32, #tpu.memory_space<vmem>>, vector<16xi32>,
      tpu.vector_store %arg7[%swap3A_325, %swap3A_326], %gather3A_319 {strides = array<i32>} : memref<8x512xi32, #tpu.memory_space<vmem>>, vector<16xi32>,
      %swap3A_328 = arith.constant 2 : i32
      %swap3A_329 = arith.index_cast %swap3A_328 : i32 to index
      %swap3A_330 = arith.constant 80 : index
      %swap3A_331 = tpu.vector_load %arg7[%swap3A_329, %swap3A_330] {strides = array<i32>} : memref<8x512xi32, #tpu.memory_space<vmem>>, vector<16xi32>,
      tpu.vector_store %arg7[%swap3A_329, %swap3A_330], %gather3A_319 {strides = array<i32>} : memref<8x512xi32, #tpu.memory_space<vmem>>, vector<16xi32>,
      %swap3A_332 = arith.constant 3 : i32
      %swap3A_333 = arith.index_cast %swap3A_332 : i32 to index
      %swap3A_334 = arith.constant 80 : index
      %swap3A_335 = tpu.vector_load %arg7[%swap3A_333, %swap3A_334] {strides = array<i32>} : memref<8x512xi32, #tpu.memory_space<vmem>>, vector<16xi32>,
      tpu.vector_store %arg7[%swap3A_333, %swap3A_334], %gather3A_319 {strides = array<i32>} : memref<8x512xi32, #tpu.memory_space<vmem>>, vector<16xi32>,
      %swap3A_336 = arith.constant 4 : i32
      %swap3A_337 = arith.index_cast %swap3A_336 : i32 to index
      %swap3A_338 = arith.constant 80 : index
      %swap3A_339 = tpu.vector_load %arg7[%swap3A_337, %swap3A_338] {strides = array<i32>} : memref<8x512xi32, #tpu.memory_space<vmem>>, vector<16xi32>,
      tpu.vector_store %arg7[%swap3A_337, %swap3A_338], %gather3A_319 {strides = array<i32>} : memref<8x512xi32, #tpu.memory_space<vmem>>, vector<16xi32>,
      %swap3A_340 = arith.constant 5 : i32
      %swap3A_341 = arith.index_cast %swap3A_340 : i32 to index
      %swap3A_342 = arith.constant 80 : index
      %swap3A_343 = tpu.vector_load %arg7[%swap3A_341, %swap3A_342] {strides = array<i32>} : memref<8x512xi32, #tpu.memory_space<vmem>>, vector<16xi32>,
      tpu.vector_store %arg7[%swap3A_341, %swap3A_342], %gather3A_319 {strides = array<i32>} : memref<8x512xi32, #tpu.memory_space<vmem>>, vector<16xi32>,
      %swap3A_344 = arith.constant 6 : i32
      %swap3A_345 = arith.index_cast %swap3A_344 : i32 to index
      %swap3A_346 = arith.constant 80 : index
      %swap3A_347 = tpu.vector_load %arg7[%swap3A_345, %swap3A_346] {strides = array<i32>} : memref<8x512xi32, #tpu.memory_space<vmem>>, vector<16xi32>,
      tpu.vector_store %arg7[%swap3A_345, %swap3A_346], %gather3A_319 {strides = array<i32>} : memref<8x512xi32, #tpu.memory_space<vmem>>, vector<16xi32>,
      %swap3A_348 = arith.constant 7 : i32
      %swap3A_349 = arith.index_cast %swap3A_348 : i32 to index
      %swap3A_350 = arith.constant 80 : index
      %swap3A_351 = tpu.vector_load %arg7[%swap3A_349, %swap3A_350] {strides = array<i32>} : memref<8x512xi32, #tpu.memory_space<vmem>>, vector<16xi32>,
      tpu.vector_store %arg7[%swap3A_349, %swap3A_350], %gather3A_319 {strides = array<i32>} : memref<8x512xi32, #tpu.memory_space<vmem>>, vector<16xi32>,
      %mul3A_352 = arith.constant 64 : i32
      %mul3A_353 = arith.muli %scan3A_118, %mul3A_352 : i32
      %add3A_354 = arith.constant 12 : i32
      %add3A_355 = arith.addi %mul3A_353, %add3A_354 : i32
      %add3A_356 = vector.broadcast %add3A_355 : i32 to vector<16xi32>
      %add3A_357 = arith.addi %add3A_356, %select_n3A_111 : vector<16xi32>
      %gather3A_358 = tpu.vector_load_idx %arg6[%add3A_357] : memref<512xi32, #tpu.memory_space<vmem>>[vector<16xi32>], vector<16xi32>,
      %swap3A_359 = arith.constant 0 : i32
      %swap3A_360 = arith.index_cast %swap3A_359 : i32 to index
      %swap3A_361 = arith.constant 96 : index
      %swap3A_362 = tpu.vector_load %arg7[%swap3A_360, %swap3A_361] {strides = array<i32>} : memref<8x512xi32, #tpu.memory_space<vmem>>, vector<16xi32>,
      tpu.vector_store %arg7[%swap3A_360, %swap3A_361], %gather3A_358 {strides = array<i32>} : memref<8x512xi32, #tpu.memory_space<vmem>>, vector<16xi32>,
      %swap3A_363 = arith.constant 1 : i32
      %swap3A_364 = arith.index_cast %swap3A_363 : i32 to index
      %swap3A_365 = arith.constant 96 : index
      %swap3A_366 = tpu.vector_load %arg7[%swap3A_364, %swap3A_365] {strides = array<i32>} : memref<8x512xi32, #tpu.memory_space<vmem>>, vector<16xi32>,
      tpu.vector_store %arg7[%swap3A_364, %swap3A_365], %gather3A_358 {strides = array<i32>} : memref<8x512xi32, #tpu.memory_space<vmem>>, vector<16xi32>,
      %swap3A_367 = arith.constant 2 : i32
      %swap3A_368 = arith.index_cast %swap3A_367 : i32 to index
      %swap3A_369 = arith.constant 96 : index
      %swap3A_370 = tpu.vector_load %arg7[%swap3A_368, %swap3A_369] {strides = array<i32>} : memref<8x512xi32, #tpu.memory_space<vmem>>, vector<16xi32>,
      tpu.vector_store %arg7[%swap3A_368, %swap3A_369], %gather3A_358 {strides = array<i32>} : memref<8x512xi32, #tpu.memory_space<vmem>>, vector<16xi32>,
      %swap3A_371 = arith.constant 3 : i32
      %swap3A_372 = arith.index_cast %swap3A_371 : i32 to index
      %swap3A_373 = arith.constant 96 : index
      %swap3A_374 = tpu.vector_load %arg7[%swap3A_372, %swap3A_373] {strides = array<i32>} : memref<8x512xi32, #tpu.memory_space<vmem>>, vector<16xi32>,
      tpu.vector_store %arg7[%swap3A_372, %swap3A_373], %gather3A_358 {strides = array<i32>} : memref<8x512xi32, #tpu.memory_space<vmem>>, vector<16xi32>,
      %swap3A_375 = arith.constant 4 : i32
      %swap3A_376 = arith.index_cast %swap3A_375 : i32 to index
      %swap3A_377 = arith.constant 96 : index
      %swap3A_378 = tpu.vector_load %arg7[%swap3A_376, %swap3A_377] {strides = array<i32>} : memref<8x512xi32, #tpu.memory_space<vmem>>, vector<16xi32>,
      tpu.vector_store %arg7[%swap3A_376, %swap3A_377], %gather3A_358 {strides = array<i32>} : memref<8x512xi32, #tpu.memory_space<vmem>>, vector<16xi32>,
      %swap3A_379 = arith.constant 5 : i32
      %swap3A_380 = arith.index_cast %swap3A_379 : i32 to index
      %swap3A_381 = arith.constant 96 : index
      %swap3A_382 = tpu.vector_load %arg7[%swap3A_380, %swap3A_381] {strides = array<i32>} : memref<8x512xi32, #tpu.memory_space<vmem>>, vector<16xi32>,
      tpu.vector_store %arg7[%swap3A_380, %swap3A_381], %gather3A_358 {strides = array<i32>} : memref<8x512xi32, #tpu.memory_space<vmem>>, vector<16xi32>,
      %swap3A_383 = arith.constant 6 : i32
      %swap3A_384 = arith.index_cast %swap3A_383 : i32 to index
      %swap3A_385 = arith.constant 96 : index
      %swap3A_386 = tpu.vector_load %arg7[%swap3A_384, %swap3A_385] {strides = array<i32>} : memref<8x512xi32, #tpu.memory_space<vmem>>, vector<16xi32>,
      tpu.vector_store %arg7[%swap3A_384, %swap3A_385], %gather3A_358 {strides = array<i32>} : memref<8x512xi32, #tpu.memory_space<vmem>>, vector<16xi32>,
      %swap3A_387 = arith.constant 7 : i32
      %swap3A_388 = arith.index_cast %swap3A_387 : i32 to index
      %swap3A_389 = arith.constant 96 : index
      %swap3A_390 = tpu.vector_load %arg7[%swap3A_388, %swap3A_389] {strides = array<i32>} : memref<8x512xi32, #tpu.memory_space<vmem>>, vector<16xi32>,
      tpu.vector_store %arg7[%swap3A_388, %swap3A_389], %gather3A_358 {strides = array<i32>} : memref<8x512xi32, #tpu.memory_space<vmem>>, vector<16xi32>,
      %mul3A_391 = arith.constant 64 : i32
      %mul3A_392 = arith.muli %scan3A_118, %mul3A_391 : i32
      %add3A_393 = arith.constant 14 : i32
      %add3A_394 = arith.addi %mul3A_392, %add3A_393 : i32
      %add3A_395 = vector.broadcast %add3A_394 : i32 to vector<16xi32>
      %add3A_396 = arith.addi %add3A_395, %select_n3A_111 : vector<16xi32>
      %gather3A_397 = tpu.vector_load_idx %arg6[%add3A_396] : memref<512xi32, #tpu.memory_space<vmem>>[vector<16xi32>], vector<16xi32>,
      %swap3A_398 = arith.constant 0 : i32
      %swap3A_399 = arith.index_cast %swap3A_398 : i32 to index
      %swap3A_400 = arith.constant 112 : index
      %swap3A_401 = tpu.vector_load %arg7[%swap3A_399, %swap3A_400] {strides = array<i32>} : memref<8x512xi32, #tpu.memory_space<vmem>>, vector<16xi32>,
      tpu.vector_store %arg7[%swap3A_399, %swap3A_400], %gather3A_397 {strides = array<i32>} : memref<8x512xi32, #tpu.memory_space<vmem>>, vector<16xi32>,
      %swap3A_402 = arith.constant 1 : i32
      %swap3A_403 = arith.index_cast %swap3A_402 : i32 to index
      %swap3A_404 = arith.constant 112 : index
      %swap3A_405 = tpu.vector_load %arg7[%swap3A_403, %swap3A_404] {strides = array<i32>} : memref<8x512xi32, #tpu.memory_space<vmem>>, vector<16xi32>,
      tpu.vector_store %arg7[%swap3A_403, %swap3A_404], %gather3A_397 {strides = array<i32>} : memref<8x512xi32, #tpu.memory_space<vmem>>, vector<16xi32>,
      %swap3A_406 = arith.constant 2 : i32
      %swap3A_407 = arith.index_cast %swap3A_406 : i32 to index
      %swap3A_408 = arith.constant 112 : index
      %swap3A_409 = tpu.vector_load %arg7[%swap3A_407, %swap3A_408] {strides = array<i32>} : memref<8x512xi32, #tpu.memory_space<vmem>>, vector<16xi32>,
      tpu.vector_store %arg7[%swap3A_407, %swap3A_408], %gather3A_397 {strides = array<i32>} : memref<8x512xi32, #tpu.memory_space<vmem>>, vector<16xi32>,
      %swap3A_410 = arith.constant 3 : i32
      %swap3A_411 = arith.index_cast %swap3A_410 : i32 to index
      %swap3A_412 = arith.constant 112 : index
      %swap3A_413 = tpu.vector_load %arg7[%swap3A_411, %swap3A_412] {strides = array<i32>} : memref<8x512xi32, #tpu.memory_space<vmem>>, vector<16xi32>,
      tpu.vector_store %arg7[%swap3A_411, %swap3A_412], %gather3A_397 {strides = array<i32>} : memref<8x512xi32, #tpu.memory_space<vmem>>, vector<16xi32>,
      %swap3A_414 = arith.constant 4 : i32
      %swap3A_415 = arith.index_cast %swap3A_414 : i32 to index
      %swap3A_416 = arith.constant 112 : index
      %swap3A_417 = tpu.vector_load %arg7[%swap3A_415, %swap3A_416] {strides = array<i32>} : memref<8x512xi32, #tpu.memory_space<vmem>>, vector<16xi32>,
      tpu.vector_store %arg7[%swap3A_415, %swap3A_416], %gather3A_397 {strides = array<i32>} : memref<8x512xi32, #tpu.memory_space<vmem>>, vector<16xi32>,
      %swap3A_418 = arith.constant 5 : i32
      %swap3A_419 = arith.index_cast %swap3A_418 : i32 to index
      %swap3A_420 = arith.constant 112 : index
      %swap3A_421 = tpu.vector_load %arg7[%swap3A_419, %swap3A_420] {strides = array<i32>} : memref<8x512xi32, #tpu.memory_space<vmem>>, vector<16xi32>,
      tpu.vector_store %arg7[%swap3A_419, %swap3A_420], %gather3A_397 {strides = array<i32>} : memref<8x512xi32, #tpu.memory_space<vmem>>, vector<16xi32>,
      %swap3A_422 = arith.constant 6 : i32
      %swap3A_423 = arith.index_cast %swap3A_422 : i32 to index
      %swap3A_424 = arith.constant 112 : index
      %swap3A_425 = tpu.vector_load %arg7[%swap3A_423, %swap3A_424] {strides = array<i32>} : memref<8x512xi32, #tpu.memory_space<vmem>>, vector<16xi32>,
      tpu.vector_store %arg7[%swap3A_423, %swap3A_424], %gather3A_397 {strides = array<i32>} : memref<8x512xi32, #tpu.memory_space<vmem>>, vector<16xi32>,
      %swap3A_426 = arith.constant 7 : i32
      %swap3A_427 = arith.index_cast %swap3A_426 : i32 to index
      %swap3A_428 = arith.constant 112 : index
      %swap3A_429 = tpu.vector_load %arg7[%swap3A_427, %swap3A_428] {strides = array<i32>} : memref<8x512xi32, #tpu.memory_space<vmem>>, vector<16xi32>,
      tpu.vector_store %arg7[%swap3A_427, %swap3A_428], %gather3A_397 {strides = array<i32>} : memref<8x512xi32, #tpu.memory_space<vmem>>, vector<16xi32>,
      %mul3A_430 = arith.constant 64 : i32
      %mul3A_431 = arith.muli %scan3A_118, %mul3A_430 : i32
      %add3A_432 = arith.constant 16 : i32
      %add3A_433 = arith.addi %mul3A_431, %add3A_432 : i32
      %add3A_434 = vector.broadcast %add3A_433 : i32 to vector<16xi32>
      %add3A_435 = arith.addi %add3A_434, %select_n3A_111 : vector<16xi32>
      %gather3A_436 = tpu.vector_load_idx %arg6[%add3A_435] : memref<512xi32, #tpu.memory_space<vmem>>[vector<16xi32>], vector<16xi32>,
      %swap3A_437 = arith.constant 0 : i32
      %swap3A_438 = arith.index_cast %swap3A_437 : i32 to index
      %swap3A_439 = arith.constant 128 : index
      %swap3A_440 = tpu.vector_load %arg7[%swap3A_438, %swap3A_439] {strides = array<i32>} : memref<8x512xi32, #tpu.memory_space<vmem>>, vector<16xi32>,
      tpu.vector_store %arg7[%swap3A_438, %swap3A_439], %gather3A_436 {strides = array<i32>} : memref<8x512xi32, #tpu.memory_space<vmem>>, vector<16xi32>,
      %swap3A_441 = arith.constant 1 : i32
      %swap3A_442 = arith.index_cast %swap3A_441 : i32 to index
      %swap3A_443 = arith.constant 128 : index
      %swap3A_444 = tpu.vector_load %arg7[%swap3A_442, %swap3A_443] {strides = array<i32>} : memref<8x512xi32, #tpu.memory_space<vmem>>, vector<16xi32>,
      tpu.vector_store %arg7[%swap3A_442, %swap3A_443], %gather3A_436 {strides = array<i32>} : memref<8x512xi32, #tpu.memory_space<vmem>>, vector<16xi32>,
      %swap3A_445 = arith.constant 2 : i32
      %swap3A_446 = arith.index_cast %swap3A_445 : i32 to index
      %swap3A_447 = arith.constant 128 : index
      %swap3A_448 = tpu.vector_load %arg7[%swap3A_446, %swap3A_447] {strides = array<i32>} : memref<8x512xi32, #tpu.memory_space<vmem>>, vector<16xi32>,
      tpu.vector_store %arg7[%swap3A_446, %swap3A_447], %gather3A_436 {strides = array<i32>} : memref<8x512xi32, #tpu.memory_space<vmem>>, vector<16xi32>,
      %swap3A_449 = arith.constant 3 : i32
      %swap3A_450 = arith.index_cast %swap3A_449 : i32 to index
      %swap3A_451 = arith.constant 128 : index
      %swap3A_452 = tpu.vector_load %arg7[%swap3A_450, %swap3A_451] {strides = array<i32>} : memref<8x512xi32, #tpu.memory_space<vmem>>, vector<16xi32>,
      tpu.vector_store %arg7[%swap3A_450, %swap3A_451], %gather3A_436 {strides = array<i32>} : memref<8x512xi32, #tpu.memory_space<vmem>>, vector<16xi32>,
      %swap3A_453 = arith.constant 4 : i32
      %swap3A_454 = arith.index_cast %swap3A_453 : i32 to index
      %swap3A_455 = arith.constant 128 : index
      %swap3A_456 = tpu.vector_load %arg7[%swap3A_454, %swap3A_455] {strides = array<i32>} : memref<8x512xi32, #tpu.memory_space<vmem>>, vector<16xi32>,
      tpu.vector_store %arg7[%swap3A_454, %swap3A_455], %gather3A_436 {strides = array<i32>} : memref<8x512xi32, #tpu.memory_space<vmem>>, vector<16xi32>,
      %swap3A_457 = arith.constant 5 : i32
      %swap3A_458 = arith.index_cast %swap3A_457 : i32 to index
      %swap3A_459 = arith.constant 128 : index
      %swap3A_460 = tpu.vector_load %arg7[%swap3A_458, %swap3A_459] {strides = array<i32>} : memref<8x512xi32, #tpu.memory_space<vmem>>, vector<16xi32>,
      tpu.vector_store %arg7[%swap3A_458, %swap3A_459], %gather3A_436 {strides = array<i32>} : memref<8x512xi32, #tpu.memory_space<vmem>>, vector<16xi32>,
      %swap3A_461 = arith.constant 6 : i32
      %swap3A_462 = arith.index_cast %swap3A_461 : i32 to index
      %swap3A_463 = arith.constant 128 : index
      %swap3A_464 = tpu.vector_load %arg7[%swap3A_462, %swap3A_463] {strides = array<i32>} : memref<8x512xi32, #tpu.memory_space<vmem>>, vector<16xi32>,
      tpu.vector_store %arg7[%swap3A_462, %swap3A_463], %gather3A_436 {strides = array<i32>} : memref<8x512xi32, #tpu.memory_space<vmem>>, vector<16xi32>,
      %swap3A_465 = arith.constant 7 : i32
      %swap3A_466 = arith.index_cast %swap3A_465 : i32 to index
      %swap3A_467 = arith.constant 128 : index
      %swap3A_468 = tpu.vector_load %arg7[%swap3A_466, %swap3A_467] {strides = array<i32>} : memref<8x512xi32, #tpu.memory_space<vmem>>, vector<16xi32>,
      tpu.vector_store %arg7[%swap3A_466, %swap3A_467], %gather3A_436 {strides = array<i32>} : memref<8x512xi32, #tpu.memory_space<vmem>>, vector<16xi32>,
      %mul3A_469 = arith.constant 64 : i32
      %mul3A_470 = arith.muli %scan3A_118, %mul3A_469 : i32
      %add3A_471 = arith.constant 18 : i32
      %add3A_472 = arith.addi %mul3A_470, %add3A_471 : i32
      %add3A_473 = vector.broadcast %add3A_472 : i32 to vector<16xi32>
      %add3A_474 = arith.addi %add3A_473, %select_n3A_111 : vector<16xi32>
      %gather3A_475 = tpu.vector_load_idx %arg6[%add3A_474] : memref<512xi32, #tpu.memory_space<vmem>>[vector<16xi32>], vector<16xi32>,
      %swap3A_476 = arith.constant 0 : i32
      %swap3A_477 = arith.index_cast %swap3A_476 : i32 to index
      %swap3A_478 = arith.constant 144 : index
      %swap3A_479 = tpu.vector_load %arg7[%swap3A_477, %swap3A_478] {strides = array<i32>} : memref<8x512xi32, #tpu.memory_space<vmem>>, vector<16xi32>,
      tpu.vector_store %arg7[%swap3A_477, %swap3A_478], %gather3A_475 {strides = array<i32>} : memref<8x512xi32, #tpu.memory_space<vmem>>, vector<16xi32>,
      %swap3A_480 = arith.constant 1 : i32
      %swap3A_481 = arith.index_cast %swap3A_480 : i32 to index
      %swap3A_482 = arith.constant 144 : index
      %swap3A_483 = tpu.vector_load %arg7[%swap3A_481, %swap3A_482] {strides = array<i32>} : memref<8x512xi32, #tpu.memory_space<vmem>>, vector<16xi32>,
      tpu.vector_store %arg7[%swap3A_481, %swap3A_482], %gather3A_475 {strides = array<i32>} : memref<8x512xi32, #tpu.memory_space<vmem>>, vector<16xi32>,
      %swap3A_484 = arith.constant 2 : i32
      %swap3A_485 = arith.index_cast %swap3A_484 : i32 to index
      %swap3A_486 = arith.constant 144 : index
      %swap3A_487 = tpu.vector_load %arg7[%swap3A_485, %swap3A_486] {strides = array<i32>} : memref<8x512xi32, #tpu.memory_space<vmem>>, vector<16xi32>,
      tpu.vector_store %arg7[%swap3A_485, %swap3A_486], %gather3A_475 {strides = array<i32>} : memref<8x512xi32, #tpu.memory_space<vmem>>, vector<16xi32>,
      %swap3A_488 = arith.constant 3 : i32
      %swap3A_489 = arith.index_cast %swap3A_488 : i32 to index
      %swap3A_490 = arith.constant 144 : index
      %swap3A_491 = tpu.vector_load %arg7[%swap3A_489, %swap3A_490] {strides = array<i32>} : memref<8x512xi32, #tpu.memory_space<vmem>>, vector<16xi32>,
      tpu.vector_store %arg7[%swap3A_489, %swap3A_490], %gather3A_475 {strides = array<i32>} : memref<8x512xi32, #tpu.memory_space<vmem>>, vector<16xi32>,
      %swap3A_492 = arith.constant 4 : i32
      %swap3A_493 = arith.index_cast %swap3A_492 : i32 to index
      %swap3A_494 = arith.constant 144 : index
      %swap3A_495 = tpu.vector_load %arg7[%swap3A_493, %swap3A_494] {strides = array<i32>} : memref<8x512xi32, #tpu.memory_space<vmem>>, vector<16xi32>,
      tpu.vector_store %arg7[%swap3A_493, %swap3A_494], %gather3A_475 {strides = array<i32>} : memref<8x512xi32, #tpu.memory_space<vmem>>, vector<16xi32>,
      %swap3A_496 = arith.constant 5 : i32
      %swap3A_497 = arith.index_cast %swap3A_496 : i32 to index
      %swap3A_498 = arith.constant 144 : index
      %swap3A_499 = tpu.vector_load %arg7[%swap3A_497, %swap3A_498] {strides = array<i32>} : memref<8x512xi32, #tpu.memory_space<vmem>>, vector<16xi32>,
      tpu.vector_store %arg7[%swap3A_497, %swap3A_498], %gather3A_475 {strides = array<i32>} : memref<8x512xi32, #tpu.memory_space<vmem>>, vector<16xi32>,
      %swap3A_500 = arith.constant 6 : i32
      %swap3A_501 = arith.index_cast %swap3A_500 : i32 to index
      %swap3A_502 = arith.constant 144 : index
      %swap3A_503 = tpu.vector_load %arg7[%swap3A_501, %swap3A_502] {strides = array<i32>} : memref<8x512xi32, #tpu.memory_space<vmem>>, vector<16xi32>,
      tpu.vector_store %arg7[%swap3A_501, %swap3A_502], %gather3A_475 {strides = array<i32>} : memref<8x512xi32, #tpu.memory_space<vmem>>, vector<16xi32>,
      %swap3A_504 = arith.constant 7 : i32
      %swap3A_505 = arith.index_cast %swap3A_504 : i32 to index
      %swap3A_506 = arith.constant 144 : index
      %swap3A_507 = tpu.vector_load %arg7[%swap3A_505, %swap3A_506] {strides = array<i32>} : memref<8x512xi32, #tpu.memory_space<vmem>>, vector<16xi32>,
      tpu.vector_store %arg7[%swap3A_505, %swap3A_506], %gather3A_475 {strides = array<i32>} : memref<8x512xi32, #tpu.memory_space<vmem>>, vector<16xi32>,
      %mul3A_508 = arith.constant 64 : i32
      %mul3A_509 = arith.muli %scan3A_118, %mul3A_508 : i32
      %add3A_510 = arith.constant 20 : i32
      %add3A_511 = arith.addi %mul3A_509, %add3A_510 : i32
      %add3A_512 = vector.broadcast %add3A_511 : i32 to vector<16xi32>
      %add3A_513 = arith.addi %add3A_512, %select_n3A_111 : vector<16xi32>
      %gather3A_514 = tpu.vector_load_idx %arg6[%add3A_513] : memref<512xi32, #tpu.memory_space<vmem>>[vector<16xi32>], vector<16xi32>,
      %swap3A_515 = arith.constant 0 : i32
      %swap3A_516 = arith.index_cast %swap3A_515 : i32 to index
      %swap3A_517 = arith.constant 160 : index
      %swap3A_518 = tpu.vector_load %arg7[%swap3A_516, %swap3A_517] {strides = array<i32>} : memref<8x512xi32, #tpu.memory_space<vmem>>, vector<16xi32>,
      tpu.vector_store %arg7[%swap3A_516, %swap3A_517], %gather3A_514 {strides = array<i32>} : memref<8x512xi32, #tpu.memory_space<vmem>>, vector<16xi32>,
      %swap3A_519 = arith.constant 1 : i32
      %swap3A_520 = arith.index_cast %swap3A_519 : i32 to index
      %swap3A_521 = arith.constant 160 : index
      %swap3A_522 = tpu.vector_load %arg7[%swap3A_520, %swap3A_521] {strides = array<i32>} : memref<8x512xi32, #tpu.memory_space<vmem>>, vector<16xi32>,
      tpu.vector_store %arg7[%swap3A_520, %swap3A_521], %gather3A_514 {strides = array<i32>} : memref<8x512xi32, #tpu.memory_space<vmem>>, vector<16xi32>,
      %swap3A_523 = arith.constant 2 : i32
      %swap3A_524 = arith.index_cast %swap3A_523 : i32 to index
      %swap3A_525 = arith.constant 160 : index
      %swap3A_526 = tpu.vector_load %arg7[%swap3A_524, %swap3A_525] {strides = array<i32>} : memref<8x512xi32, #tpu.memory_space<vmem>>, vector<16xi32>,
      tpu.vector_store %arg7[%swap3A_524, %swap3A_525], %gather3A_514 {strides = array<i32>} : memref<8x512xi32, #tpu.memory_space<vmem>>, vector<16xi32>,
      %swap3A_527 = arith.constant 3 : i32
      %swap3A_528 = arith.index_cast %swap3A_527 : i32 to index
      %swap3A_529 = arith.constant 160 : index
      %swap3A_530 = tpu.vector_load %arg7[%swap3A_528, %swap3A_529] {strides = array<i32>} : memref<8x512xi32, #tpu.memory_space<vmem>>, vector<16xi32>,
      tpu.vector_store %arg7[%swap3A_528, %swap3A_529], %gather3A_514 {strides = array<i32>} : memref<8x512xi32, #tpu.memory_space<vmem>>, vector<16xi32>,
      %swap3A_531 = arith.constant 4 : i32
      %swap3A_532 = arith.index_cast %swap3A_531 : i32 to index
      %swap3A_533 = arith.constant 160 : index
      %swap3A_534 = tpu.vector_load %arg7[%swap3A_532, %swap3A_533] {strides = array<i32>} : memref<8x512xi32, #tpu.memory_space<vmem>>, vector<16xi32>,
      tpu.vector_store %arg7[%swap3A_532, %swap3A_533], %gather3A_514 {strides = array<i32>} : memref<8x512xi32, #tpu.memory_space<vmem>>, vector<16xi32>,
      %swap3A_535 = arith.constant 5 : i32
      %swap3A_536 = arith.index_cast %swap3A_535 : i32 to index
      %swap3A_537 = arith.constant 160 : index
      %swap3A_538 = tpu.vector_load %arg7[%swap3A_536, %swap3A_537] {strides = array<i32>} : memref<8x512xi32, #tpu.memory_space<vmem>>, vector<16xi32>,
      tpu.vector_store %arg7[%swap3A_536, %swap3A_537], %gather3A_514 {strides = array<i32>} : memref<8x512xi32, #tpu.memory_space<vmem>>, vector<16xi32>,
      %swap3A_539 = arith.constant 6 : i32
      %swap3A_540 = arith.index_cast %swap3A_539 : i32 to index
      %swap3A_541 = arith.constant 160 : index
      %swap3A_542 = tpu.vector_load %arg7[%swap3A_540, %swap3A_541] {strides = array<i32>} : memref<8x512xi32, #tpu.memory_space<vmem>>, vector<16xi32>,
      tpu.vector_store %arg7[%swap3A_540, %swap3A_541], %gather3A_514 {strides = array<i32>} : memref<8x512xi32, #tpu.memory_space<vmem>>, vector<16xi32>,
      %swap3A_543 = arith.constant 7 : i32
      %swap3A_544 = arith.index_cast %swap3A_543 : i32 to index
      %swap3A_545 = arith.constant 160 : index
      %swap3A_546 = tpu.vector_load %arg7[%swap3A_544, %swap3A_545] {strides = array<i32>} : memref<8x512xi32, #tpu.memory_space<vmem>>, vector<16xi32>,
      tpu.vector_store %arg7[%swap3A_544, %swap3A_545], %gather3A_514 {strides = array<i32>} : memref<8x512xi32, #tpu.memory_space<vmem>>, vector<16xi32>,
      %mul3A_547 = arith.constant 64 : i32
      %mul3A_548 = arith.muli %scan3A_118, %mul3A_547 : i32
      %add3A_549 = arith.constant 22 : i32
      %add3A_550 = arith.addi %mul3A_548, %add3A_549 : i32
      %add3A_551 = vector.broadcast %add3A_550 : i32 to vector<16xi32>
      %add3A_552 = arith.addi %add3A_551, %select_n3A_111 : vector<16xi32>
      %gather3A_553 = tpu.vector_load_idx %arg6[%add3A_552] : memref<512xi32, #tpu.memory_space<vmem>>[vector<16xi32>], vector<16xi32>,
      %swap3A_554 = arith.constant 0 : i32
      %swap3A_555 = arith.index_cast %swap3A_554 : i32 to index
      %swap3A_556 = arith.constant 176 : index
      %swap3A_557 = tpu.vector_load %arg7[%swap3A_555, %swap3A_556] {strides = array<i32>} : memref<8x512xi32, #tpu.memory_space<vmem>>, vector<16xi32>,
      tpu.vector_store %arg7[%swap3A_555, %swap3A_556], %gather3A_553 {strides = array<i32>} : memref<8x512xi32, #tpu.memory_space<vmem>>, vector<16xi32>,
      %swap3A_558 = arith.constant 1 : i32
      %swap3A_559 = arith.index_cast %swap3A_558 : i32 to index
      %swap3A_560 = arith.constant 176 : index
      %swap3A_561 = tpu.vector_load %arg7[%swap3A_559, %swap3A_560] {strides = array<i32>} : memref<8x512xi32, #tpu.memory_space<vmem>>, vector<16xi32>,
      tpu.vector_store %arg7[%swap3A_559, %swap3A_560], %gather3A_553 {strides = array<i32>} : memref<8x512xi32, #tpu.memory_space<vmem>>, vector<16xi32>,
      %swap3A_562 = arith.constant 2 : i32
      %swap3A_563 = arith.index_cast %swap3A_562 : i32 to index
      %swap3A_564 = arith.constant 176 : index
      %swap3A_565 = tpu.vector_load %arg7[%swap3A_563, %swap3A_564] {strides = array<i32>} : memref<8x512xi32, #tpu.memory_space<vmem>>, vector<16xi32>,
      tpu.vector_store %arg7[%swap3A_563, %swap3A_564], %gather3A_553 {strides = array<i32>} : memref<8x512xi32, #tpu.memory_space<vmem>>, vector<16xi32>,
      %swap3A_566 = arith.constant 3 : i32
      %swap3A_567 = arith.index_cast %swap3A_566 : i32 to index
      %swap3A_568 = arith.constant 176 : index
      %swap3A_569 = tpu.vector_load %arg7[%swap3A_567, %swap3A_568] {strides = array<i32>} : memref<8x512xi32, #tpu.memory_space<vmem>>, vector<16xi32>,
      tpu.vector_store %arg7[%swap3A_567, %swap3A_568], %gather3A_553 {strides = array<i32>} : memref<8x512xi32, #tpu.memory_space<vmem>>, vector<16xi32>,
      %swap3A_570 = arith.constant 4 : i32
      %swap3A_571 = arith.index_cast %swap3A_570 : i32 to index
      %swap3A_572 = arith.constant 176 : index
      %swap3A_573 = tpu.vector_load %arg7[%swap3A_571, %swap3A_572] {strides = array<i32>} : memref<8x512xi32, #tpu.memory_space<vmem>>, vector<16xi32>,
      tpu.vector_store %arg7[%swap3A_571, %swap3A_572], %gather3A_553 {strides = array<i32>} : memref<8x512xi32, #tpu.memory_space<vmem>>, vector<16xi32>,
      %swap3A_574 = arith.constant 5 : i32
      %swap3A_575 = arith.index_cast %swap3A_574 : i32 to index
      %swap3A_576 = arith.constant 176 : index
      %swap3A_577 = tpu.vector_load %arg7[%swap3A_575, %swap3A_576] {strides = array<i32>} : memref<8x512xi32, #tpu.memory_space<vmem>>, vector<16xi32>,
      tpu.vector_store %arg7[%swap3A_575, %swap3A_576], %gather3A_553 {strides = array<i32>} : memref<8x512xi32, #tpu.memory_space<vmem>>, vector<16xi32>,
      %swap3A_578 = arith.constant 6 : i32
      %swap3A_579 = arith.index_cast %swap3A_578 : i32 to index
      %swap3A_580 = arith.constant 176 : index
      %swap3A_581 = tpu.vector_load %arg7[%swap3A_579, %swap3A_580] {strides = array<i32>} : memref<8x512xi32, #tpu.memory_space<vmem>>, vector<16xi32>,
      tpu.vector_store %arg7[%swap3A_579, %swap3A_580], %gather3A_553 {strides = array<i32>} : memref<8x512xi32, #tpu.memory_space<vmem>>, vector<16xi32>,
      %swap3A_582 = arith.constant 7 : i32
      %swap3A_583 = arith.index_cast %swap3A_582 : i32 to index
      %swap3A_584 = arith.constant 176 : index
      %swap3A_585 = tpu.vector_load %arg7[%swap3A_583, %swap3A_584] {strides = array<i32>} : memref<8x512xi32, #tpu.memory_space<vmem>>, vector<16xi32>,
      tpu.vector_store %arg7[%swap3A_583, %swap3A_584], %gather3A_553 {strides = array<i32>} : memref<8x512xi32, #tpu.memory_space<vmem>>, vector<16xi32>,
      %mul3A_586 = arith.constant 64 : i32
      %mul3A_587 = arith.muli %scan3A_118, %mul3A_586 : i32
      %add3A_588 = arith.constant 24 : i32
      %add3A_589 = arith.addi %mul3A_587, %add3A_588 : i32
      %add3A_590 = vector.broadcast %add3A_589 : i32 to vector<16xi32>
      %add3A_591 = arith.addi %add3A_590, %select_n3A_111 : vector<16xi32>
      %gather3A_592 = tpu.vector_load_idx %arg6[%add3A_591] : memref<512xi32, #tpu.memory_space<vmem>>[vector<16xi32>], vector<16xi32>,
      %swap3A_593 = arith.constant 0 : i32
      %swap3A_594 = arith.index_cast %swap3A_593 : i32 to index
      %swap3A_595 = arith.constant 192 : index
      %swap3A_596 = tpu.vector_load %arg7[%swap3A_594, %swap3A_595] {strides = array<i32>} : memref<8x512xi32, #tpu.memory_space<vmem>>, vector<16xi32>,
      tpu.vector_store %arg7[%swap3A_594, %swap3A_595], %gather3A_592 {strides = array<i32>} : memref<8x512xi32, #tpu.memory_space<vmem>>, vector<16xi32>,
      %swap3A_597 = arith.constant 1 : i32
      %swap3A_598 = arith.index_cast %swap3A_597 : i32 to index
      %swap3A_599 = arith.constant 192 : index
      %swap3A_600 = tpu.vector_load %arg7[%swap3A_598, %swap3A_599] {strides = array<i32>} : memref<8x512xi32, #tpu.memory_space<vmem>>, vector<16xi32>,
      tpu.vector_store %arg7[%swap3A_598, %swap3A_599], %gather3A_592 {strides = array<i32>} : memref<8x512xi32, #tpu.memory_space<vmem>>, vector<16xi32>,
      %swap3A_601 = arith.constant 2 : i32
      %swap3A_602 = arith.index_cast %swap3A_601 : i32 to index
      %swap3A_603 = arith.constant 192 : index
      %swap3A_604 = tpu.vector_load %arg7[%swap3A_602, %swap3A_603] {strides = array<i32>} : memref<8x512xi32, #tpu.memory_space<vmem>>, vector<16xi32>,
      tpu.vector_store %arg7[%swap3A_602, %swap3A_603], %gather3A_592 {strides = array<i32>} : memref<8x512xi32, #tpu.memory_space<vmem>>, vector<16xi32>,
      %swap3A_605 = arith.constant 3 : i32
      %swap3A_606 = arith.index_cast %swap3A_605 : i32 to index
      %swap3A_607 = arith.constant 192 : index
      %swap3A_608 = tpu.vector_load %arg7[%swap3A_606, %swap3A_607] {strides = array<i32>} : memref<8x512xi32, #tpu.memory_space<vmem>>, vector<16xi32>,
      tpu.vector_store %arg7[%swap3A_606, %swap3A_607], %gather3A_592 {strides = array<i32>} : memref<8x512xi32, #tpu.memory_space<vmem>>, vector<16xi32>,
      %swap3A_609 = arith.constant 4 : i32
      %swap3A_610 = arith.index_cast %swap3A_609 : i32 to index
      %swap3A_611 = arith.constant 192 : index
      %swap3A_612 = tpu.vector_load %arg7[%swap3A_610, %swap3A_611] {strides = array<i32>} : memref<8x512xi32, #tpu.memory_space<vmem>>, vector<16xi32>,
      tpu.vector_store %arg7[%swap3A_610, %swap3A_611], %gather3A_592 {strides = array<i32>} : memref<8x512xi32, #tpu.memory_space<vmem>>, vector<16xi32>,
      %swap3A_613 = arith.constant 5 : i32
      %swap3A_614 = arith.index_cast %swap3A_613 : i32 to index
      %swap3A_615 = arith.constant 192 : index
      %swap3A_616 = tpu.vector_load %arg7[%swap3A_614, %swap3A_615] {strides = array<i32>} : memref<8x512xi32, #tpu.memory_space<vmem>>, vector<16xi32>,
      tpu.vector_store %arg7[%swap3A_614, %swap3A_615], %gather3A_592 {strides = array<i32>} : memref<8x512xi32, #tpu.memory_space<vmem>>, vector<16xi32>,
      %swap3A_617 = arith.constant 6 : i32
      %swap3A_618 = arith.index_cast %swap3A_617 : i32 to index
      %swap3A_619 = arith.constant 192 : index
      %swap3A_620 = tpu.vector_load %arg7[%swap3A_618, %swap3A_619] {strides = array<i32>} : memref<8x512xi32, #tpu.memory_space<vmem>>, vector<16xi32>,
      tpu.vector_store %arg7[%swap3A_618, %swap3A_619], %gather3A_592 {strides = array<i32>} : memref<8x512xi32, #tpu.memory_space<vmem>>, vector<16xi32>,
      %swap3A_621 = arith.constant 7 : i32
      %swap3A_622 = arith.index_cast %swap3A_621 : i32 to index
      %swap3A_623 = arith.constant 192 : index
      %swap3A_624 = tpu.vector_load %arg7[%swap3A_622, %swap3A_623] {strides = array<i32>} : memref<8x512xi32, #tpu.memory_space<vmem>>, vector<16xi32>,
      tpu.vector_store %arg7[%swap3A_622, %swap3A_623], %gather3A_592 {strides = array<i32>} : memref<8x512xi32, #tpu.memory_space<vmem>>, vector<16xi32>,
      %mul3A_625 = arith.constant 64 : i32
      %mul3A_626 = arith.muli %scan3A_118, %mul3A_625 : i32
      %add3A_627 = arith.constant 26 : i32
      %add3A_628 = arith.addi %mul3A_626, %add3A_627 : i32
      %add3A_629 = vector.broadcast %add3A_628 : i32 to vector<16xi32>
      %add3A_630 = arith.addi %add3A_629, %select_n3A_111 : vector<16xi32>
      %gather3A_631 = tpu.vector_load_idx %arg6[%add3A_630] : memref<512xi32, #tpu.memory_space<vmem>>[vector<16xi32>], vector<16xi32>,
      %swap3A_632 = arith.constant 0 : i32
      %swap3A_633 = arith.index_cast %swap3A_632 : i32 to index
      %swap3A_634 = arith.constant 208 : index
      %swap3A_635 = tpu.vector_load %arg7[%swap3A_633, %swap3A_634] {strides = array<i32>} : memref<8x512xi32, #tpu.memory_space<vmem>>, vector<16xi32>,
      tpu.vector_store %arg7[%swap3A_633, %swap3A_634], %gather3A_631 {strides = array<i32>} : memref<8x512xi32, #tpu.memory_space<vmem>>, vector<16xi32>,
      %swap3A_636 = arith.constant 1 : i32
      %swap3A_637 = arith.index_cast %swap3A_636 : i32 to index
      %swap3A_638 = arith.constant 208 : index
      %swap3A_639 = tpu.vector_load %arg7[%swap3A_637, %swap3A_638] {strides = array<i32>} : memref<8x512xi32, #tpu.memory_space<vmem>>, vector<16xi32>,
      tpu.vector_store %arg7[%swap3A_637, %swap3A_638], %gather3A_631 {strides = array<i32>} : memref<8x512xi32, #tpu.memory_space<vmem>>, vector<16xi32>,
      %swap3A_640 = arith.constant 2 : i32
      %swap3A_641 = arith.index_cast %swap3A_640 : i32 to index
      %swap3A_642 = arith.constant 208 : index
      %swap3A_643 = tpu.vector_load %arg7[%swap3A_641, %swap3A_642] {strides = array<i32>} : memref<8x512xi32, #tpu.memory_space<vmem>>, vector<16xi32>,
      tpu.vector_store %arg7[%swap3A_641, %swap3A_642], %gather3A_631 {strides = array<i32>} : memref<8x512xi32, #tpu.memory_space<vmem>>, vector<16xi32>,
      %swap3A_644 = arith.constant 3 : i32
      %swap3A_645 = arith.index_cast %swap3A_644 : i32 to index
      %swap3A_646 = arith.constant 208 : index
      %swap3A_647 = tpu.vector_load %arg7[%swap3A_645, %swap3A_646] {strides = array<i32>} : memref<8x512xi32, #tpu.memory_space<vmem>>, vector<16xi32>,
      tpu.vector_store %arg7[%swap3A_645, %swap3A_646], %gather3A_631 {strides = array<i32>} : memref<8x512xi32, #tpu.memory_space<vmem>>, vector<16xi32>,
      %swap3A_648 = arith.constant 4 : i32
      %swap3A_649 = arith.index_cast %swap3A_648 : i32 to index
      %swap3A_650 = arith.constant 208 : index
      %swap3A_651 = tpu.vector_load %arg7[%swap3A_649, %swap3A_650] {strides = array<i32>} : memref<8x512xi32, #tpu.memory_space<vmem>>, vector<16xi32>,
      tpu.vector_store %arg7[%swap3A_649, %swap3A_650], %gather3A_631 {strides = array<i32>} : memref<8x512xi32, #tpu.memory_space<vmem>>, vector<16xi32>,
      %swap3A_652 = arith.constant 5 : i32
      %swap3A_653 = arith.index_cast %swap3A_652 : i32 to index
      %swap3A_654 = arith.constant 208 : index
      %swap3A_655 = tpu.vector_load %arg7[%swap3A_653, %swap3A_654] {strides = array<i32>} : memref<8x512xi32, #tpu.memory_space<vmem>>, vector<16xi32>,
      tpu.vector_store %arg7[%swap3A_653, %swap3A_654], %gather3A_631 {strides = array<i32>} : memref<8x512xi32, #tpu.memory_space<vmem>>, vector<16xi32>,
      %swap3A_656 = arith.constant 6 : i32
      %swap3A_657 = arith.index_cast %swap3A_656 : i32 to index
      %swap3A_658 = arith.constant 208 : index
      %swap3A_659 = tpu.vector_load %arg7[%swap3A_657, %swap3A_658] {strides = array<i32>} : memref<8x512xi32, #tpu.memory_space<vmem>>, vector<16xi32>,
      tpu.vector_store %arg7[%swap3A_657, %swap3A_658], %gather3A_631 {strides = array<i32>} : memref<8x512xi32, #tpu.memory_space<vmem>>, vector<16xi32>,
      %swap3A_660 = arith.constant 7 : i32
      %swap3A_661 = arith.index_cast %swap3A_660 : i32 to index
      %swap3A_662 = arith.constant 208 : index
      %swap3A_663 = tpu.vector_load %arg7[%swap3A_661, %swap3A_662] {strides = array<i32>} : memref<8x512xi32, #tpu.memory_space<vmem>>, vector<16xi32>,
      tpu.vector_store %arg7[%swap3A_661, %swap3A_662], %gather3A_631 {strides = array<i32>} : memref<8x512xi32, #tpu.memory_space<vmem>>, vector<16xi32>,
      %mul3A_664 = arith.constant 64 : i32
      %mul3A_665 = arith.muli %scan3A_118, %mul3A_664 : i32
      %add3A_666 = arith.constant 28 : i32
      %add3A_667 = arith.addi %mul3A_665, %add3A_666 : i32
      %add3A_668 = vector.broadcast %add3A_667 : i32 to vector<16xi32>
      %add3A_669 = arith.addi %add3A_668, %select_n3A_111 : vector<16xi32>
      %gather3A_670 = tpu.vector_load_idx %arg6[%add3A_669] : memref<512xi32, #tpu.memory_space<vmem>>[vector<16xi32>], vector<16xi32>,
      %swap3A_671 = arith.constant 0 : i32
      %swap3A_672 = arith.index_cast %swap3A_671 : i32 to index
      %swap3A_673 = arith.constant 224 : index
      %swap3A_674 = tpu.vector_load %arg7[%swap3A_672, %swap3A_673] {strides = array<i32>} : memref<8x512xi32, #tpu.memory_space<vmem>>, vector<16xi32>,
      tpu.vector_store %arg7[%swap3A_672, %swap3A_673], %gather3A_670 {strides = array<i32>} : memref<8x512xi32, #tpu.memory_space<vmem>>, vector<16xi32>,
      %swap3A_675 = arith.constant 1 : i32
      %swap3A_676 = arith.index_cast %swap3A_675 : i32 to index
      %swap3A_677 = arith.constant 224 : index
      %swap3A_678 = tpu.vector_load %arg7[%swap3A_676, %swap3A_677] {strides = array<i32>} : memref<8x512xi32, #tpu.memory_space<vmem>>, vector<16xi32>,
      tpu.vector_store %arg7[%swap3A_676, %swap3A_677], %gather3A_670 {strides = array<i32>} : memref<8x512xi32, #tpu.memory_space<vmem>>, vector<16xi32>,
      %swap3A_679 = arith.constant 2 : i32
      %swap3A_680 = arith.index_cast %swap3A_679 : i32 to index
      %swap3A_681 = arith.constant 224 : index
      %swap3A_682 = tpu.vector_load %arg7[%swap3A_680, %swap3A_681] {strides = array<i32>} : memref<8x512xi32, #tpu.memory_space<vmem>>, vector<16xi32>,
      tpu.vector_store %arg7[%swap3A_680, %swap3A_681], %gather3A_670 {strides = array<i32>} : memref<8x512xi32, #tpu.memory_space<vmem>>, vector<16xi32>,
      %swap3A_683 = arith.constant 3 : i32
      %swap3A_684 = arith.index_cast %swap3A_683 : i32 to index
      %swap3A_685 = arith.constant 224 : index
      %swap3A_686 = tpu.vector_load %arg7[%swap3A_684, %swap3A_685] {strides = array<i32>} : memref<8x512xi32, #tpu.memory_space<vmem>>, vector<16xi32>,
      tpu.vector_store %arg7[%swap3A_684, %swap3A_685], %gather3A_670 {strides = array<i32>} : memref<8x512xi32, #tpu.memory_space<vmem>>, vector<16xi32>,
      %swap3A_687 = arith.constant 4 : i32
      %swap3A_688 = arith.index_cast %swap3A_687 : i32 to index
      %swap3A_689 = arith.constant 224 : index
      %swap3A_690 = tpu.vector_load %arg7[%swap3A_688, %swap3A_689] {strides = array<i32>} : memref<8x512xi32, #tpu.memory_space<vmem>>, vector<16xi32>,
      tpu.vector_store %arg7[%swap3A_688, %swap3A_689], %gather3A_670 {strides = array<i32>} : memref<8x512xi32, #tpu.memory_space<vmem>>, vector<16xi32>,
      %swap3A_691 = arith.constant 5 : i32
      %swap3A_692 = arith.index_cast %swap3A_691 : i32 to index
      %swap3A_693 = arith.constant 224 : index
      %swap3A_694 = tpu.vector_load %arg7[%swap3A_692, %swap3A_693] {strides = array<i32>} : memref<8x512xi32, #tpu.memory_space<vmem>>, vector<16xi32>,
      tpu.vector_store %arg7[%swap3A_692, %swap3A_693], %gather3A_670 {strides = array<i32>} : memref<8x512xi32, #tpu.memory_space<vmem>>, vector<16xi32>,
      %swap3A_695 = arith.constant 6 : i32
      %swap3A_696 = arith.index_cast %swap3A_695 : i32 to index
      %swap3A_697 = arith.constant 224 : index
      %swap3A_698 = tpu.vector_load %arg7[%swap3A_696, %swap3A_697] {strides = array<i32>} : memref<8x512xi32, #tpu.memory_space<vmem>>, vector<16xi32>,
      tpu.vector_store %arg7[%swap3A_696, %swap3A_697], %gather3A_670 {strides = array<i32>} : memref<8x512xi32, #tpu.memory_space<vmem>>, vector<16xi32>,
      %swap3A_699 = arith.constant 7 : i32
      %swap3A_700 = arith.index_cast %swap3A_699 : i32 to index
      %swap3A_701 = arith.constant 224 : index
      %swap3A_702 = tpu.vector_load %arg7[%swap3A_700, %swap3A_701] {strides = array<i32>} : memref<8x512xi32, #tpu.memory_space<vmem>>, vector<16xi32>,
      tpu.vector_store %arg7[%swap3A_700, %swap3A_701], %gather3A_670 {strides = array<i32>} : memref<8x512xi32, #tpu.memory_space<vmem>>, vector<16xi32>,
      %mul3A_703 = arith.constant 64 : i32
      %mul3A_704 = arith.muli %scan3A_118, %mul3A_703 : i32
      %add3A_705 = arith.constant 30 : i32
      %add3A_706 = arith.addi %mul3A_704, %add3A_705 : i32
      %add3A_707 = vector.broadcast %add3A_706 : i32 to vector<16xi32>
      %add3A_708 = arith.addi %add3A_707, %select_n3A_111 : vector<16xi32>
      %gather3A_709 = tpu.vector_load_idx %arg6[%add3A_708] : memref<512xi32, #tpu.memory_space<vmem>>[vector<16xi32>], vector<16xi32>,
      %swap3A_710 = arith.constant 0 : i32
      %swap3A_711 = arith.index_cast %swap3A_710 : i32 to index
      %swap3A_712 = arith.constant 240 : index
      %swap3A_713 = tpu.vector_load %arg7[%swap3A_711, %swap3A_712] {strides = array<i32>} : memref<8x512xi32, #tpu.memory_space<vmem>>, vector<16xi32>,
      tpu.vector_store %arg7[%swap3A_711, %swap3A_712], %gather3A_709 {strides = array<i32>} : memref<8x512xi32, #tpu.memory_space<vmem>>, vector<16xi32>,
      %swap3A_714 = arith.constant 1 : i32
      %swap3A_715 = arith.index_cast %swap3A_714 : i32 to index
      %swap3A_716 = arith.constant 240 : index
      %swap3A_717 = tpu.vector_load %arg7[%swap3A_715, %swap3A_716] {strides = array<i32>} : memref<8x512xi32, #tpu.memory_space<vmem>>, vector<16xi32>,
      tpu.vector_store %arg7[%swap3A_715, %swap3A_716], %gather3A_709 {strides = array<i32>} : memref<8x512xi32, #tpu.memory_space<vmem>>, vector<16xi32>,
      %swap3A_718 = arith.constant 2 : i32
      %swap3A_719 = arith.index_cast %swap3A_718 : i32 to index
      %swap3A_720 = arith.constant 240 : index
      %swap3A_721 = tpu.vector_load %arg7[%swap3A_719, %swap3A_720] {strides = array<i32>} : memref<8x512xi32, #tpu.memory_space<vmem>>, vector<16xi32>,
      tpu.vector_store %arg7[%swap3A_719, %swap3A_720], %gather3A_709 {strides = array<i32>} : memref<8x512xi32, #tpu.memory_space<vmem>>, vector<16xi32>,
      %swap3A_722 = arith.constant 3 : i32
      %swap3A_723 = arith.index_cast %swap3A_722 : i32 to index
      %swap3A_724 = arith.constant 240 : index
      %swap3A_725 = tpu.vector_load %arg7[%swap3A_723, %swap3A_724] {strides = array<i32>} : memref<8x512xi32, #tpu.memory_space<vmem>>, vector<16xi32>,
      tpu.vector_store %arg7[%swap3A_723, %swap3A_724], %gather3A_709 {strides = array<i32>} : memref<8x512xi32, #tpu.memory_space<vmem>>, vector<16xi32>,
      %swap3A_726 = arith.constant 4 : i32
      %swap3A_727 = arith.index_cast %swap3A_726 : i32 to index
      %swap3A_728 = arith.constant 240 : index
      %swap3A_729 = tpu.vector_load %arg7[%swap3A_727, %swap3A_728] {strides = array<i32>} : memref<8x512xi32, #tpu.memory_space<vmem>>, vector<16xi32>,
      tpu.vector_store %arg7[%swap3A_727, %swap3A_728], %gather3A_709 {strides = array<i32>} : memref<8x512xi32, #tpu.memory_space<vmem>>, vector<16xi32>,
      %swap3A_730 = arith.constant 5 : i32
      %swap3A_731 = arith.index_cast %swap3A_730 : i32 to index
      %swap3A_732 = arith.constant 240 : index
      %swap3A_733 = tpu.vector_load %arg7[%swap3A_731, %swap3A_732] {strides = array<i32>} : memref<8x512xi32, #tpu.memory_space<vmem>>, vector<16xi32>,
      tpu.vector_store %arg7[%swap3A_731, %swap3A_732], %gather3A_709 {strides = array<i32>} : memref<8x512xi32, #tpu.memory_space<vmem>>, vector<16xi32>,
      %swap3A_734 = arith.constant 6 : i32
      %swap3A_735 = arith.index_cast %swap3A_734 : i32 to index
      %swap3A_736 = arith.constant 240 : index
      %swap3A_737 = tpu.vector_load %arg7[%swap3A_735, %swap3A_736] {strides = array<i32>} : memref<8x512xi32, #tpu.memory_space<vmem>>, vector<16xi32>,
      tpu.vector_store %arg7[%swap3A_735, %swap3A_736], %gather3A_709 {strides = array<i32>} : memref<8x512xi32, #tpu.memory_space<vmem>>, vector<16xi32>,
      %swap3A_738 = arith.constant 7 : i32
      %swap3A_739 = arith.index_cast %swap3A_738 : i32 to index
      %swap3A_740 = arith.constant 240 : index
      %swap3A_741 = tpu.vector_load %arg7[%swap3A_739, %swap3A_740] {strides = array<i32>} : memref<8x512xi32, #tpu.memory_space<vmem>>, vector<16xi32>,
      tpu.vector_store %arg7[%swap3A_739, %swap3A_740], %gather3A_709 {strides = array<i32>} : memref<8x512xi32, #tpu.memory_space<vmem>>, vector<16xi32>,
      %mul3A_742 = arith.constant 64 : i32
      %mul3A_743 = arith.muli %scan3A_118, %mul3A_742 : i32
      %add3A_744 = arith.constant 32 : i32
      %add3A_745 = arith.addi %mul3A_743, %add3A_744 : i32
      %add3A_746 = vector.broadcast %add3A_745 : i32 to vector<16xi32>
      %add3A_747 = arith.addi %add3A_746, %select_n3A_111 : vector<16xi32>
      %gather3A_748 = tpu.vector_load_idx %arg6[%add3A_747] : memref<512xi32, #tpu.memory_space<vmem>>[vector<16xi32>], vector<16xi32>,
      %swap3A_749 = arith.constant 0 : i32
      %swap3A_750 = arith.index_cast %swap3A_749 : i32 to index
      %swap3A_751 = arith.constant 256 : index
      %swap3A_752 = tpu.vector_load %arg7[%swap3A_750, %swap3A_751] {strides = array<i32>} : memref<8x512xi32, #tpu.memory_space<vmem>>, vector<16xi32>,
      tpu.vector_store %arg7[%swap3A_750, %swap3A_751], %gather3A_748 {strides = array<i32>} : memref<8x512xi32, #tpu.memory_space<vmem>>, vector<16xi32>,
      %swap3A_753 = arith.constant 1 : i32
      %swap3A_754 = arith.index_cast %swap3A_753 : i32 to index
      %swap3A_755 = arith.constant 256 : index
      %swap3A_756 = tpu.vector_load %arg7[%swap3A_754, %swap3A_755] {strides = array<i32>} : memref<8x512xi32, #tpu.memory_space<vmem>>, vector<16xi32>,
      tpu.vector_store %arg7[%swap3A_754, %swap3A_755], %gather3A_748 {strides = array<i32>} : memref<8x512xi32, #tpu.memory_space<vmem>>, vector<16xi32>,
      %swap3A_757 = arith.constant 2 : i32
      %swap3A_758 = arith.index_cast %swap3A_757 : i32 to index
      %swap3A_759 = arith.constant 256 : index
      %swap3A_760 = tpu.vector_load %arg7[%swap3A_758, %swap3A_759] {strides = array<i32>} : memref<8x512xi32, #tpu.memory_space<vmem>>, vector<16xi32>,
      tpu.vector_store %arg7[%swap3A_758, %swap3A_759], %gather3A_748 {strides = array<i32>} : memref<8x512xi32, #tpu.memory_space<vmem>>, vector<16xi32>,
      %swap3A_761 = arith.constant 3 : i32
      %swap3A_762 = arith.index_cast %swap3A_761 : i32 to index
      %swap3A_763 = arith.constant 256 : index
      %swap3A_764 = tpu.vector_load %arg7[%swap3A_762, %swap3A_763] {strides = array<i32>} : memref<8x512xi32, #tpu.memory_space<vmem>>, vector<16xi32>,
      tpu.vector_store %arg7[%swap3A_762, %swap3A_763], %gather3A_748 {strides = array<i32>} : memref<8x512xi32, #tpu.memory_space<vmem>>, vector<16xi32>,
      %swap3A_765 = arith.constant 4 : i32
      %swap3A_766 = arith.index_cast %swap3A_765 : i32 to index
      %swap3A_767 = arith.constant 256 : index
      %swap3A_768 = tpu.vector_load %arg7[%swap3A_766, %swap3A_767] {strides = array<i32>} : memref<8x512xi32, #tpu.memory_space<vmem>>, vector<16xi32>,
      tpu.vector_store %arg7[%swap3A_766, %swap3A_767], %gather3A_748 {strides = array<i32>} : memref<8x512xi32, #tpu.memory_space<vmem>>, vector<16xi32>,
      %swap3A_769 = arith.constant 5 : i32
      %swap3A_770 = arith.index_cast %swap3A_769 : i32 to index
      %swap3A_771 = arith.constant 256 : index
      %swap3A_772 = tpu.vector_load %arg7[%swap3A_770, %swap3A_771] {strides = array<i32>} : memref<8x512xi32, #tpu.memory_space<vmem>>, vector<16xi32>,
      tpu.vector_store %arg7[%swap3A_770, %swap3A_771], %gather3A_748 {strides = array<i32>} : memref<8x512xi32, #tpu.memory_space<vmem>>, vector<16xi32>,
      %swap3A_773 = arith.constant 6 : i32
      %swap3A_774 = arith.index_cast %swap3A_773 : i32 to index
      %swap3A_775 = arith.constant 256 : index
      %swap3A_776 = tpu.vector_load %arg7[%swap3A_774, %swap3A_775] {strides = array<i32>} : memref<8x512xi32, #tpu.memory_space<vmem>>, vector<16xi32>,
      tpu.vector_store %arg7[%swap3A_774, %swap3A_775], %gather3A_748 {strides = array<i32>} : memref<8x512xi32, #tpu.memory_space<vmem>>, vector<16xi32>,
      %swap3A_777 = arith.constant 7 : i32
      %swap3A_778 = arith.index_cast %swap3A_777 : i32 to index
      %swap3A_779 = arith.constant 256 : index
      %swap3A_780 = tpu.vector_load %arg7[%swap3A_778, %swap3A_779] {strides = array<i32>} : memref<8x512xi32, #tpu.memory_space<vmem>>, vector<16xi32>,
      tpu.vector_store %arg7[%swap3A_778, %swap3A_779], %gather3A_748 {strides = array<i32>} : memref<8x512xi32, #tpu.memory_space<vmem>>, vector<16xi32>,
      %mul3A_781 = arith.constant 64 : i32
      %mul3A_782 = arith.muli %scan3A_118, %mul3A_781 : i32
      %add3A_783 = arith.constant 34 : i32
      %add3A_784 = arith.addi %mul3A_782, %add3A_783 : i32
      %add3A_785 = vector.broadcast %add3A_784 : i32 to vector<16xi32>
      %add3A_786 = arith.addi %add3A_785, %select_n3A_111 : vector<16xi32>
      %gather3A_787 = tpu.vector_load_idx %arg6[%add3A_786] : memref<512xi32, #tpu.memory_space<vmem>>[vector<16xi32>], vector<16xi32>,
      %swap3A_788 = arith.constant 0 : i32
      %swap3A_789 = arith.index_cast %swap3A_788 : i32 to index
      %swap3A_790 = arith.constant 272 : index
      %swap3A_791 = tpu.vector_load %arg7[%swap3A_789, %swap3A_790] {strides = array<i32>} : memref<8x512xi32, #tpu.memory_space<vmem>>, vector<16xi32>,
      tpu.vector_store %arg7[%swap3A_789, %swap3A_790], %gather3A_787 {strides = array<i32>} : memref<8x512xi32, #tpu.memory_space<vmem>>, vector<16xi32>,
      %swap3A_792 = arith.constant 1 : i32
      %swap3A_793 = arith.index_cast %swap3A_792 : i32 to index
      %swap3A_794 = arith.constant 272 : index
      %swap3A_795 = tpu.vector_load %arg7[%swap3A_793, %swap3A_794] {strides = array<i32>} : memref<8x512xi32, #tpu.memory_space<vmem>>, vector<16xi32>,
      tpu.vector_store %arg7[%swap3A_793, %swap3A_794], %gather3A_787 {strides = array<i32>} : memref<8x512xi32, #tpu.memory_space<vmem>>, vector<16xi32>,
      %swap3A_796 = arith.constant 2 : i32
      %swap3A_797 = arith.index_cast %swap3A_796 : i32 to index
      %swap3A_798 = arith.constant 272 : index
      %swap3A_799 = tpu.vector_load %arg7[%swap3A_797, %swap3A_798] {strides = array<i32>} : memref<8x512xi32, #tpu.memory_space<vmem>>, vector<16xi32>,
      tpu.vector_store %arg7[%swap3A_797, %swap3A_798], %gather3A_787 {strides = array<i32>} : memref<8x512xi32, #tpu.memory_space<vmem>>, vector<16xi32>,
      %swap3A_800 = arith.constant 3 : i32
      %swap3A_801 = arith.index_cast %swap3A_800 : i32 to index
      %swap3A_802 = arith.constant 272 : index
      %swap3A_803 = tpu.vector_load %arg7[%swap3A_801, %swap3A_802] {strides = array<i32>} : memref<8x512xi32, #tpu.memory_space<vmem>>, vector<16xi32>,
      tpu.vector_store %arg7[%swap3A_801, %swap3A_802], %gather3A_787 {strides = array<i32>} : memref<8x512xi32, #tpu.memory_space<vmem>>, vector<16xi32>,
      %swap3A_804 = arith.constant 4 : i32
      %swap3A_805 = arith.index_cast %swap3A_804 : i32 to index
      %swap3A_806 = arith.constant 272 : index
      %swap3A_807 = tpu.vector_load %arg7[%swap3A_805, %swap3A_806] {strides = array<i32>} : memref<8x512xi32, #tpu.memory_space<vmem>>, vector<16xi32>,
      tpu.vector_store %arg7[%swap3A_805, %swap3A_806], %gather3A_787 {strides = array<i32>} : memref<8x512xi32, #tpu.memory_space<vmem>>, vector<16xi32>,
      %swap3A_808 = arith.constant 5 : i32
      %swap3A_809 = arith.index_cast %swap3A_808 : i32 to index
      %swap3A_810 = arith.constant 272 : index
      %swap3A_811 = tpu.vector_load %arg7[%swap3A_809, %swap3A_810] {strides = array<i32>} : memref<8x512xi32, #tpu.memory_space<vmem>>, vector<16xi32>,
      tpu.vector_store %arg7[%swap3A_809, %swap3A_810], %gather3A_787 {strides = array<i32>} : memref<8x512xi32, #tpu.memory_space<vmem>>, vector<16xi32>,
      %swap3A_812 = arith.constant 6 : i32
      %swap3A_813 = arith.index_cast %swap3A_812 : i32 to index
      %swap3A_814 = arith.constant 272 : index
      %swap3A_815 = tpu.vector_load %arg7[%swap3A_813, %swap3A_814] {strides = array<i32>} : memref<8x512xi32, #tpu.memory_space<vmem>>, vector<16xi32>,
      tpu.vector_store %arg7[%swap3A_813, %swap3A_814], %gather3A_787 {strides = array<i32>} : memref<8x512xi32, #tpu.memory_space<vmem>>, vector<16xi32>,
      %swap3A_816 = arith.constant 7 : i32
      %swap3A_817 = arith.index_cast %swap3A_816 : i32 to index
      %swap3A_818 = arith.constant 272 : index
      %swap3A_819 = tpu.vector_load %arg7[%swap3A_817, %swap3A_818] {strides = array<i32>} : memref<8x512xi32, #tpu.memory_space<vmem>>, vector<16xi32>,
      tpu.vector_store %arg7[%swap3A_817, %swap3A_818], %gather3A_787 {strides = array<i32>} : memref<8x512xi32, #tpu.memory_space<vmem>>, vector<16xi32>,
      %mul3A_820 = arith.constant 64 : i32
      %mul3A_821 = arith.muli %scan3A_118, %mul3A_820 : i32
      %add3A_822 = arith.constant 36 : i32
      %add3A_823 = arith.addi %mul3A_821, %add3A_822 : i32
      %add3A_824 = vector.broadcast %add3A_823 : i32 to vector<16xi32>
      %add3A_825 = arith.addi %add3A_824, %select_n3A_111 : vector<16xi32>
      %gather3A_826 = tpu.vector_load_idx %arg6[%add3A_825] : memref<512xi32, #tpu.memory_space<vmem>>[vector<16xi32>], vector<16xi32>,
      %swap3A_827 = arith.constant 0 : i32
      %swap3A_828 = arith.index_cast %swap3A_827 : i32 to index
      %swap3A_829 = arith.constant 288 : index
      %swap3A_830 = tpu.vector_load %arg7[%swap3A_828, %swap3A_829] {strides = array<i32>} : memref<8x512xi32, #tpu.memory_space<vmem>>, vector<16xi32>,
      tpu.vector_store %arg7[%swap3A_828, %swap3A_829], %gather3A_826 {strides = array<i32>} : memref<8x512xi32, #tpu.memory_space<vmem>>, vector<16xi32>,
      %swap3A_831 = arith.constant 1 : i32
      %swap3A_832 = arith.index_cast %swap3A_831 : i32 to index
      %swap3A_833 = arith.constant 288 : index
      %swap3A_834 = tpu.vector_load %arg7[%swap3A_832, %swap3A_833] {strides = array<i32>} : memref<8x512xi32, #tpu.memory_space<vmem>>, vector<16xi32>,
      tpu.vector_store %arg7[%swap3A_832, %swap3A_833], %gather3A_826 {strides = array<i32>} : memref<8x512xi32, #tpu.memory_space<vmem>>, vector<16xi32>,
      %swap3A_835 = arith.constant 2 : i32
      %swap3A_836 = arith.index_cast %swap3A_835 : i32 to index
      %swap3A_837 = arith.constant 288 : index
      %swap3A_838 = tpu.vector_load %arg7[%swap3A_836, %swap3A_837] {strides = array<i32>} : memref<8x512xi32, #tpu.memory_space<vmem>>, vector<16xi32>,
      tpu.vector_store %arg7[%swap3A_836, %swap3A_837], %gather3A_826 {strides = array<i32>} : memref<8x512xi32, #tpu.memory_space<vmem>>, vector<16xi32>,
      %swap3A_839 = arith.constant 3 : i32
      %swap3A_840 = arith.index_cast %swap3A_839 : i32 to index
      %swap3A_841 = arith.constant 288 : index
      %swap3A_842 = tpu.vector_load %arg7[%swap3A_840, %swap3A_841] {strides = array<i32>} : memref<8x512xi32, #tpu.memory_space<vmem>>, vector<16xi32>,
      tpu.vector_store %arg7[%swap3A_840, %swap3A_841], %gather3A_826 {strides = array<i32>} : memref<8x512xi32, #tpu.memory_space<vmem>>, vector<16xi32>,
      %swap3A_843 = arith.constant 4 : i32
      %swap3A_844 = arith.index_cast %swap3A_843 : i32 to index
      %swap3A_845 = arith.constant 288 : index
      %swap3A_846 = tpu.vector_load %arg7[%swap3A_844, %swap3A_845] {strides = array<i32>} : memref<8x512xi32, #tpu.memory_space<vmem>>, vector<16xi32>,
      tpu.vector_store %arg7[%swap3A_844, %swap3A_845], %gather3A_826 {strides = array<i32>} : memref<8x512xi32, #tpu.memory_space<vmem>>, vector<16xi32>,
      %swap3A_847 = arith.constant 5 : i32
      %swap3A_848 = arith.index_cast %swap3A_847 : i32 to index
      %swap3A_849 = arith.constant 288 : index
      %swap3A_850 = tpu.vector_load %arg7[%swap3A_848, %swap3A_849] {strides = array<i32>} : memref<8x512xi32, #tpu.memory_space<vmem>>, vector<16xi32>,
      tpu.vector_store %arg7[%swap3A_848, %swap3A_849], %gather3A_826 {strides = array<i32>} : memref<8x512xi32, #tpu.memory_space<vmem>>, vector<16xi32>,
      %swap3A_851 = arith.constant 6 : i32
      %swap3A_852 = arith.index_cast %swap3A_851 : i32 to index
      %swap3A_853 = arith.constant 288 : index
      %swap3A_854 = tpu.vector_load %arg7[%swap3A_852, %swap3A_853] {strides = array<i32>} : memref<8x512xi32, #tpu.memory_space<vmem>>, vector<16xi32>,
      tpu.vector_store %arg7[%swap3A_852, %swap3A_853], %gather3A_826 {strides = array<i32>} : memref<8x512xi32, #tpu.memory_space<vmem>>, vector<16xi32>,
      %swap3A_855 = arith.constant 7 : i32
      %swap3A_856 = arith.index_cast %swap3A_855 : i32 to index
      %swap3A_857 = arith.constant 288 : index
      %swap3A_858 = tpu.vector_load %arg7[%swap3A_856, %swap3A_857] {strides = array<i32>} : memref<8x512xi32, #tpu.memory_space<vmem>>, vector<16xi32>,
      tpu.vector_store %arg7[%swap3A_856, %swap3A_857], %gather3A_826 {strides = array<i32>} : memref<8x512xi32, #tpu.memory_space<vmem>>, vector<16xi32>,
      %mul3A_859 = arith.constant 64 : i32
      %mul3A_860 = arith.muli %scan3A_118, %mul3A_859 : i32
      %add3A_861 = arith.constant 38 : i32
      %add3A_862 = arith.addi %mul3A_860, %add3A_861 : i32
      %add3A_863 = vector.broadcast %add3A_862 : i32 to vector<16xi32>
      %add3A_864 = arith.addi %add3A_863, %select_n3A_111 : vector<16xi32>
      %gather3A_865 = tpu.vector_load_idx %arg6[%add3A_864] : memref<512xi32, #tpu.memory_space<vmem>>[vector<16xi32>], vector<16xi32>,
      %swap3A_866 = arith.constant 0 : i32
      %swap3A_867 = arith.index_cast %swap3A_866 : i32 to index
      %swap3A_868 = arith.constant 304 : index
      %swap3A_869 = tpu.vector_load %arg7[%swap3A_867, %swap3A_868] {strides = array<i32>} : memref<8x512xi32, #tpu.memory_space<vmem>>, vector<16xi32>,
      tpu.vector_store %arg7[%swap3A_867, %swap3A_868], %gather3A_865 {strides = array<i32>} : memref<8x512xi32, #tpu.memory_space<vmem>>, vector<16xi32>,
      %swap3A_870 = arith.constant 1 : i32
      %swap3A_871 = arith.index_cast %swap3A_870 : i32 to index
      %swap3A_872 = arith.constant 304 : index
      %swap3A_873 = tpu.vector_load %arg7[%swap3A_871, %swap3A_872] {strides = array<i32>} : memref<8x512xi32, #tpu.memory_space<vmem>>, vector<16xi32>,
      tpu.vector_store %arg7[%swap3A_871, %swap3A_872], %gather3A_865 {strides = array<i32>} : memref<8x512xi32, #tpu.memory_space<vmem>>, vector<16xi32>,
      %swap3A_874 = arith.constant 2 : i32
      %swap3A_875 = arith.index_cast %swap3A_874 : i32 to index
      %swap3A_876 = arith.constant 304 : index
      %swap3A_877 = tpu.vector_load %arg7[%swap3A_875, %swap3A_876] {strides = array<i32>} : memref<8x512xi32, #tpu.memory_space<vmem>>, vector<16xi32>,
      tpu.vector_store %arg7[%swap3A_875, %swap3A_876], %gather3A_865 {strides = array<i32>} : memref<8x512xi32, #tpu.memory_space<vmem>>, vector<16xi32>,
      %swap3A_878 = arith.constant 3 : i32
      %swap3A_879 = arith.index_cast %swap3A_878 : i32 to index
      %swap3A_880 = arith.constant 304 : index
      %swap3A_881 = tpu.vector_load %arg7[%swap3A_879, %swap3A_880] {strides = array<i32>} : memref<8x512xi32, #tpu.memory_space<vmem>>, vector<16xi32>,
      tpu.vector_store %arg7[%swap3A_879, %swap3A_880], %gather3A_865 {strides = array<i32>} : memref<8x512xi32, #tpu.memory_space<vmem>>, vector<16xi32>,
      %swap3A_882 = arith.constant 4 : i32
      %swap3A_883 = arith.index_cast %swap3A_882 : i32 to index
      %swap3A_884 = arith.constant 304 : index
      %swap3A_885 = tpu.vector_load %arg7[%swap3A_883, %swap3A_884] {strides = array<i32>} : memref<8x512xi32, #tpu.memory_space<vmem>>, vector<16xi32>,
      tpu.vector_store %arg7[%swap3A_883, %swap3A_884], %gather3A_865 {strides = array<i32>} : memref<8x512xi32, #tpu.memory_space<vmem>>, vector<16xi32>,
      %swap3A_886 = arith.constant 5 : i32
      %swap3A_887 = arith.index_cast %swap3A_886 : i32 to index
      %swap3A_888 = arith.constant 304 : index
      %swap3A_889 = tpu.vector_load %arg7[%swap3A_887, %swap3A_888] {strides = array<i32>} : memref<8x512xi32, #tpu.memory_space<vmem>>, vector<16xi32>,
      tpu.vector_store %arg7[%swap3A_887, %swap3A_888], %gather3A_865 {strides = array<i32>} : memref<8x512xi32, #tpu.memory_space<vmem>>, vector<16xi32>,
      %swap3A_890 = arith.constant 6 : i32
      %swap3A_891 = arith.index_cast %swap3A_890 : i32 to index
      %swap3A_892 = arith.constant 304 : index
      %swap3A_893 = tpu.vector_load %arg7[%swap3A_891, %swap3A_892] {strides = array<i32>} : memref<8x512xi32, #tpu.memory_space<vmem>>, vector<16xi32>,
      tpu.vector_store %arg7[%swap3A_891, %swap3A_892], %gather3A_865 {strides = array<i32>} : memref<8x512xi32, #tpu.memory_space<vmem>>, vector<16xi32>,
      %swap3A_894 = arith.constant 7 : i32
      %swap3A_895 = arith.index_cast %swap3A_894 : i32 to index
      %swap3A_896 = arith.constant 304 : index
      %swap3A_897 = tpu.vector_load %arg7[%swap3A_895, %swap3A_896] {strides = array<i32>} : memref<8x512xi32, #tpu.memory_space<vmem>>, vector<16xi32>,
      tpu.vector_store %arg7[%swap3A_895, %swap3A_896], %gather3A_865 {strides = array<i32>} : memref<8x512xi32, #tpu.memory_space<vmem>>, vector<16xi32>,
      %mul3A_898 = arith.constant 64 : i32
      %mul3A_899 = arith.muli %scan3A_118, %mul3A_898 : i32
      %add3A_900 = arith.constant 40 : i32
      %add3A_901 = arith.addi %mul3A_899, %add3A_900 : i32
      %add3A_902 = vector.broadcast %add3A_901 : i32 to vector<16xi32>
      %add3A_903 = arith.addi %add3A_902, %select_n3A_111 : vector<16xi32>
      %gather3A_904 = tpu.vector_load_idx %arg6[%add3A_903] : memref<512xi32, #tpu.memory_space<vmem>>[vector<16xi32>], vector<16xi32>,
      %swap3A_905 = arith.constant 0 : i32
      %swap3A_906 = arith.index_cast %swap3A_905 : i32 to index
      %swap3A_907 = arith.constant 320 : index
      %swap3A_908 = tpu.vector_load %arg7[%swap3A_906, %swap3A_907] {strides = array<i32>} : memref<8x512xi32, #tpu.memory_space<vmem>>, vector<16xi32>,
      tpu.vector_store %arg7[%swap3A_906, %swap3A_907], %gather3A_904 {strides = array<i32>} : memref<8x512xi32, #tpu.memory_space<vmem>>, vector<16xi32>,
      %swap3A_909 = arith.constant 1 : i32
      %swap3A_910 = arith.index_cast %swap3A_909 : i32 to index
      %swap3A_911 = arith.constant 320 : index
      %swap3A_912 = tpu.vector_load %arg7[%swap3A_910, %swap3A_911] {strides = array<i32>} : memref<8x512xi32, #tpu.memory_space<vmem>>, vector<16xi32>,
      tpu.vector_store %arg7[%swap3A_910, %swap3A_911], %gather3A_904 {strides = array<i32>} : memref<8x512xi32, #tpu.memory_space<vmem>>, vector<16xi32>,
      %swap3A_913 = arith.constant 2 : i32
      %swap3A_914 = arith.index_cast %swap3A_913 : i32 to index
      %swap3A_915 = arith.constant 320 : index
      %swap3A_916 = tpu.vector_load %arg7[%swap3A_914, %swap3A_915] {strides = array<i32>} : memref<8x512xi32, #tpu.memory_space<vmem>>, vector<16xi32>,
      tpu.vector_store %arg7[%swap3A_914, %swap3A_915], %gather3A_904 {strides = array<i32>} : memref<8x512xi32, #tpu.memory_space<vmem>>, vector<16xi32>,
      %swap3A_917 = arith.constant 3 : i32
      %swap3A_918 = arith.index_cast %swap3A_917 : i32 to index
      %swap3A_919 = arith.constant 320 : index
      %swap3A_920 = tpu.vector_load %arg7[%swap3A_918, %swap3A_919] {strides = array<i32>} : memref<8x512xi32, #tpu.memory_space<vmem>>, vector<16xi32>,
      tpu.vector_store %arg7[%swap3A_918, %swap3A_919], %gather3A_904 {strides = array<i32>} : memref<8x512xi32, #tpu.memory_space<vmem>>, vector<16xi32>,
      %swap3A_921 = arith.constant 4 : i32
      %swap3A_922 = arith.index_cast %swap3A_921 : i32 to index
      %swap3A_923 = arith.constant 320 : index
      %swap3A_924 = tpu.vector_load %arg7[%swap3A_922, %swap3A_923] {strides = array<i32>} : memref<8x512xi32, #tpu.memory_space<vmem>>, vector<16xi32>,
      tpu.vector_store %arg7[%swap3A_922, %swap3A_923], %gather3A_904 {strides = array<i32>} : memref<8x512xi32, #tpu.memory_space<vmem>>, vector<16xi32>,
      %swap3A_925 = arith.constant 5 : i32
      %swap3A_926 = arith.index_cast %swap3A_925 : i32 to index
      %swap3A_927 = arith.constant 320 : index
      %swap3A_928 = tpu.vector_load %arg7[%swap3A_926, %swap3A_927] {strides = array<i32>} : memref<8x512xi32, #tpu.memory_space<vmem>>, vector<16xi32>,
      tpu.vector_store %arg7[%swap3A_926, %swap3A_927], %gather3A_904 {strides = array<i32>} : memref<8x512xi32, #tpu.memory_space<vmem>>, vector<16xi32>,
      %swap3A_929 = arith.constant 6 : i32
      %swap3A_930 = arith.index_cast %swap3A_929 : i32 to index
      %swap3A_931 = arith.constant 320 : index
      %swap3A_932 = tpu.vector_load %arg7[%swap3A_930, %swap3A_931] {strides = array<i32>} : memref<8x512xi32, #tpu.memory_space<vmem>>, vector<16xi32>,
      tpu.vector_store %arg7[%swap3A_930, %swap3A_931], %gather3A_904 {strides = array<i32>} : memref<8x512xi32, #tpu.memory_space<vmem>>, vector<16xi32>,
      %swap3A_933 = arith.constant 7 : i32
      %swap3A_934 = arith.index_cast %swap3A_933 : i32 to index
      %swap3A_935 = arith.constant 320 : index
      %swap3A_936 = tpu.vector_load %arg7[%swap3A_934, %swap3A_935] {strides = array<i32>} : memref<8x512xi32, #tpu.memory_space<vmem>>, vector<16xi32>,
      tpu.vector_store %arg7[%swap3A_934, %swap3A_935], %gather3A_904 {strides = array<i32>} : memref<8x512xi32, #tpu.memory_space<vmem>>, vector<16xi32>,
      %mul3A_937 = arith.constant 64 : i32
      %mul3A_938 = arith.muli %scan3A_118, %mul3A_937 : i32
      %add3A_939 = arith.constant 42 : i32
      %add3A_940 = arith.addi %mul3A_938, %add3A_939 : i32
      %add3A_941 = vector.broadcast %add3A_940 : i32 to vector<16xi32>
      %add3A_942 = arith.addi %add3A_941, %select_n3A_111 : vector<16xi32>
      %gather3A_943 = tpu.vector_load_idx %arg6[%add3A_942] : memref<512xi32, #tpu.memory_space<vmem>>[vector<16xi32>], vector<16xi32>,
      %swap3A_944 = arith.constant 0 : i32
      %swap3A_945 = arith.index_cast %swap3A_944 : i32 to index
      %swap3A_946 = arith.constant 336 : index
      %swap3A_947 = tpu.vector_load %arg7[%swap3A_945, %swap3A_946] {strides = array<i32>} : memref<8x512xi32, #tpu.memory_space<vmem>>, vector<16xi32>,
      tpu.vector_store %arg7[%swap3A_945, %swap3A_946], %gather3A_943 {strides = array<i32>} : memref<8x512xi32, #tpu.memory_space<vmem>>, vector<16xi32>,
      %swap3A_948 = arith.constant 1 : i32
      %swap3A_949 = arith.index_cast %swap3A_948 : i32 to index
      %swap3A_950 = arith.constant 336 : index
      %swap3A_951 = tpu.vector_load %arg7[%swap3A_949, %swap3A_950] {strides = array<i32>} : memref<8x512xi32, #tpu.memory_space<vmem>>, vector<16xi32>,
      tpu.vector_store %arg7[%swap3A_949, %swap3A_950], %gather3A_943 {strides = array<i32>} : memref<8x512xi32, #tpu.memory_space<vmem>>, vector<16xi32>,
      %swap3A_952 = arith.constant 2 : i32
      %swap3A_953 = arith.index_cast %swap3A_952 : i32 to index
      %swap3A_954 = arith.constant 336 : index
      %swap3A_955 = tpu.vector_load %arg7[%swap3A_953, %swap3A_954] {strides = array<i32>} : memref<8x512xi32, #tpu.memory_space<vmem>>, vector<16xi32>,
      tpu.vector_store %arg7[%swap3A_953, %swap3A_954], %gather3A_943 {strides = array<i32>} : memref<8x512xi32, #tpu.memory_space<vmem>>, vector<16xi32>,
      %swap3A_956 = arith.constant 3 : i32
      %swap3A_957 = arith.index_cast %swap3A_956 : i32 to index
      %swap3A_958 = arith.constant 336 : index
      %swap3A_959 = tpu.vector_load %arg7[%swap3A_957, %swap3A_958] {strides = array<i32>} : memref<8x512xi32, #tpu.memory_space<vmem>>, vector<16xi32>,
      tpu.vector_store %arg7[%swap3A_957, %swap3A_958], %gather3A_943 {strides = array<i32>} : memref<8x512xi32, #tpu.memory_space<vmem>>, vector<16xi32>,
      %swap3A_960 = arith.constant 4 : i32
      %swap3A_961 = arith.index_cast %swap3A_960 : i32 to index
      %swap3A_962 = arith.constant 336 : index
      %swap3A_963 = tpu.vector_load %arg7[%swap3A_961, %swap3A_962] {strides = array<i32>} : memref<8x512xi32, #tpu.memory_space<vmem>>, vector<16xi32>,
      tpu.vector_store %arg7[%swap3A_961, %swap3A_962], %gather3A_943 {strides = array<i32>} : memref<8x512xi32, #tpu.memory_space<vmem>>, vector<16xi32>,
      %swap3A_964 = arith.constant 5 : i32
      %swap3A_965 = arith.index_cast %swap3A_964 : i32 to index
      %swap3A_966 = arith.constant 336 : index
      %swap3A_967 = tpu.vector_load %arg7[%swap3A_965, %swap3A_966] {strides = array<i32>} : memref<8x512xi32, #tpu.memory_space<vmem>>, vector<16xi32>,
      tpu.vector_store %arg7[%swap3A_965, %swap3A_966], %gather3A_943 {strides = array<i32>} : memref<8x512xi32, #tpu.memory_space<vmem>>, vector<16xi32>,
      %swap3A_968 = arith.constant 6 : i32
      %swap3A_969 = arith.index_cast %swap3A_968 : i32 to index
      %swap3A_970 = arith.constant 336 : index
      %swap3A_971 = tpu.vector_load %arg7[%swap3A_969, %swap3A_970] {strides = array<i32>} : memref<8x512xi32, #tpu.memory_space<vmem>>, vector<16xi32>,
      tpu.vector_store %arg7[%swap3A_969, %swap3A_970], %gather3A_943 {strides = array<i32>} : memref<8x512xi32, #tpu.memory_space<vmem>>, vector<16xi32>,
      %swap3A_972 = arith.constant 7 : i32
      %swap3A_973 = arith.index_cast %swap3A_972 : i32 to index
      %swap3A_974 = arith.constant 336 : index
      %swap3A_975 = tpu.vector_load %arg7[%swap3A_973, %swap3A_974] {strides = array<i32>} : memref<8x512xi32, #tpu.memory_space<vmem>>, vector<16xi32>,
      tpu.vector_store %arg7[%swap3A_973, %swap3A_974], %gather3A_943 {strides = array<i32>} : memref<8x512xi32, #tpu.memory_space<vmem>>, vector<16xi32>,
      %mul3A_976 = arith.constant 64 : i32
      %mul3A_977 = arith.muli %scan3A_118, %mul3A_976 : i32
      %add3A_978 = arith.constant 44 : i32
      %add3A_979 = arith.addi %mul3A_977, %add3A_978 : i32
      %add3A_980 = vector.broadcast %add3A_979 : i32 to vector<16xi32>
      %add3A_981 = arith.addi %add3A_980, %select_n3A_111 : vector<16xi32>
      %gather3A_982 = tpu.vector_load_idx %arg6[%add3A_981] : memref<512xi32, #tpu.memory_space<vmem>>[vector<16xi32>], vector<16xi32>,
      %swap3A_983 = arith.constant 0 : i32
      %swap3A_984 = arith.index_cast %swap3A_983 : i32 to index
      %swap3A_985 = arith.constant 352 : index
      %swap3A_986 = tpu.vector_load %arg7[%swap3A_984, %swap3A_985] {strides = array<i32>} : memref<8x512xi32, #tpu.memory_space<vmem>>, vector<16xi32>,
      tpu.vector_store %arg7[%swap3A_984, %swap3A_985], %gather3A_982 {strides = array<i32>} : memref<8x512xi32, #tpu.memory_space<vmem>>, vector<16xi32>,
      %swap3A_987 = arith.constant 1 : i32
      %swap3A_988 = arith.index_cast %swap3A_987 : i32 to index
      %swap3A_989 = arith.constant 352 : index
      %swap3A_990 = tpu.vector_load %arg7[%swap3A_988, %swap3A_989] {strides = array<i32>} : memref<8x512xi32, #tpu.memory_space<vmem>>, vector<16xi32>,
      tpu.vector_store %arg7[%swap3A_988, %swap3A_989], %gather3A_982 {strides = array<i32>} : memref<8x512xi32, #tpu.memory_space<vmem>>, vector<16xi32>,
      %swap3A_991 = arith.constant 2 : i32
      %swap3A_992 = arith.index_cast %swap3A_991 : i32 to index
      %swap3A_993 = arith.constant 352 : index
      %swap3A_994 = tpu.vector_load %arg7[%swap3A_992, %swap3A_993] {strides = array<i32>} : memref<8x512xi32, #tpu.memory_space<vmem>>, vector<16xi32>,
      tpu.vector_store %arg7[%swap3A_992, %swap3A_993], %gather3A_982 {strides = array<i32>} : memref<8x512xi32, #tpu.memory_space<vmem>>, vector<16xi32>,
      %swap3A_995 = arith.constant 3 : i32
      %swap3A_996 = arith.index_cast %swap3A_995 : i32 to index
      %swap3A_997 = arith.constant 352 : index
      %swap3A_998 = tpu.vector_load %arg7[%swap3A_996, %swap3A_997] {strides = array<i32>} : memref<8x512xi32, #tpu.memory_space<vmem>>, vector<16xi32>,
      tpu.vector_store %arg7[%swap3A_996, %swap3A_997], %gather3A_982 {strides = array<i32>} : memref<8x512xi32, #tpu.memory_space<vmem>>, vector<16xi32>,
      %swap3A_999 = arith.constant 4 : i32
      %swap3A_1000 = arith.index_cast %swap3A_999 : i32 to index
      %swap3A_1001 = arith.constant 352 : index
      %swap3A_1002 = tpu.vector_load %arg7[%swap3A_1000, %swap3A_1001] {strides = array<i32>} : memref<8x512xi32, #tpu.memory_space<vmem>>, vector<16xi32>,
      tpu.vector_store %arg7[%swap3A_1000, %swap3A_1001], %gather3A_982 {strides = array<i32>} : memref<8x512xi32, #tpu.memory_space<vmem>>, vector<16xi32>,
      %swap3A_1003 = arith.constant 5 : i32
      %swap3A_1004 = arith.index_cast %swap3A_1003 : i32 to index
      %swap3A_1005 = arith.constant 352 : index
      %swap3A_1006 = tpu.vector_load %arg7[%swap3A_1004, %swap3A_1005] {strides = array<i32>} : memref<8x512xi32, #tpu.memory_space<vmem>>, vector<16xi32>,
      tpu.vector_store %arg7[%swap3A_1004, %swap3A_1005], %gather3A_982 {strides = array<i32>} : memref<8x512xi32, #tpu.memory_space<vmem>>, vector<16xi32>,
      %swap3A_1007 = arith.constant 6 : i32
      %swap3A_1008 = arith.index_cast %swap3A_1007 : i32 to index
      %swap3A_1009 = arith.constant 352 : index
      %swap3A_1010 = tpu.vector_load %arg7[%swap3A_1008, %swap3A_1009] {strides = array<i32>} : memref<8x512xi32, #tpu.memory_space<vmem>>, vector<16xi32>,
      tpu.vector_store %arg7[%swap3A_1008, %swap3A_1009], %gather3A_982 {strides = array<i32>} : memref<8x512xi32, #tpu.memory_space<vmem>>, vector<16xi32>,
      %swap3A_1011 = arith.constant 7 : i32
      %swap3A_1012 = arith.index_cast %swap3A_1011 : i32 to index
      %swap3A_1013 = arith.constant 352 : index
      %swap3A_1014 = tpu.vector_load %arg7[%swap3A_1012, %swap3A_1013] {strides = array<i32>} : memref<8x512xi32, #tpu.memory_space<vmem>>, vector<16xi32>,
      tpu.vector_store %arg7[%swap3A_1012, %swap3A_1013], %gather3A_982 {strides = array<i32>} : memref<8x512xi32, #tpu.memory_space<vmem>>, vector<16xi32>,
      %mul3A_1015 = arith.constant 64 : i32
      %mul3A_1016 = arith.muli %scan3A_118, %mul3A_1015 : i32
      %add3A_1017 = arith.constant 46 : i32
      %add3A_1018 = arith.addi %mul3A_1016, %add3A_1017 : i32
      %add3A_1019 = vector.broadcast %add3A_1018 : i32 to vector<16xi32>
      %add3A_1020 = arith.addi %add3A_1019, %select_n3A_111 : vector<16xi32>
      %gather3A_1021 = tpu.vector_load_idx %arg6[%add3A_1020] : memref<512xi32, #tpu.memory_space<vmem>>[vector<16xi32>], vector<16xi32>,
      %swap3A_1022 = arith.constant 0 : i32
      %swap3A_1023 = arith.index_cast %swap3A_1022 : i32 to index
      %swap3A_1024 = arith.constant 368 : index
      %swap3A_1025 = tpu.vector_load %arg7[%swap3A_1023, %swap3A_1024] {strides = array<i32>} : memref<8x512xi32, #tpu.memory_space<vmem>>, vector<16xi32>,
      tpu.vector_store %arg7[%swap3A_1023, %swap3A_1024], %gather3A_1021 {strides = array<i32>} : memref<8x512xi32, #tpu.memory_space<vmem>>, vector<16xi32>,
      %swap3A_1026 = arith.constant 1 : i32
      %swap3A_1027 = arith.index_cast %swap3A_1026 : i32 to index
      %swap3A_1028 = arith.constant 368 : index
      %swap3A_1029 = tpu.vector_load %arg7[%swap3A_1027, %swap3A_1028] {strides = array<i32>} : memref<8x512xi32, #tpu.memory_space<vmem>>, vector<16xi32>,
      tpu.vector_store %arg7[%swap3A_1027, %swap3A_1028], %gather3A_1021 {strides = array<i32>} : memref<8x512xi32, #tpu.memory_space<vmem>>, vector<16xi32>,
      %swap3A_1030 = arith.constant 2 : i32
      %swap3A_1031 = arith.index_cast %swap3A_1030 : i32 to index
      %swap3A_1032 = arith.constant 368 : index
      %swap3A_1033 = tpu.vector_load %arg7[%swap3A_1031, %swap3A_1032] {strides = array<i32>} : memref<8x512xi32, #tpu.memory_space<vmem>>, vector<16xi32>,
      tpu.vector_store %arg7[%swap3A_1031, %swap3A_1032], %gather3A_1021 {strides = array<i32>} : memref<8x512xi32, #tpu.memory_space<vmem>>, vector<16xi32>,
      %swap3A_1034 = arith.constant 3 : i32
      %swap3A_1035 = arith.index_cast %swap3A_1034 : i32 to index
      %swap3A_1036 = arith.constant 368 : index
      %swap3A_1037 = tpu.vector_load %arg7[%swap3A_1035, %swap3A_1036] {strides = array<i32>} : memref<8x512xi32, #tpu.memory_space<vmem>>, vector<16xi32>,
      tpu.vector_store %arg7[%swap3A_1035, %swap3A_1036], %gather3A_1021 {strides = array<i32>} : memref<8x512xi32, #tpu.memory_space<vmem>>, vector<16xi32>,
      %swap3A_1038 = arith.constant 4 : i32
      %swap3A_1039 = arith.index_cast %swap3A_1038 : i32 to index
      %swap3A_1040 = arith.constant 368 : index
      %swap3A_1041 = tpu.vector_load %arg7[%swap3A_1039, %swap3A_1040] {strides = array<i32>} : memref<8x512xi32, #tpu.memory_space<vmem>>, vector<16xi32>,
      tpu.vector_store %arg7[%swap3A_1039, %swap3A_1040], %gather3A_1021 {strides = array<i32>} : memref<8x512xi32, #tpu.memory_space<vmem>>, vector<16xi32>,
      %swap3A_1042 = arith.constant 5 : i32
      %swap3A_1043 = arith.index_cast %swap3A_1042 : i32 to index
      %swap3A_1044 = arith.constant 368 : index
      %swap3A_1045 = tpu.vector_load %arg7[%swap3A_1043, %swap3A_1044] {strides = array<i32>} : memref<8x512xi32, #tpu.memory_space<vmem>>, vector<16xi32>,
      tpu.vector_store %arg7[%swap3A_1043, %swap3A_1044], %gather3A_1021 {strides = array<i32>} : memref<8x512xi32, #tpu.memory_space<vmem>>, vector<16xi32>,
      %swap3A_1046 = arith.constant 6 : i32
      %swap3A_1047 = arith.index_cast %swap3A_1046 : i32 to index
      %swap3A_1048 = arith.constant 368 : index
      %swap3A_1049 = tpu.vector_load %arg7[%swap3A_1047, %swap3A_1048] {strides = array<i32>} : memref<8x512xi32, #tpu.memory_space<vmem>>, vector<16xi32>,
      tpu.vector_store %arg7[%swap3A_1047, %swap3A_1048], %gather3A_1021 {strides = array<i32>} : memref<8x512xi32, #tpu.memory_space<vmem>>, vector<16xi32>,
      %swap3A_1050 = arith.constant 7 : i32
      %swap3A_1051 = arith.index_cast %swap3A_1050 : i32 to index
      %swap3A_1052 = arith.constant 368 : index
      %swap3A_1053 = tpu.vector_load %arg7[%swap3A_1051, %swap3A_1052] {strides = array<i32>} : memref<8x512xi32, #tpu.memory_space<vmem>>, vector<16xi32>,
      tpu.vector_store %arg7[%swap3A_1051, %swap3A_1052], %gather3A_1021 {strides = array<i32>} : memref<8x512xi32, #tpu.memory_space<vmem>>, vector<16xi32>,
      %mul3A_1054 = arith.constant 64 : i32
      %mul3A_1055 = arith.muli %scan3A_118, %mul3A_1054 : i32
      %add3A_1056 = arith.constant 48 : i32
      %add3A_1057 = arith.addi %mul3A_1055, %add3A_1056 : i32
      %add3A_1058 = vector.broadcast %add3A_1057 : i32 to vector<16xi32>
      %add3A_1059 = arith.addi %add3A_1058, %select_n3A_111 : vector<16xi32>
      %gather3A_1060 = tpu.vector_load_idx %arg6[%add3A_1059] : memref<512xi32, #tpu.memory_space<vmem>>[vector<16xi32>], vector<16xi32>,
      %swap3A_1061 = arith.constant 0 : i32
      %swap3A_1062 = arith.index_cast %swap3A_1061 : i32 to index
      %swap3A_1063 = arith.constant 384 : index
      %swap3A_1064 = tpu.vector_load %arg7[%swap3A_1062, %swap3A_1063] {strides = array<i32>} : memref<8x512xi32, #tpu.memory_space<vmem>>, vector<16xi32>,
      tpu.vector_store %arg7[%swap3A_1062, %swap3A_1063], %gather3A_1060 {strides = array<i32>} : memref<8x512xi32, #tpu.memory_space<vmem>>, vector<16xi32>,
      %swap3A_1065 = arith.constant 1 : i32
      %swap3A_1066 = arith.index_cast %swap3A_1065 : i32 to index
      %swap3A_1067 = arith.constant 384 : index
      %swap3A_1068 = tpu.vector_load %arg7[%swap3A_1066, %swap3A_1067] {strides = array<i32>} : memref<8x512xi32, #tpu.memory_space<vmem>>, vector<16xi32>,
      tpu.vector_store %arg7[%swap3A_1066, %swap3A_1067], %gather3A_1060 {strides = array<i32>} : memref<8x512xi32, #tpu.memory_space<vmem>>, vector<16xi32>,
      %swap3A_1069 = arith.constant 2 : i32
      %swap3A_1070 = arith.index_cast %swap3A_1069 : i32 to index
      %swap3A_1071 = arith.constant 384 : index
      %swap3A_1072 = tpu.vector_load %arg7[%swap3A_1070, %swap3A_1071] {strides = array<i32>} : memref<8x512xi32, #tpu.memory_space<vmem>>, vector<16xi32>,
      tpu.vector_store %arg7[%swap3A_1070, %swap3A_1071], %gather3A_1060 {strides = array<i32>} : memref<8x512xi32, #tpu.memory_space<vmem>>, vector<16xi32>,
      %swap3A_1073 = arith.constant 3 : i32
      %swap3A_1074 = arith.index_cast %swap3A_1073 : i32 to index
      %swap3A_1075 = arith.constant 384 : index
      %swap3A_1076 = tpu.vector_load %arg7[%swap3A_1074, %swap3A_1075] {strides = array<i32>} : memref<8x512xi32, #tpu.memory_space<vmem>>, vector<16xi32>,
      tpu.vector_store %arg7[%swap3A_1074, %swap3A_1075], %gather3A_1060 {strides = array<i32>} : memref<8x512xi32, #tpu.memory_space<vmem>>, vector<16xi32>,
      %swap3A_1077 = arith.constant 4 : i32
      %swap3A_1078 = arith.index_cast %swap3A_1077 : i32 to index
      %swap3A_1079 = arith.constant 384 : index
      %swap3A_1080 = tpu.vector_load %arg7[%swap3A_1078, %swap3A_1079] {strides = array<i32>} : memref<8x512xi32, #tpu.memory_space<vmem>>, vector<16xi32>,
      tpu.vector_store %arg7[%swap3A_1078, %swap3A_1079], %gather3A_1060 {strides = array<i32>} : memref<8x512xi32, #tpu.memory_space<vmem>>, vector<16xi32>,
      %swap3A_1081 = arith.constant 5 : i32
      %swap3A_1082 = arith.index_cast %swap3A_1081 : i32 to index
      %swap3A_1083 = arith.constant 384 : index
      %swap3A_1084 = tpu.vector_load %arg7[%swap3A_1082, %swap3A_1083] {strides = array<i32>} : memref<8x512xi32, #tpu.memory_space<vmem>>, vector<16xi32>,
      tpu.vector_store %arg7[%swap3A_1082, %swap3A_1083], %gather3A_1060 {strides = array<i32>} : memref<8x512xi32, #tpu.memory_space<vmem>>, vector<16xi32>,
      %swap3A_1085 = arith.constant 6 : i32
      %swap3A_1086 = arith.index_cast %swap3A_1085 : i32 to index
      %swap3A_1087 = arith.constant 384 : index
      %swap3A_1088 = tpu.vector_load %arg7[%swap3A_1086, %swap3A_1087] {strides = array<i32>} : memref<8x512xi32, #tpu.memory_space<vmem>>, vector<16xi32>,
      tpu.vector_store %arg7[%swap3A_1086, %swap3A_1087], %gather3A_1060 {strides = array<i32>} : memref<8x512xi32, #tpu.memory_space<vmem>>, vector<16xi32>,
      %swap3A_1089 = arith.constant 7 : i32
      %swap3A_1090 = arith.index_cast %swap3A_1089 : i32 to index
      %swap3A_1091 = arith.constant 384 : index
      %swap3A_1092 = tpu.vector_load %arg7[%swap3A_1090, %swap3A_1091] {strides = array<i32>} : memref<8x512xi32, #tpu.memory_space<vmem>>, vector<16xi32>,
      tpu.vector_store %arg7[%swap3A_1090, %swap3A_1091], %gather3A_1060 {strides = array<i32>} : memref<8x512xi32, #tpu.memory_space<vmem>>, vector<16xi32>,
      %mul3A_1093 = arith.constant 64 : i32
      %mul3A_1094 = arith.muli %scan3A_118, %mul3A_1093 : i32
      %add3A_1095 = arith.constant 50 : i32
      %add3A_1096 = arith.addi %mul3A_1094, %add3A_1095 : i32
      %add3A_1097 = vector.broadcast %add3A_1096 : i32 to vector<16xi32>
      %add3A_1098 = arith.addi %add3A_1097, %select_n3A_111 : vector<16xi32>
      %gather3A_1099 = tpu.vector_load_idx %arg6[%add3A_1098] : memref<512xi32, #tpu.memory_space<vmem>>[vector<16xi32>], vector<16xi32>,
      %swap3A_1100 = arith.constant 0 : i32
      %swap3A_1101 = arith.index_cast %swap3A_1100 : i32 to index
      %swap3A_1102 = arith.constant 400 : index
      %swap3A_1103 = tpu.vector_load %arg7[%swap3A_1101, %swap3A_1102] {strides = array<i32>} : memref<8x512xi32, #tpu.memory_space<vmem>>, vector<16xi32>,
      tpu.vector_store %arg7[%swap3A_1101, %swap3A_1102], %gather3A_1099 {strides = array<i32>} : memref<8x512xi32, #tpu.memory_space<vmem>>, vector<16xi32>,
      %swap3A_1104 = arith.constant 1 : i32
      %swap3A_1105 = arith.index_cast %swap3A_1104 : i32 to index
      %swap3A_1106 = arith.constant 400 : index
      %swap3A_1107 = tpu.vector_load %arg7[%swap3A_1105, %swap3A_1106] {strides = array<i32>} : memref<8x512xi32, #tpu.memory_space<vmem>>, vector<16xi32>,
      tpu.vector_store %arg7[%swap3A_1105, %swap3A_1106], %gather3A_1099 {strides = array<i32>} : memref<8x512xi32, #tpu.memory_space<vmem>>, vector<16xi32>,
      %swap3A_1108 = arith.constant 2 : i32
      %swap3A_1109 = arith.index_cast %swap3A_1108 : i32 to index
      %swap3A_1110 = arith.constant 400 : index
      %swap3A_1111 = tpu.vector_load %arg7[%swap3A_1109, %swap3A_1110] {strides = array<i32>} : memref<8x512xi32, #tpu.memory_space<vmem>>, vector<16xi32>,
      tpu.vector_store %arg7[%swap3A_1109, %swap3A_1110], %gather3A_1099 {strides = array<i32>} : memref<8x512xi32, #tpu.memory_space<vmem>>, vector<16xi32>,
      %swap3A_1112 = arith.constant 3 : i32
      %swap3A_1113 = arith.index_cast %swap3A_1112 : i32 to index
      %swap3A_1114 = arith.constant 400 : index
      %swap3A_1115 = tpu.vector_load %arg7[%swap3A_1113, %swap3A_1114] {strides = array<i32>} : memref<8x512xi32, #tpu.memory_space<vmem>>, vector<16xi32>,
      tpu.vector_store %arg7[%swap3A_1113, %swap3A_1114], %gather3A_1099 {strides = array<i32>} : memref<8x512xi32, #tpu.memory_space<vmem>>, vector<16xi32>,
      %swap3A_1116 = arith.constant 4 : i32
      %swap3A_1117 = arith.index_cast %swap3A_1116 : i32 to index
      %swap3A_1118 = arith.constant 400 : index
      %swap3A_1119 = tpu.vector_load %arg7[%swap3A_1117, %swap3A_1118] {strides = array<i32>} : memref<8x512xi32, #tpu.memory_space<vmem>>, vector<16xi32>,
      tpu.vector_store %arg7[%swap3A_1117, %swap3A_1118], %gather3A_1099 {strides = array<i32>} : memref<8x512xi32, #tpu.memory_space<vmem>>, vector<16xi32>,
      %swap3A_1120 = arith.constant 5 : i32
      %swap3A_1121 = arith.index_cast %swap3A_1120 : i32 to index
      %swap3A_1122 = arith.constant 400 : index
      %swap3A_1123 = tpu.vector_load %arg7[%swap3A_1121, %swap3A_1122] {strides = array<i32>} : memref<8x512xi32, #tpu.memory_space<vmem>>, vector<16xi32>,
      tpu.vector_store %arg7[%swap3A_1121, %swap3A_1122], %gather3A_1099 {strides = array<i32>} : memref<8x512xi32, #tpu.memory_space<vmem>>, vector<16xi32>,
      %swap3A_1124 = arith.constant 6 : i32
      %swap3A_1125 = arith.index_cast %swap3A_1124 : i32 to index
      %swap3A_1126 = arith.constant 400 : index
      %swap3A_1127 = tpu.vector_load %arg7[%swap3A_1125, %swap3A_1126] {strides = array<i32>} : memref<8x512xi32, #tpu.memory_space<vmem>>, vector<16xi32>,
      tpu.vector_store %arg7[%swap3A_1125, %swap3A_1126], %gather3A_1099 {strides = array<i32>} : memref<8x512xi32, #tpu.memory_space<vmem>>, vector<16xi32>,
      %swap3A_1128 = arith.constant 7 : i32
      %swap3A_1129 = arith.index_cast %swap3A_1128 : i32 to index
      %swap3A_1130 = arith.constant 400 : index
      %swap3A_1131 = tpu.vector_load %arg7[%swap3A_1129, %swap3A_1130] {strides = array<i32>} : memref<8x512xi32, #tpu.memory_space<vmem>>, vector<16xi32>,
      tpu.vector_store %arg7[%swap3A_1129, %swap3A_1130], %gather3A_1099 {strides = array<i32>} : memref<8x512xi32, #tpu.memory_space<vmem>>, vector<16xi32>,
      %mul3A_1132 = arith.constant 64 : i32
      %mul3A_1133 = arith.muli %scan3A_118, %mul3A_1132 : i32
      %add3A_1134 = arith.constant 52 : i32
      %add3A_1135 = arith.addi %mul3A_1133, %add3A_1134 : i32
      %add3A_1136 = vector.broadcast %add3A_1135 : i32 to vector<16xi32>
      %add3A_1137 = arith.addi %add3A_1136, %select_n3A_111 : vector<16xi32>
      %gather3A_1138 = tpu.vector_load_idx %arg6[%add3A_1137] : memref<512xi32, #tpu.memory_space<vmem>>[vector<16xi32>], vector<16xi32>,
      %swap3A_1139 = arith.constant 0 : i32
      %swap3A_1140 = arith.index_cast %swap3A_1139 : i32 to index
      %swap3A_1141 = arith.constant 416 : index
      %swap3A_1142 = tpu.vector_load %arg7[%swap3A_1140, %swap3A_1141] {strides = array<i32>} : memref<8x512xi32, #tpu.memory_space<vmem>>, vector<16xi32>,
      tpu.vector_store %arg7[%swap3A_1140, %swap3A_1141], %gather3A_1138 {strides = array<i32>} : memref<8x512xi32, #tpu.memory_space<vmem>>, vector<16xi32>,
      %swap3A_1143 = arith.constant 1 : i32
      %swap3A_1144 = arith.index_cast %swap3A_1143 : i32 to index
      %swap3A_1145 = arith.constant 416 : index
      %swap3A_1146 = tpu.vector_load %arg7[%swap3A_1144, %swap3A_1145] {strides = array<i32>} : memref<8x512xi32, #tpu.memory_space<vmem>>, vector<16xi32>,
      tpu.vector_store %arg7[%swap3A_1144, %swap3A_1145], %gather3A_1138 {strides = array<i32>} : memref<8x512xi32, #tpu.memory_space<vmem>>, vector<16xi32>,
      %swap3A_1147 = arith.constant 2 : i32
      %swap3A_1148 = arith.index_cast %swap3A_1147 : i32 to index
      %swap3A_1149 = arith.constant 416 : index
      %swap3A_1150 = tpu.vector_load %arg7[%swap3A_1148, %swap3A_1149] {strides = array<i32>} : memref<8x512xi32, #tpu.memory_space<vmem>>, vector<16xi32>,
      tpu.vector_store %arg7[%swap3A_1148, %swap3A_1149], %gather3A_1138 {strides = array<i32>} : memref<8x512xi32, #tpu.memory_space<vmem>>, vector<16xi32>,
      %swap3A_1151 = arith.constant 3 : i32
      %swap3A_1152 = arith.index_cast %swap3A_1151 : i32 to index
      %swap3A_1153 = arith.constant 416 : index
      %swap3A_1154 = tpu.vector_load %arg7[%swap3A_1152, %swap3A_1153] {strides = array<i32>} : memref<8x512xi32, #tpu.memory_space<vmem>>, vector<16xi32>,
      tpu.vector_store %arg7[%swap3A_1152, %swap3A_1153], %gather3A_1138 {strides = array<i32>} : memref<8x512xi32, #tpu.memory_space<vmem>>, vector<16xi32>,
      %swap3A_1155 = arith.constant 4 : i32
      %swap3A_1156 = arith.index_cast %swap3A_1155 : i32 to index
      %swap3A_1157 = arith.constant 416 : index
      %swap3A_1158 = tpu.vector_load %arg7[%swap3A_1156, %swap3A_1157] {strides = array<i32>} : memref<8x512xi32, #tpu.memory_space<vmem>>, vector<16xi32>,
      tpu.vector_store %arg7[%swap3A_1156, %swap3A_1157], %gather3A_1138 {strides = array<i32>} : memref<8x512xi32, #tpu.memory_space<vmem>>, vector<16xi32>,
      %swap3A_1159 = arith.constant 5 : i32
      %swap3A_1160 = arith.index_cast %swap3A_1159 : i32 to index
      %swap3A_1161 = arith.constant 416 : index
      %swap3A_1162 = tpu.vector_load %arg7[%swap3A_1160, %swap3A_1161] {strides = array<i32>} : memref<8x512xi32, #tpu.memory_space<vmem>>, vector<16xi32>,
      tpu.vector_store %arg7[%swap3A_1160, %swap3A_1161], %gather3A_1138 {strides = array<i32>} : memref<8x512xi32, #tpu.memory_space<vmem>>, vector<16xi32>,
      %swap3A_1163 = arith.constant 6 : i32
      %swap3A_1164 = arith.index_cast %swap3A_1163 : i32 to index
      %swap3A_1165 = arith.constant 416 : index
      %swap3A_1166 = tpu.vector_load %arg7[%swap3A_1164, %swap3A_1165] {strides = array<i32>} : memref<8x512xi32, #tpu.memory_space<vmem>>, vector<16xi32>,
      tpu.vector_store %arg7[%swap3A_1164, %swap3A_1165], %gather3A_1138 {strides = array<i32>} : memref<8x512xi32, #tpu.memory_space<vmem>>, vector<16xi32>,
      %swap3A_1167 = arith.constant 7 : i32
      %swap3A_1168 = arith.index_cast %swap3A_1167 : i32 to index
      %swap3A_1169 = arith.constant 416 : index
      %swap3A_1170 = tpu.vector_load %arg7[%swap3A_1168, %swap3A_1169] {strides = array<i32>} : memref<8x512xi32, #tpu.memory_space<vmem>>, vector<16xi32>,
      tpu.vector_store %arg7[%swap3A_1168, %swap3A_1169], %gather3A_1138 {strides = array<i32>} : memref<8x512xi32, #tpu.memory_space<vmem>>, vector<16xi32>,
      %mul3A_1171 = arith.constant 64 : i32
      %mul3A_1172 = arith.muli %scan3A_118, %mul3A_1171 : i32
      %add3A_1173 = arith.constant 54 : i32
      %add3A_1174 = arith.addi %mul3A_1172, %add3A_1173 : i32
      %add3A_1175 = vector.broadcast %add3A_1174 : i32 to vector<16xi32>
      %add3A_1176 = arith.addi %add3A_1175, %select_n3A_111 : vector<16xi32>
      %gather3A_1177 = tpu.vector_load_idx %arg6[%add3A_1176] : memref<512xi32, #tpu.memory_space<vmem>>[vector<16xi32>], vector<16xi32>,
      %swap3A_1178 = arith.constant 0 : i32
      %swap3A_1179 = arith.index_cast %swap3A_1178 : i32 to index
      %swap3A_1180 = arith.constant 432 : index
      %swap3A_1181 = tpu.vector_load %arg7[%swap3A_1179, %swap3A_1180] {strides = array<i32>} : memref<8x512xi32, #tpu.memory_space<vmem>>, vector<16xi32>,
      tpu.vector_store %arg7[%swap3A_1179, %swap3A_1180], %gather3A_1177 {strides = array<i32>} : memref<8x512xi32, #tpu.memory_space<vmem>>, vector<16xi32>,
      %swap3A_1182 = arith.constant 1 : i32
      %swap3A_1183 = arith.index_cast %swap3A_1182 : i32 to index
      %swap3A_1184 = arith.constant 432 : index
      %swap3A_1185 = tpu.vector_load %arg7[%swap3A_1183, %swap3A_1184] {strides = array<i32>} : memref<8x512xi32, #tpu.memory_space<vmem>>, vector<16xi32>,
      tpu.vector_store %arg7[%swap3A_1183, %swap3A_1184], %gather3A_1177 {strides = array<i32>} : memref<8x512xi32, #tpu.memory_space<vmem>>, vector<16xi32>,
      %swap3A_1186 = arith.constant 2 : i32
      %swap3A_1187 = arith.index_cast %swap3A_1186 : i32 to index
      %swap3A_1188 = arith.constant 432 : index
      %swap3A_1189 = tpu.vector_load %arg7[%swap3A_1187, %swap3A_1188] {strides = array<i32>} : memref<8x512xi32, #tpu.memory_space<vmem>>, vector<16xi32>,
      tpu.vector_store %arg7[%swap3A_1187, %swap3A_1188], %gather3A_1177 {strides = array<i32>} : memref<8x512xi32, #tpu.memory_space<vmem>>, vector<16xi32>,
      %swap3A_1190 = arith.constant 3 : i32
      %swap3A_1191 = arith.index_cast %swap3A_1190 : i32 to index
      %swap3A_1192 = arith.constant 432 : index
      %swap3A_1193 = tpu.vector_load %arg7[%swap3A_1191, %swap3A_1192] {strides = array<i32>} : memref<8x512xi32, #tpu.memory_space<vmem>>, vector<16xi32>,
      tpu.vector_store %arg7[%swap3A_1191, %swap3A_1192], %gather3A_1177 {strides = array<i32>} : memref<8x512xi32, #tpu.memory_space<vmem>>, vector<16xi32>,
      %swap3A_1194 = arith.constant 4 : i32
      %swap3A_1195 = arith.index_cast %swap3A_1194 : i32 to index
      %swap3A_1196 = arith.constant 432 : index
      %swap3A_1197 = tpu.vector_load %arg7[%swap3A_1195, %swap3A_1196] {strides = array<i32>} : memref<8x512xi32, #tpu.memory_space<vmem>>, vector<16xi32>,
      tpu.vector_store %arg7[%swap3A_1195, %swap3A_1196], %gather3A_1177 {strides = array<i32>} : memref<8x512xi32, #tpu.memory_space<vmem>>, vector<16xi32>,
      %swap3A_1198 = arith.constant 5 : i32
      %swap3A_1199 = arith.index_cast %swap3A_1198 : i32 to index
      %swap3A_1200 = arith.constant 432 : index
      %swap3A_1201 = tpu.vector_load %arg7[%swap3A_1199, %swap3A_1200] {strides = array<i32>} : memref<8x512xi32, #tpu.memory_space<vmem>>, vector<16xi32>,
      tpu.vector_store %arg7[%swap3A_1199, %swap3A_1200], %gather3A_1177 {strides = array<i32>} : memref<8x512xi32, #tpu.memory_space<vmem>>, vector<16xi32>,
      %swap3A_1202 = arith.constant 6 : i32
      %swap3A_1203 = arith.index_cast %swap3A_1202 : i32 to index
      %swap3A_1204 = arith.constant 432 : index
      %swap3A_1205 = tpu.vector_load %arg7[%swap3A_1203, %swap3A_1204] {strides = array<i32>} : memref<8x512xi32, #tpu.memory_space<vmem>>, vector<16xi32>,
      tpu.vector_store %arg7[%swap3A_1203, %swap3A_1204], %gather3A_1177 {strides = array<i32>} : memref<8x512xi32, #tpu.memory_space<vmem>>, vector<16xi32>,
      %swap3A_1206 = arith.constant 7 : i32
      %swap3A_1207 = arith.index_cast %swap3A_1206 : i32 to index
      %swap3A_1208 = arith.constant 432 : index
      %swap3A_1209 = tpu.vector_load %arg7[%swap3A_1207, %swap3A_1208] {strides = array<i32>} : memref<8x512xi32, #tpu.memory_space<vmem>>, vector<16xi32>,
      tpu.vector_store %arg7[%swap3A_1207, %swap3A_1208], %gather3A_1177 {strides = array<i32>} : memref<8x512xi32, #tpu.memory_space<vmem>>, vector<16xi32>,
      %mul3A_1210 = arith.constant 64 : i32
      %mul3A_1211 = arith.muli %scan3A_118, %mul3A_1210 : i32
      %add3A_1212 = arith.constant 56 : i32
      %add3A_1213 = arith.addi %mul3A_1211, %add3A_1212 : i32
      %add3A_1214 = vector.broadcast %add3A_1213 : i32 to vector<16xi32>
      %add3A_1215 = arith.addi %add3A_1214, %select_n3A_111 : vector<16xi32>
      %gather3A_1216 = tpu.vector_load_idx %arg6[%add3A_1215] : memref<512xi32, #tpu.memory_space<vmem>>[vector<16xi32>], vector<16xi32>,
      %swap3A_1217 = arith.constant 0 : i32
      %swap3A_1218 = arith.index_cast %swap3A_1217 : i32 to index
      %swap3A_1219 = arith.constant 448 : index
      %swap3A_1220 = tpu.vector_load %arg7[%swap3A_1218, %swap3A_1219] {strides = array<i32>} : memref<8x512xi32, #tpu.memory_space<vmem>>, vector<16xi32>,
      tpu.vector_store %arg7[%swap3A_1218, %swap3A_1219], %gather3A_1216 {strides = array<i32>} : memref<8x512xi32, #tpu.memory_space<vmem>>, vector<16xi32>,
      %swap3A_1221 = arith.constant 1 : i32
      %swap3A_1222 = arith.index_cast %swap3A_1221 : i32 to index
      %swap3A_1223 = arith.constant 448 : index
      %swap3A_1224 = tpu.vector_load %arg7[%swap3A_1222, %swap3A_1223] {strides = array<i32>} : memref<8x512xi32, #tpu.memory_space<vmem>>, vector<16xi32>,
      tpu.vector_store %arg7[%swap3A_1222, %swap3A_1223], %gather3A_1216 {strides = array<i32>} : memref<8x512xi32, #tpu.memory_space<vmem>>, vector<16xi32>,
      %swap3A_1225 = arith.constant 2 : i32
      %swap3A_1226 = arith.index_cast %swap3A_1225 : i32 to index
      %swap3A_1227 = arith.constant 448 : index
      %swap3A_1228 = tpu.vector_load %arg7[%swap3A_1226, %swap3A_1227] {strides = array<i32>} : memref<8x512xi32, #tpu.memory_space<vmem>>, vector<16xi32>,
      tpu.vector_store %arg7[%swap3A_1226, %swap3A_1227], %gather3A_1216 {strides = array<i32>} : memref<8x512xi32, #tpu.memory_space<vmem>>, vector<16xi32>,
      %swap3A_1229 = arith.constant 3 : i32
      %swap3A_1230 = arith.index_cast %swap3A_1229 : i32 to index
      %swap3A_1231 = arith.constant 448 : index
      %swap3A_1232 = tpu.vector_load %arg7[%swap3A_1230, %swap3A_1231] {strides = array<i32>} : memref<8x512xi32, #tpu.memory_space<vmem>>, vector<16xi32>,
      tpu.vector_store %arg7[%swap3A_1230, %swap3A_1231], %gather3A_1216 {strides = array<i32>} : memref<8x512xi32, #tpu.memory_space<vmem>>, vector<16xi32>,
      %swap3A_1233 = arith.constant 4 : i32
      %swap3A_1234 = arith.index_cast %swap3A_1233 : i32 to index
      %swap3A_1235 = arith.constant 448 : index
      %swap3A_1236 = tpu.vector_load %arg7[%swap3A_1234, %swap3A_1235] {strides = array<i32>} : memref<8x512xi32, #tpu.memory_space<vmem>>, vector<16xi32>,
      tpu.vector_store %arg7[%swap3A_1234, %swap3A_1235], %gather3A_1216 {strides = array<i32>} : memref<8x512xi32, #tpu.memory_space<vmem>>, vector<16xi32>,
      %swap3A_1237 = arith.constant 5 : i32
      %swap3A_1238 = arith.index_cast %swap3A_1237 : i32 to index
      %swap3A_1239 = arith.constant 448 : index
      %swap3A_1240 = tpu.vector_load %arg7[%swap3A_1238, %swap3A_1239] {strides = array<i32>} : memref<8x512xi32, #tpu.memory_space<vmem>>, vector<16xi32>,
      tpu.vector_store %arg7[%swap3A_1238, %swap3A_1239], %gather3A_1216 {strides = array<i32>} : memref<8x512xi32, #tpu.memory_space<vmem>>, vector<16xi32>,
      %swap3A_1241 = arith.constant 6 : i32
      %swap3A_1242 = arith.index_cast %swap3A_1241 : i32 to index
      %swap3A_1243 = arith.constant 448 : index
      %swap3A_1244 = tpu.vector_load %arg7[%swap3A_1242, %swap3A_1243] {strides = array<i32>} : memref<8x512xi32, #tpu.memory_space<vmem>>, vector<16xi32>,
      tpu.vector_store %arg7[%swap3A_1242, %swap3A_1243], %gather3A_1216 {strides = array<i32>} : memref<8x512xi32, #tpu.memory_space<vmem>>, vector<16xi32>,
      %swap3A_1245 = arith.constant 7 : i32
      %swap3A_1246 = arith.index_cast %swap3A_1245 : i32 to index
      %swap3A_1247 = arith.constant 448 : index
      %swap3A_1248 = tpu.vector_load %arg7[%swap3A_1246, %swap3A_1247] {strides = array<i32>} : memref<8x512xi32, #tpu.memory_space<vmem>>, vector<16xi32>,
      tpu.vector_store %arg7[%swap3A_1246, %swap3A_1247], %gather3A_1216 {strides = array<i32>} : memref<8x512xi32, #tpu.memory_space<vmem>>, vector<16xi32>,
      %mul3A_1249 = arith.constant 64 : i32
      %mul3A_1250 = arith.muli %scan3A_118, %mul3A_1249 : i32
      %add3A_1251 = arith.constant 58 : i32
      %add3A_1252 = arith.addi %mul3A_1250, %add3A_1251 : i32
      %add3A_1253 = vector.broadcast %add3A_1252 : i32 to vector<16xi32>
      %add3A_1254 = arith.addi %add3A_1253, %select_n3A_111 : vector<16xi32>
      %gather3A_1255 = tpu.vector_load_idx %arg6[%add3A_1254] : memref<512xi32, #tpu.memory_space<vmem>>[vector<16xi32>], vector<16xi32>,
      %swap3A_1256 = arith.constant 0 : i32
      %swap3A_1257 = arith.index_cast %swap3A_1256 : i32 to index
      %swap3A_1258 = arith.constant 464 : index
      %swap3A_1259 = tpu.vector_load %arg7[%swap3A_1257, %swap3A_1258] {strides = array<i32>} : memref<8x512xi32, #tpu.memory_space<vmem>>, vector<16xi32>,
      tpu.vector_store %arg7[%swap3A_1257, %swap3A_1258], %gather3A_1255 {strides = array<i32>} : memref<8x512xi32, #tpu.memory_space<vmem>>, vector<16xi32>,
      %swap3A_1260 = arith.constant 1 : i32
      %swap3A_1261 = arith.index_cast %swap3A_1260 : i32 to index
      %swap3A_1262 = arith.constant 464 : index
      %swap3A_1263 = tpu.vector_load %arg7[%swap3A_1261, %swap3A_1262] {strides = array<i32>} : memref<8x512xi32, #tpu.memory_space<vmem>>, vector<16xi32>,
      tpu.vector_store %arg7[%swap3A_1261, %swap3A_1262], %gather3A_1255 {strides = array<i32>} : memref<8x512xi32, #tpu.memory_space<vmem>>, vector<16xi32>,
      %swap3A_1264 = arith.constant 2 : i32
      %swap3A_1265 = arith.index_cast %swap3A_1264 : i32 to index
      %swap3A_1266 = arith.constant 464 : index
      %swap3A_1267 = tpu.vector_load %arg7[%swap3A_1265, %swap3A_1266] {strides = array<i32>} : memref<8x512xi32, #tpu.memory_space<vmem>>, vector<16xi32>,
      tpu.vector_store %arg7[%swap3A_1265, %swap3A_1266], %gather3A_1255 {strides = array<i32>} : memref<8x512xi32, #tpu.memory_space<vmem>>, vector<16xi32>,
      %swap3A_1268 = arith.constant 3 : i32
      %swap3A_1269 = arith.index_cast %swap3A_1268 : i32 to index
      %swap3A_1270 = arith.constant 464 : index
      %swap3A_1271 = tpu.vector_load %arg7[%swap3A_1269, %swap3A_1270] {strides = array<i32>} : memref<8x512xi32, #tpu.memory_space<vmem>>, vector<16xi32>,
      tpu.vector_store %arg7[%swap3A_1269, %swap3A_1270], %gather3A_1255 {strides = array<i32>} : memref<8x512xi32, #tpu.memory_space<vmem>>, vector<16xi32>,
      %swap3A_1272 = arith.constant 4 : i32
      %swap3A_1273 = arith.index_cast %swap3A_1272 : i32 to index
      %swap3A_1274 = arith.constant 464 : index
      %swap3A_1275 = tpu.vector_load %arg7[%swap3A_1273, %swap3A_1274] {strides = array<i32>} : memref<8x512xi32, #tpu.memory_space<vmem>>, vector<16xi32>,
      tpu.vector_store %arg7[%swap3A_1273, %swap3A_1274], %gather3A_1255 {strides = array<i32>} : memref<8x512xi32, #tpu.memory_space<vmem>>, vector<16xi32>,
      %swap3A_1276 = arith.constant 5 : i32
      %swap3A_1277 = arith.index_cast %swap3A_1276 : i32 to index
      %swap3A_1278 = arith.constant 464 : index
      %swap3A_1279 = tpu.vector_load %arg7[%swap3A_1277, %swap3A_1278] {strides = array<i32>} : memref<8x512xi32, #tpu.memory_space<vmem>>, vector<16xi32>,
      tpu.vector_store %arg7[%swap3A_1277, %swap3A_1278], %gather3A_1255 {strides = array<i32>} : memref<8x512xi32, #tpu.memory_space<vmem>>, vector<16xi32>,
      %swap3A_1280 = arith.constant 6 : i32
      %swap3A_1281 = arith.index_cast %swap3A_1280 : i32 to index
      %swap3A_1282 = arith.constant 464 : index
      %swap3A_1283 = tpu.vector_load %arg7[%swap3A_1281, %swap3A_1282] {strides = array<i32>} : memref<8x512xi32, #tpu.memory_space<vmem>>, vector<16xi32>,
      tpu.vector_store %arg7[%swap3A_1281, %swap3A_1282], %gather3A_1255 {strides = array<i32>} : memref<8x512xi32, #tpu.memory_space<vmem>>, vector<16xi32>,
      %swap3A_1284 = arith.constant 7 : i32
      %swap3A_1285 = arith.index_cast %swap3A_1284 : i32 to index
      %swap3A_1286 = arith.constant 464 : index
      %swap3A_1287 = tpu.vector_load %arg7[%swap3A_1285, %swap3A_1286] {strides = array<i32>} : memref<8x512xi32, #tpu.memory_space<vmem>>, vector<16xi32>,
      tpu.vector_store %arg7[%swap3A_1285, %swap3A_1286], %gather3A_1255 {strides = array<i32>} : memref<8x512xi32, #tpu.memory_space<vmem>>, vector<16xi32>,
      %mul3A_1288 = arith.constant 64 : i32
      %mul3A_1289 = arith.muli %scan3A_118, %mul3A_1288 : i32
      %add3A_1290 = arith.constant 60 : i32
      %add3A_1291 = arith.addi %mul3A_1289, %add3A_1290 : i32
      %add3A_1292 = vector.broadcast %add3A_1291 : i32 to vector<16xi32>
      %add3A_1293 = arith.addi %add3A_1292, %select_n3A_111 : vector<16xi32>
      %gather3A_1294 = tpu.vector_load_idx %arg6[%add3A_1293] : memref<512xi32, #tpu.memory_space<vmem>>[vector<16xi32>], vector<16xi32>,
      %swap3A_1295 = arith.constant 0 : i32
      %swap3A_1296 = arith.index_cast %swap3A_1295 : i32 to index
      %swap3A_1297 = arith.constant 480 : index
      %swap3A_1298 = tpu.vector_load %arg7[%swap3A_1296, %swap3A_1297] {strides = array<i32>} : memref<8x512xi32, #tpu.memory_space<vmem>>, vector<16xi32>,
      tpu.vector_store %arg7[%swap3A_1296, %swap3A_1297], %gather3A_1294 {strides = array<i32>} : memref<8x512xi32, #tpu.memory_space<vmem>>, vector<16xi32>,
      %swap3A_1299 = arith.constant 1 : i32
      %swap3A_1300 = arith.index_cast %swap3A_1299 : i32 to index
      %swap3A_1301 = arith.constant 480 : index
      %swap3A_1302 = tpu.vector_load %arg7[%swap3A_1300, %swap3A_1301] {strides = array<i32>} : memref<8x512xi32, #tpu.memory_space<vmem>>, vector<16xi32>,
      tpu.vector_store %arg7[%swap3A_1300, %swap3A_1301], %gather3A_1294 {strides = array<i32>} : memref<8x512xi32, #tpu.memory_space<vmem>>, vector<16xi32>,
      %swap3A_1303 = arith.constant 2 : i32
      %swap3A_1304 = arith.index_cast %swap3A_1303 : i32 to index
      %swap3A_1305 = arith.constant 480 : index
      %swap3A_1306 = tpu.vector_load %arg7[%swap3A_1304, %swap3A_1305] {strides = array<i32>} : memref<8x512xi32, #tpu.memory_space<vmem>>, vector<16xi32>,
      tpu.vector_store %arg7[%swap3A_1304, %swap3A_1305], %gather3A_1294 {strides = array<i32>} : memref<8x512xi32, #tpu.memory_space<vmem>>, vector<16xi32>,
      %swap3A_1307 = arith.constant 3 : i32
      %swap3A_1308 = arith.index_cast %swap3A_1307 : i32 to index
      %swap3A_1309 = arith.constant 480 : index
      %swap3A_1310 = tpu.vector_load %arg7[%swap3A_1308, %swap3A_1309] {strides = array<i32>} : memref<8x512xi32, #tpu.memory_space<vmem>>, vector<16xi32>,
      tpu.vector_store %arg7[%swap3A_1308, %swap3A_1309], %gather3A_1294 {strides = array<i32>} : memref<8x512xi32, #tpu.memory_space<vmem>>, vector<16xi32>,
      %swap3A_1311 = arith.constant 4 : i32
      %swap3A_1312 = arith.index_cast %swap3A_1311 : i32 to index
      %swap3A_1313 = arith.constant 480 : index
      %swap3A_1314 = tpu.vector_load %arg7[%swap3A_1312, %swap3A_1313] {strides = array<i32>} : memref<8x512xi32, #tpu.memory_space<vmem>>, vector<16xi32>,
      tpu.vector_store %arg7[%swap3A_1312, %swap3A_1313], %gather3A_1294 {strides = array<i32>} : memref<8x512xi32, #tpu.memory_space<vmem>>, vector<16xi32>,
      %swap3A_1315 = arith.constant 5 : i32
      %swap3A_1316 = arith.index_cast %swap3A_1315 : i32 to index
      %swap3A_1317 = arith.constant 480 : index
      %swap3A_1318 = tpu.vector_load %arg7[%swap3A_1316, %swap3A_1317] {strides = array<i32>} : memref<8x512xi32, #tpu.memory_space<vmem>>, vector<16xi32>,
      tpu.vector_store %arg7[%swap3A_1316, %swap3A_1317], %gather3A_1294 {strides = array<i32>} : memref<8x512xi32, #tpu.memory_space<vmem>>, vector<16xi32>,
      %swap3A_1319 = arith.constant 6 : i32
      %swap3A_1320 = arith.index_cast %swap3A_1319 : i32 to index
      %swap3A_1321 = arith.constant 480 : index
      %swap3A_1322 = tpu.vector_load %arg7[%swap3A_1320, %swap3A_1321] {strides = array<i32>} : memref<8x512xi32, #tpu.memory_space<vmem>>, vector<16xi32>,
      tpu.vector_store %arg7[%swap3A_1320, %swap3A_1321], %gather3A_1294 {strides = array<i32>} : memref<8x512xi32, #tpu.memory_space<vmem>>, vector<16xi32>,
      %swap3A_1323 = arith.constant 7 : i32
      %swap3A_1324 = arith.index_cast %swap3A_1323 : i32 to index
      %swap3A_1325 = arith.constant 480 : index
      %swap3A_1326 = tpu.vector_load %arg7[%swap3A_1324, %swap3A_1325] {strides = array<i32>} : memref<8x512xi32, #tpu.memory_space<vmem>>, vector<16xi32>,
      tpu.vector_store %arg7[%swap3A_1324, %swap3A_1325], %gather3A_1294 {strides = array<i32>} : memref<8x512xi32, #tpu.memory_space<vmem>>, vector<16xi32>,
      %mul3A_1327 = arith.constant 64 : i32
      %mul3A_1328 = arith.muli %scan3A_118, %mul3A_1327 : i32
      %add3A_1329 = arith.constant 62 : i32
      %add3A_1330 = arith.addi %mul3A_1328, %add3A_1329 : i32
      %add3A_1331 = vector.broadcast %add3A_1330 : i32 to vector<16xi32>
      %add3A_1332 = arith.addi %add3A_1331, %select_n3A_111 : vector<16xi32>
      %gather3A_1333 = tpu.vector_load_idx %arg6[%add3A_1332] : memref<512xi32, #tpu.memory_space<vmem>>[vector<16xi32>], vector<16xi32>,
      %swap3A_1334 = arith.constant 0 : i32
      %swap3A_1335 = arith.index_cast %swap3A_1334 : i32 to index
      %swap3A_1336 = arith.constant 496 : index
      %swap3A_1337 = tpu.vector_load %arg7[%swap3A_1335, %swap3A_1336] {strides = array<i32>} : memref<8x512xi32, #tpu.memory_space<vmem>>, vector<16xi32>,
      tpu.vector_store %arg7[%swap3A_1335, %swap3A_1336], %gather3A_1333 {strides = array<i32>} : memref<8x512xi32, #tpu.memory_space<vmem>>, vector<16xi32>,
      %swap3A_1338 = arith.constant 1 : i32
      %swap3A_1339 = arith.index_cast %swap3A_1338 : i32 to index
      %swap3A_1340 = arith.constant 496 : index
      %swap3A_1341 = tpu.vector_load %arg7[%swap3A_1339, %swap3A_1340] {strides = array<i32>} : memref<8x512xi32, #tpu.memory_space<vmem>>, vector<16xi32>,
      tpu.vector_store %arg7[%swap3A_1339, %swap3A_1340], %gather3A_1333 {strides = array<i32>} : memref<8x512xi32, #tpu.memory_space<vmem>>, vector<16xi32>,
      %swap3A_1342 = arith.constant 2 : i32
      %swap3A_1343 = arith.index_cast %swap3A_1342 : i32 to index
      %swap3A_1344 = arith.constant 496 : index
      %swap3A_1345 = tpu.vector_load %arg7[%swap3A_1343, %swap3A_1344] {strides = array<i32>} : memref<8x512xi32, #tpu.memory_space<vmem>>, vector<16xi32>,
      tpu.vector_store %arg7[%swap3A_1343, %swap3A_1344], %gather3A_1333 {strides = array<i32>} : memref<8x512xi32, #tpu.memory_space<vmem>>, vector<16xi32>,
      %swap3A_1346 = arith.constant 3 : i32
      %swap3A_1347 = arith.index_cast %swap3A_1346 : i32 to index
      %swap3A_1348 = arith.constant 496 : index
      %swap3A_1349 = tpu.vector_load %arg7[%swap3A_1347, %swap3A_1348] {strides = array<i32>} : memref<8x512xi32, #tpu.memory_space<vmem>>, vector<16xi32>,
      tpu.vector_store %arg7[%swap3A_1347, %swap3A_1348], %gather3A_1333 {strides = array<i32>} : memref<8x512xi32, #tpu.memory_space<vmem>>, vector<16xi32>,
      %swap3A_1350 = arith.constant 4 : i32
      %swap3A_1351 = arith.index_cast %swap3A_1350 : i32 to index
      %swap3A_1352 = arith.constant 496 : index
      %swap3A_1353 = tpu.vector_load %arg7[%swap3A_1351, %swap3A_1352] {strides = array<i32>} : memref<8x512xi32, #tpu.memory_space<vmem>>, vector<16xi32>,
      tpu.vector_store %arg7[%swap3A_1351, %swap3A_1352], %gather3A_1333 {strides = array<i32>} : memref<8x512xi32, #tpu.memory_space<vmem>>, vector<16xi32>,
      %swap3A_1354 = arith.constant 5 : i32
      %swap3A_1355 = arith.index_cast %swap3A_1354 : i32 to index
      %swap3A_1356 = arith.constant 496 : index
      %swap3A_1357 = tpu.vector_load %arg7[%swap3A_1355, %swap3A_1356] {strides = array<i32>} : memref<8x512xi32, #tpu.memory_space<vmem>>, vector<16xi32>,
      tpu.vector_store %arg7[%swap3A_1355, %swap3A_1356], %gather3A_1333 {strides = array<i32>} : memref<8x512xi32, #tpu.memory_space<vmem>>, vector<16xi32>,
      %swap3A_1358 = arith.constant 6 : i32
      %swap3A_1359 = arith.index_cast %swap3A_1358 : i32 to index
      %swap3A_1360 = arith.constant 496 : index
      %swap3A_1361 = tpu.vector_load %arg7[%swap3A_1359, %swap3A_1360] {strides = array<i32>} : memref<8x512xi32, #tpu.memory_space<vmem>>, vector<16xi32>,
      tpu.vector_store %arg7[%swap3A_1359, %swap3A_1360], %gather3A_1333 {strides = array<i32>} : memref<8x512xi32, #tpu.memory_space<vmem>>, vector<16xi32>,
      %swap3A_1362 = arith.constant 7 : i32
      %swap3A_1363 = arith.index_cast %swap3A_1362 : i32 to index
      %swap3A_1364 = arith.constant 496 : index
      %swap3A_1365 = tpu.vector_load %arg7[%swap3A_1363, %swap3A_1364] {strides = array<i32>} : memref<8x512xi32, #tpu.memory_space<vmem>>, vector<16xi32>,
      tpu.vector_store %arg7[%swap3A_1363, %swap3A_1364], %gather3A_1333 {strides = array<i32>} : memref<8x512xi32, #tpu.memory_space<vmem>>, vector<16xi32>,
      %eq3A_1366 = arith.constant 0 : i32
      %eq3A_1367 = arith.cmpi eq, %select_n3A, %eq3A_1366 : i32
      %convert_element_type3A_1368 = arith.extui %eq3A_1367 : i1 to i32
      %cond3A_1369 = arith.constant 0 : i32
      %cond3A_1370 = arith.cmpi ne, %convert_element_type3A_1368, %cond3A_1369 : i32
      scf.if %cond3A_1370 {
        %add3A_1377 = arith.addi %mul3A_72, %scan3A_118 : i32
        %mul3A_1378 = arith.constant 8 : i32
        %mul3A_1379 = arith.muli %add3A_1377, %mul3A_1378 : i32
        "tpu.region"() ({
          %run_scoped3A = tpu.sem_alloc : memref<!tpu.dma_semaphore, #tpu.memory_space<semaphore_mem>>
          %dma_start3A = arith.constant 0 : i32
          %dma_start3A_1380 = tpu.memref_slice %arg4[%select_n3A_54, %mul3A_1379, %dma_start3A] : memref<2x512x512xi32, #tpu.memory_space<hbm>> -> memref<1x8x512xi32, #tpu.memory_space<hbm>>
          %dma_start3A_1381 = tpu.memref_squeeze %dma_start3A_1380 : memref<1x8x512xi32, #tpu.memory_space<hbm>> -> memref<8x512xi32, #tpu.memory_space<hbm>>
          %dma_start3A_1382 = arith.constant 0 : i32
          %dma_start3A_1383 = tpu.memref_slice %arg4[%select_n3A_54, %mul3A_1379, %dma_start3A_1382] : memref<2x512x512xi32, #tpu.memory_space<hbm>> -> memref<1x8x512xi32, #tpu.memory_space<hbm>>
          %dma_start3A_1384 = tpu.memref_squeeze %dma_start3A_1383 : memref<1x8x512xi32, #tpu.memory_space<hbm>> -> memref<8x512xi32, #tpu.memory_space<hbm>>
          tpu.enqueue_dma source(%arg7 : memref<8x512xi32, #tpu.memory_space<vmem>>) target(%dma_start3A_1384 : memref<8x512xi32, #tpu.memory_space<hbm>>) target_semaphore(%run_scoped3A : memref<!tpu.dma_semaphore, #tpu.memory_space<semaphore_mem>>)
          %dma_wait3A = arith.constant 0 : i32
          %dma_wait3A_1385 = tpu.memref_slice %arg4[%select_n3A_54, %mul3A_1379, %dma_wait3A] : memref<2x512x512xi32, #tpu.memory_space<hbm>> -> memref<1x8x512xi32, #tpu.memory_space<hbm>>
          %dma_wait3A_1386 = tpu.memref_squeeze %dma_wait3A_1385 : memref<1x8x512xi32, #tpu.memory_space<hbm>> -> memref<8x512xi32, #tpu.memory_space<hbm>>
          %dma_wait3A_1387 = arith.constant 0 : i32
          %dma_wait3A_1388 = tpu.memref_slice %arg4[%select_n3A_54, %mul3A_1379, %dma_wait3A_1387] : memref<2x512x512xi32, #tpu.memory_space<hbm>> -> memref<1x8x512xi32, #tpu.memory_space<hbm>>
          %dma_wait3A_1389 = tpu.memref_squeeze %dma_wait3A_1388 : memref<1x8x512xi32, #tpu.memory_space<hbm>> -> memref<8x512xi32, #tpu.memory_space<hbm>>
          tpu.wait_dma2 semaphore(%run_scoped3A : memref<!tpu.dma_semaphore, #tpu.memory_space<semaphore_mem>>) src(%arg7 : memref<8x512xi32, #tpu.memory_space<vmem>>) dst(%dma_wait3A_1389 : memref<8x512xi32, #tpu.memory_space<hbm>>)
          tpu.yield
        }) : () -> ()
      } else {
      }
      %eq3A_1371 = arith.constant 1 : i32
      %eq3A_1372 = arith.cmpi eq, %select_n3A, %eq3A_1371 : i32
      %convert_element_type3A_1373 = arith.extui %eq3A_1372 : i1 to i32
      %cond3A_1374 = arith.constant 0 : i32
      %cond3A_1375 = arith.cmpi ne, %convert_element_type3A_1373, %cond3A_1374 : i32
      scf.if %cond3A_1375 {
        %add3A_1377 = arith.addi %mul3A_72, %scan3A_118 : i32
        %mul3A_1378 = arith.constant 8 : i32
        %mul3A_1379 = arith.muli %add3A_1377, %mul3A_1378 : i32
        "tpu.region"() ({
          %run_scoped3A = tpu.sem_alloc : memref<!tpu.dma_semaphore, #tpu.memory_space<semaphore_mem>>
          %dma_start3A = arith.constant 0 : i32
          %dma_start3A_1380 = tpu.memref_slice %arg5[%select_n3A_54, %mul3A_1379, %dma_start3A] : memref<2x512x512xi32, #tpu.memory_space<hbm>> -> memref<1x8x512xi32, #tpu.memory_space<hbm>>
          %dma_start3A_1381 = tpu.memref_squeeze %dma_start3A_1380 : memref<1x8x512xi32, #tpu.memory_space<hbm>> -> memref<8x512xi32, #tpu.memory_space<hbm>>
          %dma_start3A_1382 = arith.constant 0 : i32
          %dma_start3A_1383 = tpu.memref_slice %arg5[%select_n3A_54, %mul3A_1379, %dma_start3A_1382] : memref<2x512x512xi32, #tpu.memory_space<hbm>> -> memref<1x8x512xi32, #tpu.memory_space<hbm>>
          %dma_start3A_1384 = tpu.memref_squeeze %dma_start3A_1383 : memref<1x8x512xi32, #tpu.memory_space<hbm>> -> memref<8x512xi32, #tpu.memory_space<hbm>>
          tpu.enqueue_dma source(%arg7 : memref<8x512xi32, #tpu.memory_space<vmem>>) target(%dma_start3A_1384 : memref<8x512xi32, #tpu.memory_space<hbm>>) target_semaphore(%run_scoped3A : memref<!tpu.dma_semaphore, #tpu.memory_space<semaphore_mem>>)
          %dma_wait3A = arith.constant 0 : i32
          %dma_wait3A_1385 = tpu.memref_slice %arg5[%select_n3A_54, %mul3A_1379, %dma_wait3A] : memref<2x512x512xi32, #tpu.memory_space<hbm>> -> memref<1x8x512xi32, #tpu.memory_space<hbm>>
          %dma_wait3A_1386 = tpu.memref_squeeze %dma_wait3A_1385 : memref<1x8x512xi32, #tpu.memory_space<hbm>> -> memref<8x512xi32, #tpu.memory_space<hbm>>
          %dma_wait3A_1387 = arith.constant 0 : i32
          %dma_wait3A_1388 = tpu.memref_slice %arg5[%select_n3A_54, %mul3A_1379, %dma_wait3A_1387] : memref<2x512x512xi32, #tpu.memory_space<hbm>> -> memref<1x8x512xi32, #tpu.memory_space<hbm>>
          %dma_wait3A_1389 = tpu.memref_squeeze %dma_wait3A_1388 : memref<1x8x512xi32, #tpu.memory_space<hbm>> -> memref<8x512xi32, #tpu.memory_space<hbm>>
          tpu.wait_dma2 semaphore(%run_scoped3A : memref<!tpu.dma_semaphore, #tpu.memory_space<semaphore_mem>>) src(%arg7 : memref<8x512xi32, #tpu.memory_space<vmem>>) dst(%dma_wait3A_1389 : memref<8x512xi32, #tpu.memory_space<hbm>>)
          tpu.yield
        }) : () -> ()
      } else {
      }
      %scan3A_1376 = arith.constant 0 : i32
      scf.yield %scan3A_1376 : i32
    }
    %scan3A_117 = arith.constant 8 : i32
    return
  }
}

module attributes {stable_mosaic.version = 14 : i64} {
  func.func @_tc_body(%arg0: i32, %arg1: memref<1x96x4096xf32, #tpu.memory_space<vmem>>, %arg2: memref<1x96x4096xf32, #tpu.memory_space<vmem>>, %arg3: memref<19x96xf32, #tpu.memory_space<vmem>>, %arg4: memref<19x96xf32, #tpu.memory_space<vmem>>, %arg5: memref<1x1x4096xi32, #tpu.memory_space<vmem>>, %arg6: memref<1x1x4096xi32, #tpu.memory_space<vmem>>) attributes {dimension_semantics = [#tpu.dimension_semantics<arbitrary>], iteration_bounds = array<i64: 2>, scalar_prefetch = 0 : i64, scratch_operands = 0 : i64, tpu.core_type = #tpu.core_type<tc>, window_params = [{transform_indices = @transform_0, window_bounds = array<i64: 1, 96, 4096>}, {transform_indices = @transform_1, window_bounds = array<i64: 1, 96, 4096>}, {pipeline_mode = #tpu.pipeline_mode<synchronous>, transform_indices = @transform_2, window_bounds = array<i64: 19, 96>}, {pipeline_mode = #tpu.pipeline_mode<synchronous>, transform_indices = @transform_3, window_bounds = array<i64: 19, 96>}, {transform_indices = @transform_4, window_bounds = array<i64: 1, 1, 4096>}, {transform_indices = @transform_5, window_bounds = array<i64: 1, 1, 4096>}]} {
    %get3A = arith.constant 0 : index
    %get3A_0 = arith.constant 0 : index
    %get3A_1 = vector.load %arg3[%get3A, %get3A_0] : memref<19x96xf32, #tpu.memory_space<vmem>>, vector<19x96xf32>
    %mul3A = arith.mulf %get3A_1, %get3A_1 : vector<19x96xf32>
    %reduce_sum3A = arith.constant dense<0.000000e+00> : vector<19xf32>
    %reduce_sum3A_2 = vector.multi_reduction <add>, %mul3A, %reduce_sum3A [1] : vector<19x96xf32> to vector<19xf32>
    %broadcast_in_dim3A = vector.shape_cast %reduce_sum3A_2 : vector<19xf32> to vector<19x1xf32>
    %mul3A_3 = arith.constant 5.000000e-01 : f32
    %mul3A_4 = vector.broadcast %mul3A_3 : f32 to vector<19x1xf32>
    %mul3A_5 = arith.mulf %mul3A_4, %broadcast_in_dim3A : vector<19x1xf32>
    %get3A_6 = arith.constant 0 : index
    %get3A_7 = arith.constant 0 : index
    %get3A_8 = arith.constant 0 : index
    %get3A_9 = vector.load %arg1[%get3A_6, %get3A_7, %get3A_8] : memref<1x96x4096xf32, #tpu.memory_space<vmem>>, vector<1x96x4096xf32>
    %get3A_10 = vector.shape_cast %get3A_9 : vector<1x96x4096xf32> to vector<96x4096xf32>
    %dot_general3A = arith.constant dense<0.000000e+00> : vector<19x4096xf32>
    %dot_general3A_11 = tpu.matmul %get3A_1, %get3A_10, %dot_general3A {dimension_numbers = #tpu.dot_dimension_numbers<[1], [0], [0], [1], [0, 0, 1, 1], [], []>, precision = #tpu.contract_precision<fp32>, transpose_lhs_hint = false} : vector<19x96xf32>, vector<96x4096xf32>, vector<19x4096xf32> -> vector<19x4096xf32>
    %sub3A = vector.broadcast %mul3A_5 : vector<19x1xf32> to vector<19x4096xf32>
    %sub3A_12 = arith.subf %sub3A, %dot_general3A_11 : vector<19x4096xf32>
    %slice3A = vector.extract_strided_slice %sub3A_12 {offsets = [0, 0], sizes = [1, 4096], strides = [1, 1]} : vector<19x4096xf32> to vector<1x4096xf32>
    %broadcast_in_dim3A_13 = arith.constant 0 : i32
    %broadcast_in_dim3A_14 = vector.broadcast %broadcast_in_dim3A_13 : i32 to vector<1x4096xi32>
    %slice3A_15 = vector.extract_strided_slice %sub3A_12 {offsets = [1, 0], sizes = [1, 4096], strides = [1, 1]} : vector<19x4096xf32> to vector<1x4096xf32>
    %lt3A = arith.cmpf olt, %slice3A_15, %slice3A : vector<1x4096xf32>
    %select_n3A = arith.select %lt3A, %slice3A_15, %slice3A : vector<1x4096xi1>, vector<1x4096xf32>
    %jit3A = arith.constant 1 : i32
    %broadcast_in_dim3A_16 = vector.broadcast %jit3A : i32 to vector<1x4096xi32>
    %select_n3A_17 = arith.select %lt3A, %broadcast_in_dim3A_16, %broadcast_in_dim3A_14 : vector<1x4096xi1>, vector<1x4096xi32>
    %slice3A_18 = vector.extract_strided_slice %sub3A_12 {offsets = [2, 0], sizes = [1, 4096], strides = [1, 1]} : vector<19x4096xf32> to vector<1x4096xf32>
    %lt3A_19 = arith.cmpf olt, %slice3A_18, %select_n3A : vector<1x4096xf32>
    %select_n3A_20 = arith.select %lt3A_19, %slice3A_18, %select_n3A : vector<1x4096xi1>, vector<1x4096xf32>
    %jit3A_21 = arith.constant 2 : i32
    %broadcast_in_dim3A_22 = vector.broadcast %jit3A_21 : i32 to vector<1x4096xi32>
    %select_n3A_23 = arith.select %lt3A_19, %broadcast_in_dim3A_22, %select_n3A_17 : vector<1x4096xi1>, vector<1x4096xi32>
    %slice3A_24 = vector.extract_strided_slice %sub3A_12 {offsets = [3, 0], sizes = [1, 4096], strides = [1, 1]} : vector<19x4096xf32> to vector<1x4096xf32>
    %lt3A_25 = arith.cmpf olt, %slice3A_24, %select_n3A_20 : vector<1x4096xf32>
    %select_n3A_26 = arith.select %lt3A_25, %slice3A_24, %select_n3A_20 : vector<1x4096xi1>, vector<1x4096xf32>
    %jit3A_27 = arith.constant 3 : i32
    %broadcast_in_dim3A_28 = vector.broadcast %jit3A_27 : i32 to vector<1x4096xi32>
    %select_n3A_29 = arith.select %lt3A_25, %broadcast_in_dim3A_28, %select_n3A_23 : vector<1x4096xi1>, vector<1x4096xi32>
    %slice3A_30 = vector.extract_strided_slice %sub3A_12 {offsets = [4, 0], sizes = [1, 4096], strides = [1, 1]} : vector<19x4096xf32> to vector<1x4096xf32>
    %lt3A_31 = arith.cmpf olt, %slice3A_30, %select_n3A_26 : vector<1x4096xf32>
    %select_n3A_32 = arith.select %lt3A_31, %slice3A_30, %select_n3A_26 : vector<1x4096xi1>, vector<1x4096xf32>
    %jit3A_33 = arith.constant 4 : i32
    %broadcast_in_dim3A_34 = vector.broadcast %jit3A_33 : i32 to vector<1x4096xi32>
    %select_n3A_35 = arith.select %lt3A_31, %broadcast_in_dim3A_34, %select_n3A_29 : vector<1x4096xi1>, vector<1x4096xi32>
    %slice3A_36 = vector.extract_strided_slice %sub3A_12 {offsets = [5, 0], sizes = [1, 4096], strides = [1, 1]} : vector<19x4096xf32> to vector<1x4096xf32>
    %lt3A_37 = arith.cmpf olt, %slice3A_36, %select_n3A_32 : vector<1x4096xf32>
    %select_n3A_38 = arith.select %lt3A_37, %slice3A_36, %select_n3A_32 : vector<1x4096xi1>, vector<1x4096xf32>
    %jit3A_39 = arith.constant 5 : i32
    %broadcast_in_dim3A_40 = vector.broadcast %jit3A_39 : i32 to vector<1x4096xi32>
    %select_n3A_41 = arith.select %lt3A_37, %broadcast_in_dim3A_40, %select_n3A_35 : vector<1x4096xi1>, vector<1x4096xi32>
    %slice3A_42 = vector.extract_strided_slice %sub3A_12 {offsets = [6, 0], sizes = [1, 4096], strides = [1, 1]} : vector<19x4096xf32> to vector<1x4096xf32>
    %lt3A_43 = arith.cmpf olt, %slice3A_42, %select_n3A_38 : vector<1x4096xf32>
    %select_n3A_44 = arith.select %lt3A_43, %slice3A_42, %select_n3A_38 : vector<1x4096xi1>, vector<1x4096xf32>
    %jit3A_45 = arith.constant 6 : i32
    %broadcast_in_dim3A_46 = vector.broadcast %jit3A_45 : i32 to vector<1x4096xi32>
    %select_n3A_47 = arith.select %lt3A_43, %broadcast_in_dim3A_46, %select_n3A_41 : vector<1x4096xi1>, vector<1x4096xi32>
    %slice3A_48 = vector.extract_strided_slice %sub3A_12 {offsets = [7, 0], sizes = [1, 4096], strides = [1, 1]} : vector<19x4096xf32> to vector<1x4096xf32>
    %lt3A_49 = arith.cmpf olt, %slice3A_48, %select_n3A_44 : vector<1x4096xf32>
    %select_n3A_50 = arith.select %lt3A_49, %slice3A_48, %select_n3A_44 : vector<1x4096xi1>, vector<1x4096xf32>
    %jit3A_51 = arith.constant 7 : i32
    %broadcast_in_dim3A_52 = vector.broadcast %jit3A_51 : i32 to vector<1x4096xi32>
    %select_n3A_53 = arith.select %lt3A_49, %broadcast_in_dim3A_52, %select_n3A_47 : vector<1x4096xi1>, vector<1x4096xi32>
    %slice3A_54 = vector.extract_strided_slice %sub3A_12 {offsets = [8, 0], sizes = [1, 4096], strides = [1, 1]} : vector<19x4096xf32> to vector<1x4096xf32>
    %lt3A_55 = arith.cmpf olt, %slice3A_54, %select_n3A_50 : vector<1x4096xf32>
    %select_n3A_56 = arith.select %lt3A_55, %slice3A_54, %select_n3A_50 : vector<1x4096xi1>, vector<1x4096xf32>
    %jit3A_57 = arith.constant 8 : i32
    %broadcast_in_dim3A_58 = vector.broadcast %jit3A_57 : i32 to vector<1x4096xi32>
    %select_n3A_59 = arith.select %lt3A_55, %broadcast_in_dim3A_58, %select_n3A_53 : vector<1x4096xi1>, vector<1x4096xi32>
    %slice3A_60 = vector.extract_strided_slice %sub3A_12 {offsets = [9, 0], sizes = [1, 4096], strides = [1, 1]} : vector<19x4096xf32> to vector<1x4096xf32>
    %lt3A_61 = arith.cmpf olt, %slice3A_60, %select_n3A_56 : vector<1x4096xf32>
    %select_n3A_62 = arith.select %lt3A_61, %slice3A_60, %select_n3A_56 : vector<1x4096xi1>, vector<1x4096xf32>
    %jit3A_63 = arith.constant 9 : i32
    %broadcast_in_dim3A_64 = vector.broadcast %jit3A_63 : i32 to vector<1x4096xi32>
    %select_n3A_65 = arith.select %lt3A_61, %broadcast_in_dim3A_64, %select_n3A_59 : vector<1x4096xi1>, vector<1x4096xi32>
    %slice3A_66 = vector.extract_strided_slice %sub3A_12 {offsets = [10, 0], sizes = [1, 4096], strides = [1, 1]} : vector<19x4096xf32> to vector<1x4096xf32>
    %lt3A_67 = arith.cmpf olt, %slice3A_66, %select_n3A_62 : vector<1x4096xf32>
    %select_n3A_68 = arith.select %lt3A_67, %slice3A_66, %select_n3A_62 : vector<1x4096xi1>, vector<1x4096xf32>
    %jit3A_69 = arith.constant 10 : i32
    %broadcast_in_dim3A_70 = vector.broadcast %jit3A_69 : i32 to vector<1x4096xi32>
    %select_n3A_71 = arith.select %lt3A_67, %broadcast_in_dim3A_70, %select_n3A_65 : vector<1x4096xi1>, vector<1x4096xi32>
    %slice3A_72 = vector.extract_strided_slice %sub3A_12 {offsets = [11, 0], sizes = [1, 4096], strides = [1, 1]} : vector<19x4096xf32> to vector<1x4096xf32>
    %lt3A_73 = arith.cmpf olt, %slice3A_72, %select_n3A_68 : vector<1x4096xf32>
    %select_n3A_74 = arith.select %lt3A_73, %slice3A_72, %select_n3A_68 : vector<1x4096xi1>, vector<1x4096xf32>
    %jit3A_75 = arith.constant 11 : i32
    %broadcast_in_dim3A_76 = vector.broadcast %jit3A_75 : i32 to vector<1x4096xi32>
    %select_n3A_77 = arith.select %lt3A_73, %broadcast_in_dim3A_76, %select_n3A_71 : vector<1x4096xi1>, vector<1x4096xi32>
    %slice3A_78 = vector.extract_strided_slice %sub3A_12 {offsets = [12, 0], sizes = [1, 4096], strides = [1, 1]} : vector<19x4096xf32> to vector<1x4096xf32>
    %lt3A_79 = arith.cmpf olt, %slice3A_78, %select_n3A_74 : vector<1x4096xf32>
    %select_n3A_80 = arith.select %lt3A_79, %slice3A_78, %select_n3A_74 : vector<1x4096xi1>, vector<1x4096xf32>
    %jit3A_81 = arith.constant 12 : i32
    %broadcast_in_dim3A_82 = vector.broadcast %jit3A_81 : i32 to vector<1x4096xi32>
    %select_n3A_83 = arith.select %lt3A_79, %broadcast_in_dim3A_82, %select_n3A_77 : vector<1x4096xi1>, vector<1x4096xi32>
    %slice3A_84 = vector.extract_strided_slice %sub3A_12 {offsets = [13, 0], sizes = [1, 4096], strides = [1, 1]} : vector<19x4096xf32> to vector<1x4096xf32>
    %lt3A_85 = arith.cmpf olt, %slice3A_84, %select_n3A_80 : vector<1x4096xf32>
    %select_n3A_86 = arith.select %lt3A_85, %slice3A_84, %select_n3A_80 : vector<1x4096xi1>, vector<1x4096xf32>
    %jit3A_87 = arith.constant 13 : i32
    %broadcast_in_dim3A_88 = vector.broadcast %jit3A_87 : i32 to vector<1x4096xi32>
    %select_n3A_89 = arith.select %lt3A_85, %broadcast_in_dim3A_88, %select_n3A_83 : vector<1x4096xi1>, vector<1x4096xi32>
    %slice3A_90 = vector.extract_strided_slice %sub3A_12 {offsets = [14, 0], sizes = [1, 4096], strides = [1, 1]} : vector<19x4096xf32> to vector<1x4096xf32>
    %lt3A_91 = arith.cmpf olt, %slice3A_90, %select_n3A_86 : vector<1x4096xf32>
    %select_n3A_92 = arith.select %lt3A_91, %slice3A_90, %select_n3A_86 : vector<1x4096xi1>, vector<1x4096xf32>
    %jit3A_93 = arith.constant 14 : i32
    %broadcast_in_dim3A_94 = vector.broadcast %jit3A_93 : i32 to vector<1x4096xi32>
    %select_n3A_95 = arith.select %lt3A_91, %broadcast_in_dim3A_94, %select_n3A_89 : vector<1x4096xi1>, vector<1x4096xi32>
    %slice3A_96 = vector.extract_strided_slice %sub3A_12 {offsets = [15, 0], sizes = [1, 4096], strides = [1, 1]} : vector<19x4096xf32> to vector<1x4096xf32>
    %lt3A_97 = arith.cmpf olt, %slice3A_96, %select_n3A_92 : vector<1x4096xf32>
    %select_n3A_98 = arith.select %lt3A_97, %slice3A_96, %select_n3A_92 : vector<1x4096xi1>, vector<1x4096xf32>
    %jit3A_99 = arith.constant 15 : i32
    %broadcast_in_dim3A_100 = vector.broadcast %jit3A_99 : i32 to vector<1x4096xi32>
    %select_n3A_101 = arith.select %lt3A_97, %broadcast_in_dim3A_100, %select_n3A_95 : vector<1x4096xi1>, vector<1x4096xi32>
    %slice3A_102 = vector.extract_strided_slice %sub3A_12 {offsets = [16, 0], sizes = [1, 4096], strides = [1, 1]} : vector<19x4096xf32> to vector<1x4096xf32>
    %lt3A_103 = arith.cmpf olt, %slice3A_102, %select_n3A_98 : vector<1x4096xf32>
    %select_n3A_104 = arith.select %lt3A_103, %slice3A_102, %select_n3A_98 : vector<1x4096xi1>, vector<1x4096xf32>
    %jit3A_105 = arith.constant 16 : i32
    %broadcast_in_dim3A_106 = vector.broadcast %jit3A_105 : i32 to vector<1x4096xi32>
    %select_n3A_107 = arith.select %lt3A_103, %broadcast_in_dim3A_106, %select_n3A_101 : vector<1x4096xi1>, vector<1x4096xi32>
    %slice3A_108 = vector.extract_strided_slice %sub3A_12 {offsets = [17, 0], sizes = [1, 4096], strides = [1, 1]} : vector<19x4096xf32> to vector<1x4096xf32>
    %lt3A_109 = arith.cmpf olt, %slice3A_108, %select_n3A_104 : vector<1x4096xf32>
    %select_n3A_110 = arith.select %lt3A_109, %slice3A_108, %select_n3A_104 : vector<1x4096xi1>, vector<1x4096xf32>
    %jit3A_111 = arith.constant 17 : i32
    %broadcast_in_dim3A_112 = vector.broadcast %jit3A_111 : i32 to vector<1x4096xi32>
    %select_n3A_113 = arith.select %lt3A_109, %broadcast_in_dim3A_112, %select_n3A_107 : vector<1x4096xi1>, vector<1x4096xi32>
    %slice3A_114 = vector.extract_strided_slice %sub3A_12 {offsets = [18, 0], sizes = [1, 4096], strides = [1, 1]} : vector<19x4096xf32> to vector<1x4096xf32>
    %lt3A_115 = arith.cmpf olt, %slice3A_114, %select_n3A_110 : vector<1x4096xf32>
    %jit3A_116 = arith.constant 18 : i32
    %broadcast_in_dim3A_117 = vector.broadcast %jit3A_116 : i32 to vector<1x4096xi32>
    %select_n3A_118 = arith.select %lt3A_115, %broadcast_in_dim3A_117, %select_n3A_113 : vector<1x4096xi1>, vector<1x4096xi32>
    %reshape3A = vector.shape_cast %select_n3A_118 : vector<1x4096xi32> to vector<1x1x4096xi32>
    %swap3A = arith.constant 0 : index
    %swap3A_119 = arith.constant 0 : index
    %swap3A_120 = arith.constant 0 : index
    %swap3A_121 = vector.load %arg5[%swap3A, %swap3A_119, %swap3A_120] : memref<1x1x4096xi32, #tpu.memory_space<vmem>>, vector<1x1x4096xi32>
    tpu.vector_store %arg5[%swap3A, %swap3A_119, %swap3A_120], %reshape3A {strides = array<i32>} : memref<1x1x4096xi32, #tpu.memory_space<vmem>>, vector<1x1x4096xi32>,
    %get3A_122 = arith.constant 0 : index
    %get3A_123 = arith.constant 0 : index
    %get3A_124 = vector.load %arg4[%get3A_122, %get3A_123] : memref<19x96xf32, #tpu.memory_space<vmem>>, vector<19x96xf32>
    %mul3A_125 = arith.mulf %get3A_124, %get3A_124 : vector<19x96xf32>
    %reduce_sum3A_126 = arith.constant dense<0.000000e+00> : vector<19xf32>
    %reduce_sum3A_127 = vector.multi_reduction <add>, %mul3A_125, %reduce_sum3A_126 [1] : vector<19x96xf32> to vector<19xf32>
    %broadcast_in_dim3A_128 = vector.shape_cast %reduce_sum3A_127 : vector<19xf32> to vector<19x1xf32>
    %mul3A_129 = arith.constant 5.000000e-01 : f32
    %mul3A_130 = vector.broadcast %mul3A_129 : f32 to vector<19x1xf32>
    %mul3A_131 = arith.mulf %mul3A_130, %broadcast_in_dim3A_128 : vector<19x1xf32>
    %get3A_132 = arith.constant 0 : index
    %get3A_133 = arith.constant 0 : index
    %get3A_134 = arith.constant 0 : index
    %get3A_135 = vector.load %arg2[%get3A_132, %get3A_133, %get3A_134] : memref<1x96x4096xf32, #tpu.memory_space<vmem>>, vector<1x96x4096xf32>
    %get3A_136 = vector.shape_cast %get3A_135 : vector<1x96x4096xf32> to vector<96x4096xf32>
    %dot_general3A_137 = arith.constant dense<0.000000e+00> : vector<19x4096xf32>
    %dot_general3A_138 = tpu.matmul %get3A_124, %get3A_136, %dot_general3A_137 {dimension_numbers = #tpu.dot_dimension_numbers<[1], [0], [0], [1], [0, 0, 1, 1], [], []>, precision = #tpu.contract_precision<fp32>, transpose_lhs_hint = false} : vector<19x96xf32>, vector<96x4096xf32>, vector<19x4096xf32> -> vector<19x4096xf32>
    %sub3A_139 = vector.broadcast %mul3A_131 : vector<19x1xf32> to vector<19x4096xf32>
    %sub3A_140 = arith.subf %sub3A_139, %dot_general3A_138 : vector<19x4096xf32>
    %slice3A_141 = vector.extract_strided_slice %sub3A_140 {offsets = [0, 0], sizes = [1, 4096], strides = [1, 1]} : vector<19x4096xf32> to vector<1x4096xf32>
    %broadcast_in_dim3A_142 = arith.constant 0 : i32
    %broadcast_in_dim3A_143 = vector.broadcast %broadcast_in_dim3A_142 : i32 to vector<1x4096xi32>
    %slice3A_144 = vector.extract_strided_slice %sub3A_140 {offsets = [1, 0], sizes = [1, 4096], strides = [1, 1]} : vector<19x4096xf32> to vector<1x4096xf32>
    %lt3A_145 = arith.cmpf olt, %slice3A_144, %slice3A_141 : vector<1x4096xf32>
    %select_n3A_146 = arith.select %lt3A_145, %slice3A_144, %slice3A_141 : vector<1x4096xi1>, vector<1x4096xf32>
    %jit3A_147 = arith.constant 1 : i32
    %broadcast_in_dim3A_148 = vector.broadcast %jit3A_147 : i32 to vector<1x4096xi32>
    %select_n3A_149 = arith.select %lt3A_145, %broadcast_in_dim3A_148, %broadcast_in_dim3A_143 : vector<1x4096xi1>, vector<1x4096xi32>
    %slice3A_150 = vector.extract_strided_slice %sub3A_140 {offsets = [2, 0], sizes = [1, 4096], strides = [1, 1]} : vector<19x4096xf32> to vector<1x4096xf32>
    %lt3A_151 = arith.cmpf olt, %slice3A_150, %select_n3A_146 : vector<1x4096xf32>
    %select_n3A_152 = arith.select %lt3A_151, %slice3A_150, %select_n3A_146 : vector<1x4096xi1>, vector<1x4096xf32>
    %jit3A_153 = arith.constant 2 : i32
    %broadcast_in_dim3A_154 = vector.broadcast %jit3A_153 : i32 to vector<1x4096xi32>
    %select_n3A_155 = arith.select %lt3A_151, %broadcast_in_dim3A_154, %select_n3A_149 : vector<1x4096xi1>, vector<1x4096xi32>
    %slice3A_156 = vector.extract_strided_slice %sub3A_140 {offsets = [3, 0], sizes = [1, 4096], strides = [1, 1]} : vector<19x4096xf32> to vector<1x4096xf32>
    %lt3A_157 = arith.cmpf olt, %slice3A_156, %select_n3A_152 : vector<1x4096xf32>
    %select_n3A_158 = arith.select %lt3A_157, %slice3A_156, %select_n3A_152 : vector<1x4096xi1>, vector<1x4096xf32>
    %jit3A_159 = arith.constant 3 : i32
    %broadcast_in_dim3A_160 = vector.broadcast %jit3A_159 : i32 to vector<1x4096xi32>
    %select_n3A_161 = arith.select %lt3A_157, %broadcast_in_dim3A_160, %select_n3A_155 : vector<1x4096xi1>, vector<1x4096xi32>
    %slice3A_162 = vector.extract_strided_slice %sub3A_140 {offsets = [4, 0], sizes = [1, 4096], strides = [1, 1]} : vector<19x4096xf32> to vector<1x4096xf32>
    %lt3A_163 = arith.cmpf olt, %slice3A_162, %select_n3A_158 : vector<1x4096xf32>
    %select_n3A_164 = arith.select %lt3A_163, %slice3A_162, %select_n3A_158 : vector<1x4096xi1>, vector<1x4096xf32>
    %jit3A_165 = arith.constant 4 : i32
    %broadcast_in_dim3A_166 = vector.broadcast %jit3A_165 : i32 to vector<1x4096xi32>
    %select_n3A_167 = arith.select %lt3A_163, %broadcast_in_dim3A_166, %select_n3A_161 : vector<1x4096xi1>, vector<1x4096xi32>
    %slice3A_168 = vector.extract_strided_slice %sub3A_140 {offsets = [5, 0], sizes = [1, 4096], strides = [1, 1]} : vector<19x4096xf32> to vector<1x4096xf32>
    %lt3A_169 = arith.cmpf olt, %slice3A_168, %select_n3A_164 : vector<1x4096xf32>
    %select_n3A_170 = arith.select %lt3A_169, %slice3A_168, %select_n3A_164 : vector<1x4096xi1>, vector<1x4096xf32>
    %jit3A_171 = arith.constant 5 : i32
    %broadcast_in_dim3A_172 = vector.broadcast %jit3A_171 : i32 to vector<1x4096xi32>
    %select_n3A_173 = arith.select %lt3A_169, %broadcast_in_dim3A_172, %select_n3A_167 : vector<1x4096xi1>, vector<1x4096xi32>
    %slice3A_174 = vector.extract_strided_slice %sub3A_140 {offsets = [6, 0], sizes = [1, 4096], strides = [1, 1]} : vector<19x4096xf32> to vector<1x4096xf32>
    %lt3A_175 = arith.cmpf olt, %slice3A_174, %select_n3A_170 : vector<1x4096xf32>
    %select_n3A_176 = arith.select %lt3A_175, %slice3A_174, %select_n3A_170 : vector<1x4096xi1>, vector<1x4096xf32>
    %jit3A_177 = arith.constant 6 : i32
    %broadcast_in_dim3A_178 = vector.broadcast %jit3A_177 : i32 to vector<1x4096xi32>
    %select_n3A_179 = arith.select %lt3A_175, %broadcast_in_dim3A_178, %select_n3A_173 : vector<1x4096xi1>, vector<1x4096xi32>
    %slice3A_180 = vector.extract_strided_slice %sub3A_140 {offsets = [7, 0], sizes = [1, 4096], strides = [1, 1]} : vector<19x4096xf32> to vector<1x4096xf32>
    %lt3A_181 = arith.cmpf olt, %slice3A_180, %select_n3A_176 : vector<1x4096xf32>
    %select_n3A_182 = arith.select %lt3A_181, %slice3A_180, %select_n3A_176 : vector<1x4096xi1>, vector<1x4096xf32>
    %jit3A_183 = arith.constant 7 : i32
    %broadcast_in_dim3A_184 = vector.broadcast %jit3A_183 : i32 to vector<1x4096xi32>
    %select_n3A_185 = arith.select %lt3A_181, %broadcast_in_dim3A_184, %select_n3A_179 : vector<1x4096xi1>, vector<1x4096xi32>
    %slice3A_186 = vector.extract_strided_slice %sub3A_140 {offsets = [8, 0], sizes = [1, 4096], strides = [1, 1]} : vector<19x4096xf32> to vector<1x4096xf32>
    %lt3A_187 = arith.cmpf olt, %slice3A_186, %select_n3A_182 : vector<1x4096xf32>
    %select_n3A_188 = arith.select %lt3A_187, %slice3A_186, %select_n3A_182 : vector<1x4096xi1>, vector<1x4096xf32>
    %jit3A_189 = arith.constant 8 : i32
    %broadcast_in_dim3A_190 = vector.broadcast %jit3A_189 : i32 to vector<1x4096xi32>
    %select_n3A_191 = arith.select %lt3A_187, %broadcast_in_dim3A_190, %select_n3A_185 : vector<1x4096xi1>, vector<1x4096xi32>
    %slice3A_192 = vector.extract_strided_slice %sub3A_140 {offsets = [9, 0], sizes = [1, 4096], strides = [1, 1]} : vector<19x4096xf32> to vector<1x4096xf32>
    %lt3A_193 = arith.cmpf olt, %slice3A_192, %select_n3A_188 : vector<1x4096xf32>
    %select_n3A_194 = arith.select %lt3A_193, %slice3A_192, %select_n3A_188 : vector<1x4096xi1>, vector<1x4096xf32>
    %jit3A_195 = arith.constant 9 : i32
    %broadcast_in_dim3A_196 = vector.broadcast %jit3A_195 : i32 to vector<1x4096xi32>
    %select_n3A_197 = arith.select %lt3A_193, %broadcast_in_dim3A_196, %select_n3A_191 : vector<1x4096xi1>, vector<1x4096xi32>
    %slice3A_198 = vector.extract_strided_slice %sub3A_140 {offsets = [10, 0], sizes = [1, 4096], strides = [1, 1]} : vector<19x4096xf32> to vector<1x4096xf32>
    %lt3A_199 = arith.cmpf olt, %slice3A_198, %select_n3A_194 : vector<1x4096xf32>
    %select_n3A_200 = arith.select %lt3A_199, %slice3A_198, %select_n3A_194 : vector<1x4096xi1>, vector<1x4096xf32>
    %jit3A_201 = arith.constant 10 : i32
    %broadcast_in_dim3A_202 = vector.broadcast %jit3A_201 : i32 to vector<1x4096xi32>
    %select_n3A_203 = arith.select %lt3A_199, %broadcast_in_dim3A_202, %select_n3A_197 : vector<1x4096xi1>, vector<1x4096xi32>
    %slice3A_204 = vector.extract_strided_slice %sub3A_140 {offsets = [11, 0], sizes = [1, 4096], strides = [1, 1]} : vector<19x4096xf32> to vector<1x4096xf32>
    %lt3A_205 = arith.cmpf olt, %slice3A_204, %select_n3A_200 : vector<1x4096xf32>
    %select_n3A_206 = arith.select %lt3A_205, %slice3A_204, %select_n3A_200 : vector<1x4096xi1>, vector<1x4096xf32>
    %jit3A_207 = arith.constant 11 : i32
    %broadcast_in_dim3A_208 = vector.broadcast %jit3A_207 : i32 to vector<1x4096xi32>
    %select_n3A_209 = arith.select %lt3A_205, %broadcast_in_dim3A_208, %select_n3A_203 : vector<1x4096xi1>, vector<1x4096xi32>
    %slice3A_210 = vector.extract_strided_slice %sub3A_140 {offsets = [12, 0], sizes = [1, 4096], strides = [1, 1]} : vector<19x4096xf32> to vector<1x4096xf32>
    %lt3A_211 = arith.cmpf olt, %slice3A_210, %select_n3A_206 : vector<1x4096xf32>
    %select_n3A_212 = arith.select %lt3A_211, %slice3A_210, %select_n3A_206 : vector<1x4096xi1>, vector<1x4096xf32>
    %jit3A_213 = arith.constant 12 : i32
    %broadcast_in_dim3A_214 = vector.broadcast %jit3A_213 : i32 to vector<1x4096xi32>
    %select_n3A_215 = arith.select %lt3A_211, %broadcast_in_dim3A_214, %select_n3A_209 : vector<1x4096xi1>, vector<1x4096xi32>
    %slice3A_216 = vector.extract_strided_slice %sub3A_140 {offsets = [13, 0], sizes = [1, 4096], strides = [1, 1]} : vector<19x4096xf32> to vector<1x4096xf32>
    %lt3A_217 = arith.cmpf olt, %slice3A_216, %select_n3A_212 : vector<1x4096xf32>
    %select_n3A_218 = arith.select %lt3A_217, %slice3A_216, %select_n3A_212 : vector<1x4096xi1>, vector<1x4096xf32>
    %jit3A_219 = arith.constant 13 : i32
    %broadcast_in_dim3A_220 = vector.broadcast %jit3A_219 : i32 to vector<1x4096xi32>
    %select_n3A_221 = arith.select %lt3A_217, %broadcast_in_dim3A_220, %select_n3A_215 : vector<1x4096xi1>, vector<1x4096xi32>
    %slice3A_222 = vector.extract_strided_slice %sub3A_140 {offsets = [14, 0], sizes = [1, 4096], strides = [1, 1]} : vector<19x4096xf32> to vector<1x4096xf32>
    %lt3A_223 = arith.cmpf olt, %slice3A_222, %select_n3A_218 : vector<1x4096xf32>
    %select_n3A_224 = arith.select %lt3A_223, %slice3A_222, %select_n3A_218 : vector<1x4096xi1>, vector<1x4096xf32>
    %jit3A_225 = arith.constant 14 : i32
    %broadcast_in_dim3A_226 = vector.broadcast %jit3A_225 : i32 to vector<1x4096xi32>
    %select_n3A_227 = arith.select %lt3A_223, %broadcast_in_dim3A_226, %select_n3A_221 : vector<1x4096xi1>, vector<1x4096xi32>
    %slice3A_228 = vector.extract_strided_slice %sub3A_140 {offsets = [15, 0], sizes = [1, 4096], strides = [1, 1]} : vector<19x4096xf32> to vector<1x4096xf32>
    %lt3A_229 = arith.cmpf olt, %slice3A_228, %select_n3A_224 : vector<1x4096xf32>
    %select_n3A_230 = arith.select %lt3A_229, %slice3A_228, %select_n3A_224 : vector<1x4096xi1>, vector<1x4096xf32>
    %jit3A_231 = arith.constant 15 : i32
    %broadcast_in_dim3A_232 = vector.broadcast %jit3A_231 : i32 to vector<1x4096xi32>
    %select_n3A_233 = arith.select %lt3A_229, %broadcast_in_dim3A_232, %select_n3A_227 : vector<1x4096xi1>, vector<1x4096xi32>
    %slice3A_234 = vector.extract_strided_slice %sub3A_140 {offsets = [16, 0], sizes = [1, 4096], strides = [1, 1]} : vector<19x4096xf32> to vector<1x4096xf32>
    %lt3A_235 = arith.cmpf olt, %slice3A_234, %select_n3A_230 : vector<1x4096xf32>
    %select_n3A_236 = arith.select %lt3A_235, %slice3A_234, %select_n3A_230 : vector<1x4096xi1>, vector<1x4096xf32>
    %jit3A_237 = arith.constant 16 : i32
    %broadcast_in_dim3A_238 = vector.broadcast %jit3A_237 : i32 to vector<1x4096xi32>
    %select_n3A_239 = arith.select %lt3A_235, %broadcast_in_dim3A_238, %select_n3A_233 : vector<1x4096xi1>, vector<1x4096xi32>
    %slice3A_240 = vector.extract_strided_slice %sub3A_140 {offsets = [17, 0], sizes = [1, 4096], strides = [1, 1]} : vector<19x4096xf32> to vector<1x4096xf32>
    %lt3A_241 = arith.cmpf olt, %slice3A_240, %select_n3A_236 : vector<1x4096xf32>
    %select_n3A_242 = arith.select %lt3A_241, %slice3A_240, %select_n3A_236 : vector<1x4096xi1>, vector<1x4096xf32>
    %jit3A_243 = arith.constant 17 : i32
    %broadcast_in_dim3A_244 = vector.broadcast %jit3A_243 : i32 to vector<1x4096xi32>
    %select_n3A_245 = arith.select %lt3A_241, %broadcast_in_dim3A_244, %select_n3A_239 : vector<1x4096xi1>, vector<1x4096xi32>
    %slice3A_246 = vector.extract_strided_slice %sub3A_140 {offsets = [18, 0], sizes = [1, 4096], strides = [1, 1]} : vector<19x4096xf32> to vector<1x4096xf32>
    %lt3A_247 = arith.cmpf olt, %slice3A_246, %select_n3A_242 : vector<1x4096xf32>
    %jit3A_248 = arith.constant 18 : i32
    %broadcast_in_dim3A_249 = vector.broadcast %jit3A_248 : i32 to vector<1x4096xi32>
    %select_n3A_250 = arith.select %lt3A_247, %broadcast_in_dim3A_249, %select_n3A_245 : vector<1x4096xi1>, vector<1x4096xi32>
    %reshape3A_251 = vector.shape_cast %select_n3A_250 : vector<1x4096xi32> to vector<1x1x4096xi32>
    %swap3A_252 = arith.constant 0 : index
    %swap3A_253 = arith.constant 0 : index
    %swap3A_254 = arith.constant 0 : index
    %swap3A_255 = vector.load %arg6[%swap3A_252, %swap3A_253, %swap3A_254] : memref<1x1x4096xi32, #tpu.memory_space<vmem>>, vector<1x1x4096xi32>
    tpu.vector_store %arg6[%swap3A_252, %swap3A_253, %swap3A_254], %reshape3A_251 {strides = array<i32>} : memref<1x1x4096xi32, #tpu.memory_space<vmem>>, vector<1x1x4096xi32>,
    return
  }
  func.func @transform_0(%arg0: i32) -> (i32, i32, i32) {
    %c0_i32 = arith.constant 0 : i32
    %c0_i32_0 = arith.constant 0 : i32
    %c0_i32_1 = arith.constant 0 : i32
    return %arg0, %c0_i32, %c0_i32_0 : i32, i32, i32
  }
  func.func @transform_1(%arg0: i32) -> (i32, i32, i32) {
    %c0_i32 = arith.constant 0 : i32
    %c0_i32_0 = arith.constant 0 : i32
    %c0_i32_1 = arith.constant 0 : i32
    return %arg0, %c0_i32, %c0_i32_0 : i32, i32, i32
  }
  func.func @transform_2(%arg0: i32) -> (i32, i32) {
    %c0_i32 = arith.constant 0 : i32
    %c0_i32_0 = arith.constant 0 : i32
    %c0_i32_1 = arith.constant 0 : i32
    return %c0_i32, %c0_i32_0 : i32, i32
  }
  func.func @transform_3(%arg0: i32) -> (i32, i32) {
    %c0_i32 = arith.constant 0 : i32
    %c0_i32_0 = arith.constant 0 : i32
    %c0_i32_1 = arith.constant 0 : i32
    return %c0_i32, %c0_i32_0 : i32, i32
  }
  func.func @transform_4(%arg0: i32) -> (i32, i32, i32) {
    %c0_i32 = arith.constant 0 : i32
    %c0_i32_0 = arith.constant 0 : i32
    %c0_i32_1 = arith.constant 0 : i32
    return %arg0, %c0_i32, %c0_i32_0 : i32, i32, i32
  }
  func.func @transform_5(%arg0: i32) -> (i32, i32, i32) {
    %c0_i32 = arith.constant 0 : i32
    %c0_i32_0 = arith.constant 0 : i32
    %c0_i32_1 = arith.constant 0 : i32
    return %arg0, %c0_i32, %c0_i32_0 : i32, i32, i32
  }
}

</mosaic_0001>

<sc_bundles>
// kernel: _run.4.cloned.1.call-start
scs
__scs_entry_jumppad:
0x0: {  	(pc) =	sbr.rel $0x88, $3  }
0x1: {  	(tag) =	ssettag $0x0;
	lr =	simm.s32 $0x1  }
0x2: {  	[smem:$0x3F9D] =	sst lr;
	_ =	strace $0xD0000000  }
0x3: {  	_ = 	snop  }
0x4: {  	_ = 	snop  }
0x5: {  	_ = 	snop  }
0x6: {  	_ = 	snop  }
0x7: {  	_ = 	snop  }
__scs_overlays_trampoline_lowered:
0x8: {  	[smem:$0x3FAC] =	sst s0  }
0x9: {  	[smem:$0x3FAD] =	sst s1  }
0xa: {  	[smem:$0x3FAE] =	sst s2  }
0xb: {  	[smem:$0x3FAF] =	sst s3  }
0xc: {  	[smem:$0x3FB0] =	sst s4  }
0xd: {  	[smem:$0x3FB1] =	sst s5  }
0xe: {  	[smem:$0x3FB2] =	sst s6  }
0xf: {  	[smem:$0x3FB3] =	sst s7  }
0x10: {  	[smem:$0x3FB4] =	sst s8  }
0x11: {  	[smem:$0x3FB5] =	sst s9;
	s0 =	simm.s32 @!p0 $0x0  }
0x12: {  	s1 =	sld [smem:$0x3F9B];
	s0 =	simm.s32 @p0 $0x1  }
0x13: {  	[smem:$0x3FB6] =	sst s0;
	s0 =	simm.s32 @!p1 $0x0  }
0x14: {  	s2 =	sld [smem:$0x3F9A];
	s0 =	simm.s32 @p1 $0x1  }
0x15: {  	[smem:$0x3FB7] =	sst s0;
	s0 =	simm.s32 @!p2 $0x0  }
0x16: {  	s3 =	sld [smem:$0x3FDB];
	s0 =	simm.s32 @p2 $0x1  }
0x17: {  	s4 =	simm.s32 $0x1BF5;
	[smem:$0x3FB9] =	sst s0  }
0x18: {  	s0 =	sld [smem:$0x3F9C];
	_ =	swait.ge [sflag:s4], $0x0  }
0x19: {  	s7 =	sld [smem:$0x3F9D]  }
0x1a: {  	s8 =	sadd.s32 $0xFFFFE003, lr  }
0x1b: {  	s9 =	sadd.s32 $0xFFFFFEF7, lr;
	s5 =	simm.s32 $0xFFFFFFFF;
	p2 =	slt.u32 s8, $0xFFFFF086  }
0x1c: {  	p1 =	slt.u32 s9, $0xF7A;
	s5 =	simm.s32 @!p2 $0x0  }
0x1d: {  	s5 =	simm.s32 @p1 $0x1;
	p0 =	seq.s32 s7, s2  }
0x1e: {  	s7 =	smul.u32 @!p0 $0xF7A, s2;
	p2 =	seq.s32 @!p0 s5, $0x0  }
0x1f: {  	s9 =	smul.u32 $0xF7A, s1;
	s8 =	simm.s32 @!p0 $0x1BF5;
	p2 =	por !p2, p0  }
0x20: {  	[sflag:s8] =	ssyncset.s32 @!p0 $0xFFFFF086;
	s6 =	sadd.s32 @!p0 s3, s7;
	s7 =	simm.s32 @!p0 $0x108  }
0x21: {  	s3 =	sadd.s32 s3, s9;
	s6 =	sadd.s32 @!p0 $0x88, s6;
	s7 =	simm.s32 @p2 $0x1082  }
0x22: {  	[simem:s7], [sflag:s8] =	dma.local @!p0 [hbm:s6], $0xF7A  }
0x23: {  	s9 =	sor.u32 $0xD0000000, s2;
	s6 =	simm.s32 $0x108;
	_ =	swait.ge @!p0 [sflag:s8], $0x0  }
0x24: {  	s3 =	sadd.s32 $0x88, s3;
	s6 =	simm.s32 @!p1 $0x1082;
	[sflag:s4] =	ssyncset.s32 $0xFFFFF086  }
0x25: {  	[simem:s6], [sflag:s4] =	dma.local [hbm:s3], $0xF7A  }
0x26: {  	[smem:$0x3F9D] =	sst s1;
	(tag) =	ssettag s2;
	_ =	strace s9  }
0x27: {  	s1 =	sld [smem:$0x3FAD]  }
0x28: {  	s2 =	sld [smem:$0x3FAE]  }
0x29: {  	s4 =	sld [smem:$0x3FB0]  }
0x2a: {  	p0 =	seq.s32 s5, $0x0;
	s5 =	sld [smem:$0x3FB1]  }
0x2b: {  	s6 =	sld [smem:$0x3FB2]  }
0x2c: {  	s7 =	sld [smem:$0x3FB3]  }
0x2d: {  	s3 =	simm.s32 $0x108;
	s8 =	sld [smem:$0x3FB4]  }
0x2e: {  	s3 =	simm.s32 @!p0 $0x1082;
	s9 =	sld [smem:$0x3FB5]  }
0x2f: {  	lr =	sadd.s32 s0, s3;
	s0 =	sld [smem:$0x3FAC]  }
0x30: {  	s3 =	sld [smem:$0x3FAF]  }
0x31: {  	[smem:$0x3FB8] =	sst s10  }
0x32: {  	s10 =	sld [smem:$0x3FB6];
	_ =	sdelay $0x3  }
0x33: {  	p0 =	seq.s32 s10, $0x1;
	s10 =	sld [smem:$0x3FB8];
	_ =	sdelay $0x3  }
0x34: {  	[smem:$0x3FB8] =	sst s10  }
0x35: {  	s10 =	sld [smem:$0x3FB7];
	_ =	sdelay $0x3  }
0x36: {  	p1 =	seq.s32 s10, $0x1;
	s10 =	sld [smem:$0x3FB8];
	_ =	sdelay $0x3  }
0x37: {  	[smem:$0x3FB8] =	sst s10  }
0x38: {  	s10 =	sld [smem:$0x3FB9]  }
0x39: {  	_ = 	snop;
	(pc) =	sbr.ind lr, $3  }
0x3a: {  	_ = 	snop  }
0x3b: {  	_ = 	snop  }
0x3c: {  	p2 =	seq.s32 s10, $0x1;
	s10 =	sld [smem:$0x3FB8]  }
0x3d: {  	_ =	shalt  }
0x3e: {  	_ =	shalt  }
0x3f: {  	_ =	shalt  }
0x40: {  	_ =	shalt  }
0x41: {  	_ =	shalt  }
0x42: {  	_ =	shalt  }
0x43: {  	_ =	shalt  }
0x44: {  	_ =	shalt  }
0x45: {  	_ =	shalt  }
0x46: {  	_ =	shalt  }
0x47: {  	_ =	shalt  }
0x48: {  	_ =	shalt  }
0x49: {  	_ =	shalt  }
0x4a: {  	_ =	shalt  }
0x4b: {  	_ =	shalt  }
0x4c: {  	_ =	shalt  }
0x4d: {  	_ =	shalt  }
0x4e: {  	_ =	shalt  }
0x4f: {  	_ =	shalt  }
0x50: {  	_ =	shalt  }
0x51: {  	_ =	shalt  }
0x52: {  	_ =	shalt  }
0x53: {  	_ =	shalt  }
0x54: {  	_ =	shalt  }
0x55: {  	_ =	shalt  }
0x56: {  	_ =	shalt  }
0x57: {  	_ =	shalt  }
0x58: {  	_ =	shalt  }
0x59: {  	_ =	shalt  }
0x5a: {  	_ =	shalt  }
0x5b: {  	_ =	shalt  }
0x5c: {  	_ =	shalt  }
0x5d: {  	_ =	shalt  }
0x5e: {  	_ =	shalt  }
0x5f: {  	_ =	shalt  }
0x60: {  	_ =	shalt  }
0x61: {  	_ =	shalt  }
0x62: {  	_ =	shalt  }
0x63: {  	_ =	shalt  }
0x64: {  	_ =	shalt  }
0x65: {  	_ =	shalt  }
0x66: {  	_ =	shalt  }
0x67: {  	_ =	shalt  }
0x68: {  	_ =	shalt  }
0x69: {  	_ =	shalt  }
0x6a: {  	_ =	shalt  }
0x6b: {  	_ =	shalt  }
0x6c: {  	_ =	shalt  }
0x6d: {  	_ =	shalt  }
0x6e: {  	_ =	shalt  }
0x6f: {  	_ =	shalt  }
0x70: {  	_ =	shalt  }
0x71: {  	_ =	shalt  }
0x72: {  	_ =	shalt  }
0x73: {  	_ =	shalt  }
0x74: {  	_ =	shalt  }
0x75: {  	_ =	shalt  }
0x76: {  	_ =	shalt  }
0x77: {  	_ =	shalt  }
0x78: {  	_ =	shalt  }
0x79: {  	_ =	shalt  }
0x7a: {  	_ =	shalt  }
0x7b: {  	_ =	shalt  }
0x7c: {  	_ =	shalt  }
0x7d: {  	_ =	shalt  }
0x7e: {  	_ =	shalt  }
0x7f: {  	_ =	shalt  }
0x80: {  	_ =	shalt  }
0x81: {  	_ =	shalt  }
0x82: {  	_ =	shalt  }
0x83: {  	_ =	shalt  }
0x84: {  	_ =	shalt  }
0x85: {  	_ =	shalt  }
0x86: {  	_ =	shalt  }
0x87: {  	_ =	shalt  }
.Lfunc_end0:
.L_simem_size_0:
called_computation_lowered:
.L_overlay_start_0:
0x88: {  	s2 =	sld [smem:$0x3FD9]  }
0x89: {  	s3 =	sld [smem:$0x3FFE];
	_ =	sdelay $0x1  }
0x8a: {  	s1 =	srdreg.scid  }
0x8b: {  	s0 =	sand.u32 $0x1, s1  }
0x8c: {  	s14 =	sshll.u32 s0, $0xA;
	s2 =	sadd.s32 s3, s2  }
0x8d: {  	s2 =	sadd.s32 s2, s14  }
0x8e: {  	[smem:$0x3FC4] =	sst s2  }
0x8f: {  	_ = 	snop  }
0x90: {  	s2 =	sld [smem:$0x3FD0];
	_ =	sdelay $0x2  }
0x91: {  	s15 =	simm.s32 $0xA;
	s4 =	simm.s32 $0x10  }
0x92: {  	[smem:s4], [sflag:s15] =	dma.local [hbm:s2], $0x1  }
0x93: {  	_ =	swait.eq [sflag:s15], $0x1  }
0x94: {  	[sflag:s15] =	ssyncset.done $0x0  }
0x95: {  	s16 =	sld [smem:$0x10];
	[sflag:s15] =	ssyncadd.s32 $0xFFFFFFFF  }
0x96: {  	s17 =	sld [smem:$0x11];
	(tm) =	ssettm $0x1  }
0x97: {  	s18 =	sld [smem:$0x3FFB];
	_ =	sdelay $0x3  }
0x98: {  	_ =	strace s18  }
0x99: {  	s4 =	sld [smem:$0x3FFC];
	_ =	sdelay $0x3  }
0x9a: {  	_ =	strace s4  }
0x9b: {  	s4 =	sld [smem:$0x3FFD];
	_ =	sdelay $0x3  }
0x9c: {  	_ =	strace s4  }
0x9d: {  	_ =	strace $0x8FFFFFFF  }
0x9e: {  	s19 =	sld [smem:$0x3FDB];
	_ =	sdelay $0x1  }
0x9f: {  	s5 =	simm.s32 $_scs_section_size  }
0xa0: {  	s6 =	simm.s32 $_size__tile_overlayer_lowered;
	s7 =	simm.s32 $_tile_overlayer_lowered  }
0xa1: {  	s22 =	simm.s32 $0x1BFF;
	s21 =	sshll.u32 s7, $0x1;
	s4 =	sadd.s32 s5, s19  }
0xa2: {  	s8 =	simm.s32 $0x0;
	s20 =	sshll.u32 s6, $0x1;
	s6 =	sadd.s32 s21, s4  }
0xa3: {  	[timem:s8], [sflag:s22] =	dma.local [hbm:s6], s20  }
0xa4: {  	_ =	swait.ge [sflag:s22], s20  }
0xa5: {  	s5 =	ssub.s32 $0x0, s20;
	[sflag:s22] =	ssyncset.done $0x0  }
0xa6: {  	[sflag:s22] =	ssyncadd.s32 s5;
	_ =	sdelay $0x1  }
0xa7: {  	s23 =	simm.s32 $0x1B8B  }
0xa8: {  	_ =	swait.ge [sflag:s23], $0x1  }
0xa9: {  	[sflag:s23] =	ssyncset.done $0x0  }
0xaa: {  	s25 =	simm.s32 $0x1B8E;
	s24 =	sld [smem:$0x3FFE];
	[sflag:s23] =	ssyncadd.s32 $0xFFFFFFFF  }
0xab: {  	s26 =	simm.s32 $execute0_lowered;
	[smem:$0x3FD2] =	sst s25  }
0xac: {  	s6 =	sshll.u32 s26, $0x1;
	_ =	strace $0x80000046;
	[dreg:$0x1] =	wrdreg $0xFFFFFFFF  }
0xad: {  	s28 =	simm.s32 $_size_execute0_lowered;
	s4 =	sadd.s32 s4, s6;
	[dreg:$0x0] =	wrdreg $0x0  }
0xae: {  	s6 =	sshll.u32 s28, $0x1;
	[dreg:$0x2] =	wrdreg s4  }
0xaf: {  	[dreg:$0x3] =	wrdreg s6  }
0xb0: {  	[dreg:$0x4] =	wrdreg $0xC0  }
0xb1: {  	_ =	task [dreg:s8], $0x5FFFF  }
0xb2: {  	[dreg:$0x1] =	wrdreg $0xFFFFFFFF  }
0xb3: {  	[dreg:$0x0] =	wrdreg $0x60  }
0xb4: {  	[dreg:$0x2] =	wrdreg s24  }
0xb5: {  	[dreg:$0x3] =	wrdreg s16  }
0xb6: {  	[dreg:$0x4] =	wrdreg s17  }
0xb7: {  	[dreg:$0x5] =	wrdreg $0x9  }
0xb8: {  	_ =	task.clear_ibuf [dreg:s8], $0x6FFFF;
	_ =	strace $0x90000046  }
0xb9: {  	s29 =	simm.s32 $0x9;
	_ =	strace $0x80000048  }
0xba: {  	_ =	swait.ge [sflag:s29], $0x1  }
0xbb: {  	[sflag:s29] =	ssyncadd.s32 $0xFFFFFFFF  }
0xbc: {  	_ =	strace $0x90000048  }
0xbd: {  	_ =	sfence  }
0xbe: {  	s30 =	sld [smem:$0x0];
	_ =	sdelay $0x2  }
0xbf: {  	s31 =	sshll.u32 s1, $0xD;
	s1 =	sshrl.u32 s1, $0x2  }
0xc0: {  	s3 =	sand.u32 $0x4000, s31;
	s1 =	sadd.s32 s1, s30  }
0xc1: {  	s0 =	sor.u32 s3, s0;
	s1 =	sshll.u32 s1, $0x11  }
0xc2: {  	s0 =	sor.u32 s1, s0  }
0xc3: {  	s0 =	sadd.s32 $0x8F2B, s0  }
0xc4: {  	[sflag:s0] =	ssyncadd.remote.s32 $0x1  }
0xc5: {  	_ =	sfence.sel $0xFFFF  }
0xc6: {  	[dreg:$0x0] =	wrdreg $0xFFFFFFFF;
	(pc) =	sbr.abs _section_cstart, $3  }
0xc7: {  	[dreg:$0x1] =	wrdreg $0xFFFFFFFF  }
0xc8: {  	_ =	task.clear_ibuf [dreg:s8], $0x2FFFF;
	_ =	strace $0x9FFFFFFF  }
0xc9: {  	(tm) =	ssettm $0x7FFFFFFF  }
tec
execute0_lowered:
.L_overlay_start_1:
0x0: {  	(tag) =	ssettag $0x1  }
0x1: {  	s3 =	rddreg [dreg:$0x0]  }
0x2: {  	s4 =	rddreg [dreg:$0x1]  }
0x3: {  	s5 =	rddreg [dreg:$0x2];
	s1 =	stileid.u32  }
0x4: {  	s0 =	rddreg [dreg:$0x3];
	s2 =	simm.s32 $0x0;
	s8 =	srdreg.scid  }
0x5: {  	s6 =	sshrl.u32 s1, $0x2;
	[smem:$0x7FF] =	sst s2;
	s8 =	sand.u32 $0x1, s8  }
0x6: {  	s12 =	sshll.u32 s1, $0x1;
	p0 =	slt.u32 s1, $0x8;
	s30 =	sand.u32 $0x3, s1  }
0x7: {  	s7 =	sshll.u32 s6, $0x9;
	s9 =	sand.u32 $0x1, s6;
	s11 =	ssub.s32 $0x2, s8  }
0x8: {  	s12 =	sand.u32 $0x6, s12;
	_ =	strace $0x80000047;
	s6 =	sshll.u32 s6, $0xF  }
0x9: {  	s31 =	sshll.u32 s30, $0xD;
	s7 =	sadd.s32 s7, s3;
	s10 =	sshll.u32 s9, $0x9  }
0xa: {  	s28 =	sshrl.u32 s11, $0x1;
	s29 =	sor.u32 s8, s12;
	s9 =	sshll.u32 s9, $0xF  }
0xb: {  	s4 =	sadd.s32 s6, s4;
	s8 =	sshll.u32 s8, $0xC;
	s3 =	sadd.s32 s10, s3  }
0xc: {  	s10 =	ssub.s32 s11, s28;
	s11 =	sshll.u32 s29, $0x6;
	s7 =	sadd.s32 $0x1400, s7  }
0xd: {  	s5 =	sadd.s32 s9, s5;
	s12 =	sadd.s32 $0x1800, s3;
	s3 =	smax.u32 s10, $0x1  }
0xe: {  	s6 =	sadd.s32 s31, s5;
	s12 =	smov.u32 @p0 s7;
	s7 =	sadd.s32 s31, s4  }
0xf: {  	v0 =	vlaneseq.u32;
	s6 =	sadd.s32 s8, s6;
	p0 =	sgt.u32 s1, $0x7;
	s4 =	sadd.s32 s11, s12  }
0x10: {  	v0 =	vshrl.u32 v0, $0x3;
	s5 =	sadd.s32 s8, s7;
	s7 =	simm.s32 $0x1;
	s8 =	simm.s32 $0x0  }
.LBB2_1:
0x11: {  	[tilespmem:s2], [sflag:$0x1] =	stream.linear.gather [hbm4b:s4+s2], $0x200, $0x38;
	[tilespmem:$0x1200] =	vst v63  }
0x12: {  	_ =	swait.ge [sflag:s7], $0x200  }
0x13: {  	s9 =	simm.s32 $0x3E;
	[sflag:s7] =	ssyncset.done $0x0  }
0x14: {  	s10 =	smov.u32 s6;
	s11 =	smov.u32 s5;
	[sflag:s7] =	ssyncadd.s32 $0xFFFFFE00  }
.LBB2_2:
0x15: {  	s12 =	sadd.s32 $0xFFFFFFC2, s9  }
0x16: {  	v1 =	vor.u32 s12, v0;
	_ =	sdelay $0x4  }
0x17: {  	v1 =	vld.idx.msk [tilespmem:v1+s2+$0x0], $0xffff;
	_ =	sdelay $0x4  }
0x18: {  	[tilespmem:$0x200] =	vst v1  }
0x19: {  	[tilespmem:$0x280] =	vst v1  }
0x1a: {  	s19 =	sadd.s32 $0xFFFFFFC4, s9;
	[tilespmem:$0x300] =	vst v1  }
0x1b: {  	v2 =	vor.u32 s19, v0;
	[tilespmem:$0x380] =	vst v1  }
0x1c: {  	[tilespmem:$0x400] =	vst v1  }
0x1d: {  	[tilespmem:$0x480] =	vst v1  }
0x1e: {  	[tilespmem:$0x500] =	vst v1  }
0x1f: {  	[tilespmem:$0x580] =	vst v1  }
0x20: {  	v1 =	vld.idx.msk [tilespmem:v2+s2+$0x0], $0xffff;
	_ =	sdelay $0x4  }
0x21: {  	[tilespmem:$0x210] =	vst v1  }
0x22: {  	[tilespmem:$0x290] =	vst v1  }
0x23: {  	s20 =	sadd.s32 $0xFFFFFFC6, s9;
	[tilespmem:$0x310] =	vst v1  }
0x24: {  	v2 =	vor.u32 s20, v0;
	[tilespmem:$0x390] =	vst v1  }
0x25: {  	[tilespmem:$0x410] =	vst v1  }
0x26: {  	[tilespmem:$0x490] =	vst v1  }
0x27: {  	[tilespmem:$0x510] =	vst v1  }
0x28: {  	[tilespmem:$0x590] =	vst v1  }
0x29: {  	v1 =	vld.idx.msk [tilespmem:v2+s2+$0x0], $0xffff;
	_ =	sdelay $0x4  }
0x2a: {  	[tilespmem:$0x220] =	vst v1  }
0x2b: {  	[tilespmem:$0x2A0] =	vst v1  }
0x2c: {  	s21 =	sadd.s32 $0xFFFFFFC8, s9;
	[tilespmem:$0x320] =	vst v1  }
0x2d: {  	v2 =	vor.u32 s21, v0;
	[tilespmem:$0x3A0] =	vst v1  }
0x2e: {  	[tilespmem:$0x420] =	vst v1  }
0x2f: {  	[tilespmem:$0x4A0] =	vst v1  }
0x30: {  	[tilespmem:$0x520] =	vst v1  }
0x31: {  	[tilespmem:$0x5A0] =	vst v1  }
0x32: {  	v1 =	vld.idx.msk [tilespmem:v2+s2+$0x0], $0xffff;
	_ =	sdelay $0x4  }
0x33: {  	[tilespmem:$0x230] =	vst v1  }
0x34: {  	[tilespmem:$0x2B0] =	vst v1  }
0x35: {  	s22 =	sadd.s32 $0xFFFFFFCA, s9;
	[tilespmem:$0x330] =	vst v1  }
0x36: {  	v2 =	vor.u32 s22, v0;
	[tilespmem:$0x3B0] =	vst v1  }
0x37: {  	[tilespmem:$0x430] =	vst v1  }
0x38: {  	[tilespmem:$0x4B0] =	vst v1  }
0x39: {  	[tilespmem:$0x530] =	vst v1  }
0x3a: {  	[tilespmem:$0x5B0] =	vst v1  }
0x3b: {  	v1 =	vld.idx.msk [tilespmem:v2+s2+$0x0], $0xffff;
	_ =	sdelay $0x4  }
0x3c: {  	[tilespmem:$0x240] =	vst v1  }
0x3d: {  	[tilespmem:$0x2C0] =	vst v1  }
0x3e: {  	s23 =	sadd.s32 $0xFFFFFFCC, s9;
	[tilespmem:$0x340] =	vst v1  }
0x3f: {  	v2 =	vor.u32 s23, v0;
	[tilespmem:$0x3C0] =	vst v1  }
0x40: {  	[tilespmem:$0x440] =	vst v1  }
0x41: {  	[tilespmem:$0x4C0] =	vst v1  }
0x42: {  	[tilespmem:$0x540] =	vst v1  }
0x43: {  	[tilespmem:$0x5C0] =	vst v1  }
0x44: {  	v1 =	vld.idx.msk [tilespmem:v2+s2+$0x0], $0xffff;
	_ =	sdelay $0x4  }
0x45: {  	[tilespmem:$0x250] =	vst v1  }
0x46: {  	[tilespmem:$0x2D0] =	vst v1  }
0x47: {  	s24 =	sadd.s32 $0xFFFFFFCE, s9;
	[tilespmem:$0x350] =	vst v1  }
0x48: {  	v2 =	vor.u32 s24, v0;
	[tilespmem:$0x3D0] =	vst v1  }
0x49: {  	[tilespmem:$0x450] =	vst v1  }
0x4a: {  	[tilespmem:$0x4D0] =	vst v1  }
0x4b: {  	[tilespmem:$0x550] =	vst v1  }
0x4c: {  	[tilespmem:$0x5D0] =	vst v1  }
0x4d: {  	v1 =	vld.idx.msk [tilespmem:v2+s2+$0x0], $0xffff;
	_ =	sdelay $0x4  }
0x4e: {  	[tilespmem:$0x260] =	vst v1  }
0x4f: {  	[tilespmem:$0x2E0] =	vst v1  }
0x50: {  	s25 =	sadd.s32 $0xFFFFFFD0, s9;
	[tilespmem:$0x360] =	vst v1  }
0x51: {  	v2 =	vor.u32 s25, v0;
	[tilespmem:$0x3E0] =	vst v1  }
0x52: {  	[tilespmem:$0x460] =	vst v1  }
0x53: {  	[tilespmem:$0x4E0] =	vst v1  }
0x54: {  	[tilespmem:$0x560] =	vst v1  }
0x55: {  	[tilespmem:$0x5E0] =	vst v1  }
0x56: {  	v1 =	vld.idx.msk [tilespmem:v2+s2+$0x0], $0xffff;
	_ =	sdelay $0x4  }
0x57: {  	[tilespmem:$0x270] =	vst v1  }
0x58: {  	[tilespmem:$0x2F0] =	vst v1  }
0x59: {  	s26 =	sadd.s32 $0xFFFFFFD2, s9;
	[tilespmem:$0x370] =	vst v1  }
0x5a: {  	v2 =	vor.u32 s26, v0;
	[tilespmem:$0x3F0] =	vst v1  }
0x5b: {  	[tilespmem:$0x470] =	vst v1  }
0x5c: {  	[tilespmem:$0x4F0] =	vst v1  }
0x5d: {  	[tilespmem:$0x570] =	vst v1  }
0x5e: {  	[tilespmem:$0x5F0] =	vst v1  }
0x5f: {  	v1 =	vld.idx.msk [tilespmem:v2+s2+$0x0], $0xffff;
	_ =	sdelay $0x4  }
0x60: {  	[tilespmem:$0x600] =	vst v1  }
0x61: {  	[tilespmem:$0x680] =	vst v1  }
0x62: {  	s28 =	sadd.s32 $0xFFFFFFD4, s9;
	[tilespmem:$0x700] =	vst v1  }
0x63: {  	v2 =	vor.u32 s28, v0;
	[tilespmem:$0x780] =	vst v1  }
0x64: {  	[tilespmem:$0x800] =	vst v1  }
0x65: {  	[tilespmem:$0x880] =	vst v1  }
0x66: {  	[tilespmem:$0x900] =	vst v1  }
0x67: {  	[tilespmem:$0x980] =	vst v1  }
0x68: {  	v1 =	vld.idx.msk [tilespmem:v2+s2+$0x0], $0xffff;
	_ =	sdelay $0x4  }
0x69: {  	[tilespmem:$0x610] =	vst v1  }
0x6a: {  	[tilespmem:$0x690] =	vst v1  }
0x6b: {  	s29 =	sadd.s32 $0xFFFFFFD6, s9;
	[tilespmem:$0x710] =	vst v1  }
0x6c: {  	v2 =	vor.u32 s29, v0;
	[tilespmem:$0x790] =	vst v1  }
0x6d: {  	[tilespmem:$0x810] =	vst v1  }
0x6e: {  	[tilespmem:$0x890] =	vst v1  }
0x6f: {  	[tilespmem:$0x910] =	vst v1  }
0x70: {  	[tilespmem:$0x990] =	vst v1  }
0x71: {  	v1 =	vld.idx.msk [tilespmem:v2+s2+$0x0], $0xffff;
	_ =	sdelay $0x4  }
0x72: {  	[tilespmem:$0x620] =	vst v1  }
0x73: {  	[tilespmem:$0x6A0] =	vst v1  }
0x74: {  	s30 =	sadd.s32 $0xFFFFFFD8, s9;
	[tilespmem:$0x720] =	vst v1  }
0x75: {  	v2 =	vor.u32 s30, v0;
	[tilespmem:$0x7A0] =	vst v1  }
0x76: {  	[tilespmem:$0x820] =	vst v1  }
0x77: {  	[tilespmem:$0x8A0] =	vst v1  }
0x78: {  	[tilespmem:$0x920] =	vst v1  }
0x79: {  	[tilespmem:$0x9A0] =	vst v1  }
0x7a: {  	v1 =	vld.idx.msk [tilespmem:v2+s2+$0x0], $0xffff;
	_ =	sdelay $0x4  }
0x7b: {  	[tilespmem:$0x630] =	vst v1  }
0x7c: {  	[tilespmem:$0x6B0] =	vst v1  }
0x7d: {  	s31 =	sadd.s32 $0xFFFFFFDA, s9;
	[tilespmem:$0x730] =	vst v1  }
0x7e: {  	v2 =	vor.u32 s31, v0;
	[tilespmem:$0x7B0] =	vst v1  }
0x7f: {  	[tilespmem:$0x830] =	vst v1  }
0x80: {  	[tilespmem:$0x8B0] =	vst v1  }
0x81: {  	[tilespmem:$0x930] =	vst v1  }
0x82: {  	[tilespmem:$0x9B0] =	vst v1  }
0x83: {  	v1 =	vld.idx.msk [tilespmem:v2+s2+$0x0], $0xffff;
	_ =	sdelay $0x4  }
0x84: {  	[tilespmem:$0x640] =	vst v1  }
0x85: {  	[tilespmem:$0x6C0] =	vst v1  }
0x86: {  	s13 =	sadd.s32 $0xFFFFFFDC, s9;
	[tilespmem:$0x740] =	vst v1  }
0x87: {  	v2 =	vor.u32 s13, v0;
	[tilespmem:$0x7C0] =	vst v1  }
0x88: {  	[tilespmem:$0x840] =	vst v1  }
0x89: {  	[tilespmem:$0x8C0] =	vst v1  }
0x8a: {  	[tilespmem:$0x940] =	vst v1  }
0x8b: {  	[tilespmem:$0x9C0] =	vst v1  }
0x8c: {  	v1 =	vld.idx.msk [tilespmem:v2+s2+$0x0], $0xffff;
	_ =	sdelay $0x4  }
0x8d: {  	[tilespmem:$0x650] =	vst v1  }
0x8e: {  	[tilespmem:$0x6D0] =	vst v1  }
0x8f: {  	s14 =	sadd.s32 $0xFFFFFFDE, s9;
	[tilespmem:$0x750] =	vst v1  }
0x90: {  	v2 =	vor.u32 s14, v0;
	[tilespmem:$0x7D0] =	vst v1  }
0x91: {  	[tilespmem:$0x850] =	vst v1  }
0x92: {  	[tilespmem:$0x8D0] =	vst v1  }
0x93: {  	[tilespmem:$0x950] =	vst v1  }
0x94: {  	[tilespmem:$0x9D0] =	vst v1  }
0x95: {  	v1 =	vld.idx.msk [tilespmem:v2+s2+$0x0], $0xffff;
	_ =	sdelay $0x4  }
0x96: {  	[tilespmem:$0x660] =	vst v1  }
0x97: {  	[tilespmem:$0x6E0] =	vst v1  }
0x98: {  	s15 =	sadd.s32 $0xFFFFFFE0, s9;
	[tilespmem:$0x760] =	vst v1  }
0x99: {  	v2 =	vor.u32 s15, v0;
	[tilespmem:$0x7E0] =	vst v1  }
0x9a: {  	[tilespmem:$0x860] =	vst v1  }
0x9b: {  	[tilespmem:$0x8E0] =	vst v1  }
0x9c: {  	[tilespmem:$0x960] =	vst v1  }
0x9d: {  	[tilespmem:$0x9E0] =	vst v1  }
0x9e: {  	v1 =	vld.idx.msk [tilespmem:v2+s2+$0x0], $0xffff;
	_ =	sdelay $0x4  }
0x9f: {  	[tilespmem:$0x670] =	vst v1  }
0xa0: {  	[tilespmem:$0x6F0] =	vst v1  }
0xa1: {  	s16 =	sadd.s32 $0xFFFFFFE2, s9;
	[tilespmem:$0x770] =	vst v1  }
0xa2: {  	v2 =	vor.u32 s16, v0;
	[tilespmem:$0x7F0] =	vst v1  }
0xa3: {  	[tilespmem:$0x870] =	vst v1  }
0xa4: {  	[tilespmem:$0x8F0] =	vst v1  }
0xa5: {  	[tilespmem:$0x970] =	vst v1  }
0xa6: {  	[tilespmem:$0x9F0] =	vst v1  }
0xa7: {  	v1 =	vld.idx.msk [tilespmem:v2+s2+$0x0], $0xffff;
	_ =	sdelay $0x4  }
0xa8: {  	[tilespmem:$0xA00] =	vst v1  }
0xa9: {  	[tilespmem:$0xA80] =	vst v1  }
0xaa: {  	s17 =	sadd.s32 $0xFFFFFFE4, s9;
	[tilespmem:$0xB00] =	vst v1  }
0xab: {  	v2 =	vor.u32 s17, v0;
	[tilespmem:$0xB80] =	vst v1  }
0xac: {  	[tilespmem:$0xC00] =	vst v1  }
0xad: {  	[tilespmem:$0xC80] =	vst v1  }
0xae: {  	[tilespmem:$0xD00] =	vst v1  }
0xaf: {  	[tilespmem:$0xD80] =	vst v1  }
0xb0: {  	v1 =	vld.idx.msk [tilespmem:v2+s2+$0x0], $0xffff;
	_ =	sdelay $0x4  }
0xb1: {  	[tilespmem:$0xA10] =	vst v1  }
0xb2: {  	[tilespmem:$0xA90] =	vst v1  }
0xb3: {  	s18 =	sadd.s32 $0xFFFFFFE6, s9;
	[tilespmem:$0xB10] =	vst v1  }
0xb4: {  	v2 =	vor.u32 s18, v0;
	[tilespmem:$0xB90] =	vst v1  }
0xb5: {  	[tilespmem:$0xC10] =	vst v1  }
0xb6: {  	[tilespmem:$0xC90] =	vst v1  }
0xb7: {  	[tilespmem:$0xD10] =	vst v1  }
0xb8: {  	[tilespmem:$0xD90] =	vst v1  }
0xb9: {  	v1 =	vld.idx.msk [tilespmem:v2+s2+$0x0], $0xffff;
	_ =	sdelay $0x4  }
0xba: {  	[tilespmem:$0xA20] =	vst v1  }
0xbb: {  	[tilespmem:$0xAA0] =	vst v1  }
0xbc: {  	s19 =	sadd.s32 $0xFFFFFFE8, s9;
	[tilespmem:$0xB20] =	vst v1  }
0xbd: {  	v2 =	vor.u32 s19, v0;
	[tilespmem:$0xBA0] =	vst v1  }
0xbe: {  	[tilespmem:$0xC20] =	vst v1  }
0xbf: {  	[tilespmem:$0xCA0] =	vst v1  }
0xc0: {  	[tilespmem:$0xD20] =	vst v1  }
0xc1: {  	[tilespmem:$0xDA0] =	vst v1  }
0xc2: {  	v1 =	vld.idx.msk [tilespmem:v2+s2+$0x0], $0xffff;
	_ =	sdelay $0x4  }
0xc3: {  	[tilespmem:$0xA30] =	vst v1  }
0xc4: {  	[tilespmem:$0xAB0] =	vst v1  }
0xc5: {  	s20 =	sadd.s32 $0xFFFFFFEA, s9;
	[tilespmem:$0xB30] =	vst v1  }
0xc6: {  	v2 =	vor.u32 s20, v0;
	[tilespmem:$0xBB0] =	vst v1  }
0xc7: {  	[tilespmem:$0xC30] =	vst v1  }
0xc8: {  	[tilespmem:$0xCB0] =	vst v1  }
0xc9: {  	[tilespmem:$0xD30] =	vst v1  }
0xca: {  	[tilespmem:$0xDB0] =	vst v1  }
0xcb: {  	v1 =	vld.idx.msk [tilespmem:v2+s2+$0x0], $0xffff;
	_ =	sdelay $0x4  }
0xcc: {  	[tilespmem:$0xA40] =	vst v1  }
0xcd: {  	[tilespmem:$0xAC0] =	vst v1  }
0xce: {  	s21 =	sadd.s32 $0xFFFFFFEC, s9;
	[tilespmem:$0xB40] =	vst v1  }
0xcf: {  	v2 =	vor.u32 s21, v0;
	[tilespmem:$0xBC0] =	vst v1  }
0xd0: {  	[tilespmem:$0xC40] =	vst v1  }
0xd1: {  	[tilespmem:$0xCC0] =	vst v1  }
0xd2: {  	[tilespmem:$0xD40] =	vst v1  }
0xd3: {  	[tilespmem:$0xDC0] =	vst v1  }
0xd4: {  	v1 =	vld.idx.msk [tilespmem:v2+s2+$0x0], $0xffff;
	_ =	sdelay $0x4  }
0xd5: {  	[tilespmem:$0xA50] =	vst v1  }
0xd6: {  	[tilespmem:$0xAD0] =	vst v1  }
0xd7: {  	s22 =	sadd.s32 $0xFFFFFFEE, s9;
	[tilespmem:$0xB50] =	vst v1  }
0xd8: {  	v2 =	vor.u32 s22, v0;
	[tilespmem:$0xBD0] =	vst v1  }
0xd9: {  	[tilespmem:$0xC50] =	vst v1  }
0xda: {  	[tilespmem:$0xCD0] =	vst v1  }
0xdb: {  	[tilespmem:$0xD50] =	vst v1  }
0xdc: {  	[tilespmem:$0xDD0] =	vst v1  }
0xdd: {  	v1 =	vld.idx.msk [tilespmem:v2+s2+$0x0], $0xffff;
	_ =	sdelay $0x4  }
0xde: {  	[tilespmem:$0xA60] =	vst v1  }
0xdf: {  	[tilespmem:$0xAE0] =	vst v1  }
0xe0: {  	s23 =	sadd.s32 $0xFFFFFFF0, s9;
	[tilespmem:$0xB60] =	vst v1  }
0xe1: {  	v2 =	vor.u32 s23, v0;
	[tilespmem:$0xBE0] =	vst v1  }
0xe2: {  	[tilespmem:$0xC60] =	vst v1  }
0xe3: {  	[tilespmem:$0xCE0] =	vst v1  }
0xe4: {  	[tilespmem:$0xD60] =	vst v1  }
0xe5: {  	[tilespmem:$0xDE0] =	vst v1  }
0xe6: {  	v1 =	vld.idx.msk [tilespmem:v2+s2+$0x0], $0xffff;
	_ =	sdelay $0x4  }
0xe7: {  	[tilespmem:$0xA70] =	vst v1  }
0xe8: {  	[tilespmem:$0xAF0] =	vst v1  }
0xe9: {  	s24 =	sadd.s32 $0xFFFFFFF2, s9;
	[tilespmem:$0xB70] =	vst v1  }
0xea: {  	v2 =	vor.u32 s24, v0;
	[tilespmem:$0xBF0] =	vst v1  }
0xeb: {  	[tilespmem:$0xC70] =	vst v1  }
0xec: {  	[tilespmem:$0xCF0] =	vst v1  }
0xed: {  	[tilespmem:$0xD70] =	vst v1  }
0xee: {  	[tilespmem:$0xDF0] =	vst v1  }
0xef: {  	v1 =	vld.idx.msk [tilespmem:v2+s2+$0x0], $0xffff;
	_ =	sdelay $0x4  }
0xf0: {  	[tilespmem:$0xE00] =	vst v1  }
0xf1: {  	[tilespmem:$0xE80] =	vst v1  }
0xf2: {  	s25 =	sadd.s32 $0xFFFFFFF4, s9;
	[tilespmem:$0xF00] =	vst v1  }
0xf3: {  	v2 =	vor.u32 s25, v0;
	[tilespmem:$0xF80] =	vst v1  }
0xf4: {  	[tilespmem:$0x1000] =	vst v1  }
0xf5: {  	[tilespmem:$0x1080] =	vst v1  }
0xf6: {  	[tilespmem:$0x1100] =	vst v1  }
0xf7: {  	[tilespmem:$0x1180] =	vst v1  }
0xf8: {  	v1 =	vld.idx.msk [tilespmem:v2+s2+$0x0], $0xffff;
	_ =	sdelay $0x4  }
0xf9: {  	[tilespmem:$0xE10] =	vst v1  }
0xfa: {  	[tilespmem:$0xE90] =	vst v1  }
0xfb: {  	s26 =	sadd.s32 $0xFFFFFFF6, s9;
	[tilespmem:$0xF10] =	vst v1  }
0xfc: {  	v2 =	vor.u32 s26, v0;
	[tilespmem:$0xF90] =	vst v1  }
0xfd: {  	[tilespmem:$0x1010] =	vst v1  }
0xfe: {  	[tilespmem:$0x1090] =	vst v1  }
0xff: {  	[tilespmem:$0x1110] =	vst v1  }
0x100: {  	[tilespmem:$0x1190] =	vst v1  }
0x101: {  	v1 =	vld.idx.msk [tilespmem:v2+s2+$0x0], $0xffff;
	_ =	sdelay $0x4  }
0x102: {  	[tilespmem:$0xE20] =	vst v1  }
0x103: {  	[tilespmem:$0xEA0] =	vst v1  }
0x104: {  	s28 =	sadd.s32 $0xFFFFFFF8, s9;
	[tilespmem:$0xF20] =	vst v1  }
0x105: {  	v2 =	vor.u32 s28, v0;
	[tilespmem:$0xFA0] =	vst v1  }
0x106: {  	[tilespmem:$0x1020] =	vst v1  }
0x107: {  	[tilespmem:$0x10A0] =	vst v1  }
0x108: {  	[tilespmem:$0x1120] =	vst v1  }
0x109: {  	[tilespmem:$0x11A0] =	vst v1  }
0x10a: {  	v1 =	vld.idx.msk [tilespmem:v2+s2+$0x0], $0xffff;
	_ =	sdelay $0x4  }
0x10b: {  	[tilespmem:$0xE30] =	vst v1  }
0x10c: {  	[tilespmem:$0xEB0] =	vst v1  }
0x10d: {  	s29 =	sadd.s32 $0xFFFFFFFA, s9;
	[tilespmem:$0xF30] =	vst v1  }
0x10e: {  	v2 =	vor.u32 s29, v0;
	[tilespmem:$0xFB0] =	vst v1  }
0x10f: {  	[tilespmem:$0x1030] =	vst v1  }
0x110: {  	[tilespmem:$0x10B0] =	vst v1  }
0x111: {  	[tilespmem:$0x1130] =	vst v1  }
0x112: {  	[tilespmem:$0x11B0] =	vst v1  }
0x113: {  	v1 =	vld.idx.msk [tilespmem:v2+s2+$0x0], $0xffff;
	_ =	sdelay $0x4  }
0x114: {  	[tilespmem:$0xE40] =	vst v1  }
0x115: {  	[tilespmem:$0xEC0] =	vst v1  }
0x116: {  	s30 =	sadd.s32 $0xFFFFFFFC, s9;
	[tilespmem:$0xF40] =	vst v1  }
0x117: {  	v2 =	vor.u32 s30, v0;
	[tilespmem:$0xFC0] =	vst v1  }
0x118: {  	[tilespmem:$0x1040] =	vst v1  }
0x119: {  	[tilespmem:$0x10C0] =	vst v1  }
0x11a: {  	[tilespmem:$0x1140] =	vst v1  }
0x11b: {  	[tilespmem:$0x11C0] =	vst v1  }
0x11c: {  	v1 =	vld.idx.msk [tilespmem:v2+s2+$0x0], $0xffff;
	_ =	sdelay $0x4  }
0x11d: {  	[tilespmem:$0xE50] =	vst v1  }
0x11e: {  	[tilespmem:$0xED0] =	vst v1  }
0x11f: {  	s31 =	sadd.s32 $0xFFFFFFFE, s9;
	[tilespmem:$0xF50] =	vst v1  }
0x120: {  	v2 =	vor.u32 s31, v0;
	[tilespmem:$0xFD0] =	vst v1  }
0x121: {  	[tilespmem:$0x1050] =	vst v1  }
0x122: {  	[tilespmem:$0x10D0] =	vst v1  }
0x123: {  	[tilespmem:$0x1150] =	vst v1  }
0x124: {  	[tilespmem:$0x11D0] =	vst v1  }
0x125: {  	v1 =	vld.idx.msk [tilespmem:v2+s2+$0x0], $0xffff;
	_ =	sdelay $0x4  }
0x126: {  	[tilespmem:$0xE60] =	vst v1  }
0x127: {  	[tilespmem:$0xEE0] =	vst v1  }
0x128: {  	[tilespmem:$0xF60] =	vst v1  }
0x129: {  	v2 =	vor.u32 s9, v0;
	[tilespmem:$0xFE0] =	vst v1  }
0x12a: {  	[tilespmem:$0x1060] =	vst v1  }
0x12b: {  	[tilespmem:$0x10E0] =	vst v1  }
0x12c: {  	[tilespmem:$0x1160] =	vst v1  }
0x12d: {  	[tilespmem:$0x11E0] =	vst v1  }
0x12e: {  	v1 =	vld.idx.msk [tilespmem:v2+s2+$0x0], $0xffff;
	_ =	sdelay $0x4  }
0x12f: {  	[tilespmem:$0xE70] =	vst v1  }
0x130: {  	[tilespmem:$0xEF0] =	vst v1  }
0x131: {  	[tilespmem:$0xF70] =	vst v1  }
0x132: {  	[tilespmem:$0xFF0] =	vst v1  }
0x133: {  	[tilespmem:$0x1070] =	vst v1  }
0x134: {  	[tilespmem:$0x10F0] =	vst v1  }
0x135: {  	[tilespmem:$0x1170] =	vst v1  }
0x136: {  	s12 =	simm.s32 @p0 $0x0;
	s13 =	simm.s32 @p0 $0x200;
	[tilespmem:$0x11F0] =	vst v1  }
0x137: {  	[hbm4b:s10+s12] =	stream.linear.scatter @p0 [tilespmem:s13], [sflag:$0x1], $0x1000, $0x38;
	[tilespmem:$0x1200] =	vst v63  }
0x138: {  	s12 =	simm.s32 @p0 $0x1  }
0x139: {  	s9 =	sadd.s32 $0x40, s9;
	_ =	swait.ge @p0 [sflag:s12], $0x1000  }
0x13a: {  	p1 =	sne.s32 s9, $0x23E;
	[sflag:s12] =	ssyncset.done @p0 $0x0  }
0x13b: {  	s13 =	simm.s32 @!p0 $0x200;
	[sflag:s12] =	ssyncadd.s32 @p0 $0xFFFFF000;
	s12 =	simm.s32 @!p0 $0x0  }
0x13c: {  	[hbm4b:s11+s12] =	stream.linear.scatter @!p0 [tilespmem:s13], [sflag:$0x2], $0x1000, $0x38;
	[tilespmem:$0x1200] =	vst v63  }
.Ltmp0:
0x13d: {  	_ = 	snop;
	(pc) =	sbr.rel @p1 .LBB2_2-.Ltmp0, $4  }
0x13e: {  	s12 =	simm.s32 @!p0 $0x2  }
0x13f: {  	_ =	swait.ge @!p0 [sflag:s12], $0x1000  }
0x140: {  	[sflag:s12] =	ssyncset.done @!p0 $0x0  }
0x141: {  	s10 =	sadd.s32 $0x200, s10;
	s11 =	sadd.s32 $0x200, s11;
	[sflag:s12] =	ssyncadd.s32 @!p0 $0xFFFFF000  }
0x142: {  	s8 =	sadd.s32 $0x1, s8  }
0x143: {  	p1 =	sne.s32 s8, s3  }
.Ltmp1:
0x144: {  	_ = 	snop;
	(pc) =	sbr.rel @p1 .LBB2_1-.Ltmp1, $1  }
0x145: {  	_ =	sdelay $0x3  }
0x146: {  	_ =	sfence.sel $0x180000  }
0x147: {  	[bflag:$0x0] =	sbarrier.arrive $0xFFFF  }
0x148: {  	p0 =	sne.s32 s1, $0x0;
	_ =	strace $0x90000047  }
0x149: {  	s0 =	sadd.s32 @!p0 $0x100000, s0;
	[bflag:$0x2] =	sbarrier.arrive $0xFFFF  }
0x14a: {  	[sflag:s0] =	ssyncadd.tile.s32 @!p0 $0x1;
	_ =	shalt  }
.Lfunc_end2:
_tile_overlayer_lowered:
.L_overlay_start_2:
0x14b: {  	(tag) =	ssettag $0x2  }
0x14c: {  	s0 =	rddreg [dreg:$0x0];
	s2 =	stileid.u32  }
0x14d: {  	s1 =	rddreg [dreg:$0x1];
	p0 =	sne.s32 s2, $0x0  }
0x14e: {  	s3 =	rddreg [dreg:$0x2];
	[bflag:$0x3] =	sbarrier.arrive $0xFFFF;
	s2 =	simm.s32 @!p0 $0x1C01  }
0x14f: {  	[timem:s3], [sflag:s2] =	dma.local @!p0 [hbm:s0], s1  }
0x150: {  	s0 =	simm.s32 @!p0 $0x1  }
0x151: {  	_ =	swait.ge @!p0 [sflag:s0], s1  }
0x152: {  	s1 =	ssub.s32 @!p0 $0x0, s1;
	[sflag:s0] =	ssyncset.done @!p0 $0x0  }
0x153: {  	[sflag:s0] =	ssyncadd.s32 @!p0 s1  }
0x154: {  	[bflag:$0x3] =	sbarrier.arrive $0xFFFF  }
0x155: {  	_ =	shalt  }

</sc_bundles>
